<compile_context>
chip_gen: v7x
topology: tpu7x:2x2x1
jax: 0.10.2.dev20260603
libtpu: 0.0.44.dev20260713+nightly
codegen_flags: <defaults>
</compile_context>

<pallas_src>
import functools

import jax
import jax.numpy as jnp
from jax import lax
from jax.experimental import pallas as pl
from jax.experimental.pallas import tpu as pltpu
from jax.experimental.pallas import tpu_sc as plsc

_BATCH = 1024
_SEQ = 200
_DIM = 128
_NROWS = _BATCH * _SEQ

_NC = 2
_NS = 16
_NW = _NC * _NS
_LANES = 16

_B_PER_W = _NROWS // _NW
_CHUNK = 64
_NCHUNK = _B_PER_W // _CHUNK
_NBUF = 10
_LOOKAHEAD = 4
_NROUND = _NCHUNK // _NBUF


def _gather_kernel(idx_hbm, seq_hbm, table_hbm, out_hbm,
                   idx_v, seq_v, rows_v, gsems, wsems):
    wid = lax.axis_index("s") * _NC + lax.axis_index("c")
    base = wid * _B_PER_W

    pltpu.sync_copy(idx_hbm.at[pl.ds(base, _B_PER_W)], idx_v)
    pltpu.sync_copy(seq_hbm, seq_v)
    seq16 = seq_v[...]
    lane = lax.iota(jnp.int32, 16)

    def _fix_chunk(c):
        coff = c * _CHUNK
        for v in range(_CHUNK // _LANES):
            off = coff + v * _LANES
            raw = idx_v[pl.ds(off, _LANES)]
            pos = lax.rem(off + lane, _SEQ)
            idx_v[pl.ds(off, _LANES)] = jnp.where(pos < seq16, raw + 1, 0)

    def _issue_gather(g, b):
        off = pl.multiple_of(g * _CHUNK, 8)
        pltpu.async_copy(table_hbm.at[idx_v.at[pl.ds(off, _CHUNK)]],
                         rows_v.at[b], gsems[b])

    def _wait_gather(b):
        pltpu.make_async_copy(table_hbm.at[idx_v.at[pl.ds(0, _CHUNK)]],
                              rows_v.at[b], gsems[b]).wait()

    def _issue_wb(g, b):
        pltpu.async_copy(rows_v.at[b], out_hbm.at[pl.ds(base + g * _CHUNK, _CHUNK)],
                         wsems[b])

    def _wait_wb(b):
        pltpu.make_async_copy(rows_v.at[b], out_hbm.at[pl.ds(base, _CHUNK)],
                              wsems[b]).wait()

    def _prime(c, _):
        _fix_chunk(c)
        return 0

    lax.fori_loop(0, _LOOKAHEAD, _prime, 0)
    for b in range(_LOOKAHEAD):
        _issue_gather(b, b)

    def _round(o, _):
        g0 = o * _NBUF
        for j in range(_NBUF):
            g = g0 + j
            b = j
            bn = (j + _LOOKAHEAD) % _NBUF

            @pl.when(g + _LOOKAHEAD >= _NBUF)
            def _():
                _wait_wb(bn)

            @pl.when(g + _LOOKAHEAD < _NCHUNK)
            def _():
                _fix_chunk(g + _LOOKAHEAD)
                _issue_gather(g + _LOOKAHEAD, bn)

            _wait_gather(b)
            _issue_wb(g, b)
        return 0

    lax.fori_loop(0, _NROUND, _round, 0)

    for c in range(_NCHUNK - (_NBUF - _LOOKAHEAD), _NCHUNK):
        _wait_wb(c % _NBUF)


@functools.partial(
    pl.kernel,
    mesh=plsc.VectorSubcoreMesh(core_axis_name="c", subcore_axis_name="s"),
    out_type=jax.ShapeDtypeStruct((_NROWS, _DIM), jnp.float32),
    scratch_types=[
        pltpu.VMEM((_B_PER_W,), jnp.int32),
        pltpu.VMEM((16,), jnp.int32),
        pltpu.VMEM((_NBUF, _CHUNK, _DIM), jnp.float32),
    ] + [pltpu.SemaphoreType.DMA] * (2 * _NBUF),
)
def _embed_lookup(idx_hbm, seq_hbm, table_hbm, out_hbm, idx_v, seq_v, rows_v,
                  *sems):
    _gather_kernel(idx_hbm, seq_hbm, table_hbm, out_hbm,
                   idx_v, seq_v, rows_v, list(sems[:_NBUF]), list(sems[_NBUF:]))


def kernel(text, seq_len, text_embed, text_embed_ko):
    idx = text[:, :_SEQ].reshape(-1).astype(jnp.int32)
    seq16 = jnp.full((16,), seq_len, dtype=jnp.int32)
    out = _embed_lookup(idx, seq16, text_embed_ko)
    return out.reshape(_BATCH, _SEQ, _DIM)

# --- scband reference (transcript-rebuilt; emitter-appended) ---
"""Pipeline reference for scband-text-embedding-86603720557096 (READ-ONLY COPY).

The authoritative reference and input builder live on the scoring server;
editing this copy changes nothing except your own understanding.
"""

import jax, jax.numpy as jnp
import numpy as np

TEXT_NUM_EMBEDS = 100000
TEXT_DIM = 128
BATCH = 1024
NT = 200
SEQ_LEN = 200
ALPHA = 1  # ko=True


def setup_inputs(seed: int = 0) -> dict:
    key = jax.random.key(seed)
    k1, k2, k3 = jax.random.split(key, 3)
    text = jax.random.randint(k1, (BATCH, NT), 0, TEXT_NUM_EMBEDS, dtype=jnp.int64 if jax.config.jax_enable_x64 else jnp.int32)
    # embedding tables: vocab+1 rows (index 0 reserved for padding after +1 shift)
    text_embed = jax.random.normal(k2, (TEXT_NUM_EMBEDS + 1, TEXT_DIM), dtype=jnp.float32)
    text_embed_ko = jax.random.normal(k3, (TEXT_NUM_EMBEDS + 1, TEXT_DIM), dtype=jnp.float32)
    return {"text": text, "seq_len": SEQ_LEN, "text_embed": text_embed, "text_embed_ko": text_embed_ko}


def reference(text, seq_len, text_embed, text_embed_ko):
    # text = text + 1 (shift so 0 becomes padding index)
    t = text + 1
    # truncate to seq_len, then pad to seq_len with 0: equivalent to taking the
    # first SEQ_LEN columns and writing padding index 0 at positions >= seq_len
    t = t[:, :SEQ_LEN]
    positions = jnp.arange(SEQ_LEN)
    t = jnp.where(positions[None, :] < seq_len, t, 0)
    # mask_padding=True: mask computed, but unused since extra_modeling=False (conv_layers=0)
    text_mask = (t == 0)
    # alpha == 1 -> only Korean embedding table used
    emb = jnp.take(text_embed_ko, t, axis=0)
    return emb

if __name__ == "__main__":
    import jax
    _d = setup_inputs()
    print(jax.jit(kernel)(*tuple(_d.values())))

</pallas_src>

<mosaic_0001>
#map = affine_map<(d0, d1) -> (0)>
#map1 = affine_map<(d0, d1) -> (0, 0)>
module attributes {stable_mosaic.version = 14 : i64} {
  func.func @_embed_lookup(%arg0: i32, %arg1: i32, %arg2: memref<204800xi32, #tpu.memory_space<hbm>>, %arg3: memref<16xi32, #tpu.memory_space<hbm>>, %arg4: memref<100001x128xf32, #tpu.memory_space<hbm>>, %arg5: memref<204800x128xf32, #tpu.memory_space<hbm>>, %arg6: memref<6400xi32, #tpu.memory_space<vmem>>, %arg7: memref<16xi32, #tpu.memory_space<vmem>>, %arg8: memref<10x64x128xf32, #tpu.memory_space<vmem>>, %arg9: memref<!tpu.dma_semaphore, #tpu.memory_space<semaphore_mem>>, %arg10: memref<!tpu.dma_semaphore, #tpu.memory_space<semaphore_mem>>, %arg11: memref<!tpu.dma_semaphore, #tpu.memory_space<semaphore_mem>>, %arg12: memref<!tpu.dma_semaphore, #tpu.memory_space<semaphore_mem>>, %arg13: memref<!tpu.dma_semaphore, #tpu.memory_space<semaphore_mem>>, %arg14: memref<!tpu.dma_semaphore, #tpu.memory_space<semaphore_mem>>, %arg15: memref<!tpu.dma_semaphore, #tpu.memory_space<semaphore_mem>>, %arg16: memref<!tpu.dma_semaphore, #tpu.memory_space<semaphore_mem>>, %arg17: memref<!tpu.dma_semaphore, #tpu.memory_space<semaphore_mem>>, %arg18: memref<!tpu.dma_semaphore, #tpu.memory_space<semaphore_mem>>, %arg19: memref<!tpu.dma_semaphore, #tpu.memory_space<semaphore_mem>>, %arg20: memref<!tpu.dma_semaphore, #tpu.memory_space<semaphore_mem>>, %arg21: memref<!tpu.dma_semaphore, #tpu.memory_space<semaphore_mem>>, %arg22: memref<!tpu.dma_semaphore, #tpu.memory_space<semaphore_mem>>, %arg23: memref<!tpu.dma_semaphore, #tpu.memory_space<semaphore_mem>>, %arg24: memref<!tpu.dma_semaphore, #tpu.memory_space<semaphore_mem>>, %arg25: memref<!tpu.dma_semaphore, #tpu.memory_space<semaphore_mem>>, %arg26: memref<!tpu.dma_semaphore, #tpu.memory_space<semaphore_mem>>, %arg27: memref<!tpu.dma_semaphore, #tpu.memory_space<semaphore_mem>>, %arg28: memref<!tpu.dma_semaphore, #tpu.memory_space<semaphore_mem>>) attributes {dimension_semantics = [#tpu.dimension_semantics<core_parallel>, #tpu.dimension_semantics<subcore_parallel>], iteration_bounds = array<i64: 2, 16>, scalar_prefetch = 0 : i64, scratch_operands = 23 : i64, tpu.core_type = #tpu.core_type<sc_vector_subcore>, window_params = [{transform_indices = #map}, {transform_indices = #map}, {transform_indices = #map1}, {transform_indices = #map1}]} {
    %mul3A = arith.constant 2 : i32
    %mul3A_0 = arith.muli %arg1, %mul3A : i32
    %add3A = arith.addi %mul3A_0, %arg0 : i32
    %mul3A_1 = arith.constant 6400 : i32
    %mul3A_2 = arith.muli %add3A, %mul3A_1 : i32
    "tpu.region"() ({
      %run_scoped3A = tpu.sem_alloc : memref<!tpu.dma_semaphore, #tpu.memory_space<semaphore_mem>>
      %dma_start3A_137 = tpu.memref_slice %arg2[%mul3A_2] : memref<204800xi32, #tpu.memory_space<hbm>> -> memref<6400xi32, #tpu.memory_space<hbm>>
      %dma_start3A_138 = tpu.memref_slice %arg2[%mul3A_2] : memref<204800xi32, #tpu.memory_space<hbm>> -> memref<6400xi32, #tpu.memory_space<hbm>>
      tpu.enqueue_dma source(%dma_start3A_138 : memref<6400xi32, #tpu.memory_space<hbm>>) target(%arg6 : memref<6400xi32, #tpu.memory_space<vmem>>) target_semaphore(%run_scoped3A : memref<!tpu.dma_semaphore, #tpu.memory_space<semaphore_mem>>)
      %dma_wait3A_139 = tpu.memref_slice %arg2[%mul3A_2] : memref<204800xi32, #tpu.memory_space<hbm>> -> memref<6400xi32, #tpu.memory_space<hbm>>
      %dma_wait3A_140 = tpu.memref_slice %arg2[%mul3A_2] : memref<204800xi32, #tpu.memory_space<hbm>> -> memref<6400xi32, #tpu.memory_space<hbm>>
      tpu.wait_dma2 semaphore(%run_scoped3A : memref<!tpu.dma_semaphore, #tpu.memory_space<semaphore_mem>>) src(%dma_wait3A_140 : memref<6400xi32, #tpu.memory_space<hbm>>) dst(%arg6 : memref<6400xi32, #tpu.memory_space<vmem>>)
      tpu.yield
    }) : () -> ()
    "tpu.region"() ({
      %run_scoped3A = tpu.sem_alloc : memref<!tpu.dma_semaphore, #tpu.memory_space<semaphore_mem>>
      tpu.enqueue_dma source(%arg3 : memref<16xi32, #tpu.memory_space<hbm>>) target(%arg7 : memref<16xi32, #tpu.memory_space<vmem>>) target_semaphore(%run_scoped3A : memref<!tpu.dma_semaphore, #tpu.memory_space<semaphore_mem>>)
      tpu.wait_dma2 semaphore(%run_scoped3A : memref<!tpu.dma_semaphore, #tpu.memory_space<semaphore_mem>>) src(%arg3 : memref<16xi32, #tpu.memory_space<hbm>>) dst(%arg7 : memref<16xi32, #tpu.memory_space<vmem>>)
      tpu.yield
    }) : () -> ()
    %get3A = arith.constant 0 : index
    %get3A_3 = tpu.vector_load %arg7[%get3A] {strides = array<i32>} : memref<16xi32, #tpu.memory_space<vmem>>, vector<16xi32>,
    %get3A_4 = vector.shape_cast %get3A_3 : vector<16xi32> to vector<16xi32>
    %iota3A = tpu.iota {dimensions = array<i32: 0>} : vector<16xi32>
    %scan3A = arith.constant 0 : i32
    %scan3A_5 = arith.constant 0 : i32
    %scan3A_6 = arith.constant 4 : i32
    %scan3A_7 = arith.addi %scan3A_5, %scan3A_6 : i32
    %scan3A_8 = arith.constant 1 : i32
    %scan3A_9 = scf.for %scan3A_137 = %scan3A_5 to %scan3A_7 step %scan3A_8 iter_args(%scan3A_138 = %scan3A) -> (i32)  : i32 {
      %mul3A_139 = arith.constant 64 : i32
      %mul3A_140 = arith.muli %scan3A_137, %mul3A_139 : i32
      %add3A_141 = arith.constant 0 : i32
      %add3A_142 = arith.addi %mul3A_140, %add3A_141 : i32
      %get3A_143 = arith.index_cast %add3A_142 : i32 to index
      %get3A_144 = tpu.vector_load %arg6[%get3A_143] {strides = array<i32>} : memref<6400xi32, #tpu.memory_space<vmem>>, vector<16xi32>,
      %get3A_145 = vector.shape_cast %get3A_144 : vector<16xi32> to vector<16xi32>
      %add3A_146 = vector.broadcast %add3A_142 : i32 to vector<16xi32>
      %add3A_147 = arith.addi %add3A_146, %iota3A : vector<16xi32>
      %rem3A = arith.constant 200 : i32
      %rem3A_148 = vector.broadcast %rem3A : i32 to vector<16xi32>
      %rem3A_149 = arith.remsi %add3A_147, %rem3A_148 : vector<16xi32>
      %lt3A = arith.cmpi slt, %rem3A_149, %get3A_4 : vector<16xi32>
      %add3A_150 = arith.constant 1 : i32
      %add3A_151 = vector.broadcast %add3A_150 : i32 to vector<16xi32>
      %add3A_152 = arith.addi %get3A_145, %add3A_151 : vector<16xi32>
      %jit3A = arith.constant 0 : i32
      %broadcast_in_dim3A = vector.broadcast %jit3A : i32 to vector<16xi32>
      %select_n3A = arith.select %lt3A, %add3A_152, %broadcast_in_dim3A : vector<16xi1>, vector<16xi32>
      %swap3A = arith.index_cast %add3A_142 : i32 to index
      %swap3A_153 = tpu.vector_load %arg6[%swap3A] {strides = array<i32>} : memref<6400xi32, #tpu.memory_space<vmem>>, vector<16xi32>,
      %swap3A_154 = vector.shape_cast %swap3A_153 : vector<16xi32> to vector<16xi32>
      %swap3A_155 = vector.shape_cast %select_n3A : vector<16xi32> to vector<16xi32>
      tpu.vector_store %arg6[%swap3A], %swap3A_155 {strides = array<i32>} : memref<6400xi32, #tpu.memory_space<vmem>>, vector<16xi32>,
      %add3A_156 = arith.constant 16 : i32
      %add3A_157 = arith.addi %mul3A_140, %add3A_156 : i32
      %get3A_158 = arith.index_cast %add3A_157 : i32 to index
      %get3A_159 = tpu.vector_load %arg6[%get3A_158] {strides = array<i32>} : memref<6400xi32, #tpu.memory_space<vmem>>, vector<16xi32>,
      %get3A_160 = vector.shape_cast %get3A_159 : vector<16xi32> to vector<16xi32>
      %add3A_161 = vector.broadcast %add3A_157 : i32 to vector<16xi32>
      %add3A_162 = arith.addi %add3A_161, %iota3A : vector<16xi32>
      %rem3A_163 = arith.constant 200 : i32
      %rem3A_164 = vector.broadcast %rem3A_163 : i32 to vector<16xi32>
      %rem3A_165 = arith.remsi %add3A_162, %rem3A_164 : vector<16xi32>
      %lt3A_166 = arith.cmpi slt, %rem3A_165, %get3A_4 : vector<16xi32>
      %add3A_167 = arith.constant 1 : i32
      %add3A_168 = vector.broadcast %add3A_167 : i32 to vector<16xi32>
      %add3A_169 = arith.addi %get3A_160, %add3A_168 : vector<16xi32>
      %jit3A_170 = arith.constant 0 : i32
      %broadcast_in_dim3A_171 = vector.broadcast %jit3A_170 : i32 to vector<16xi32>
      %select_n3A_172 = arith.select %lt3A_166, %add3A_169, %broadcast_in_dim3A_171 : vector<16xi1>, vector<16xi32>
      %swap3A_173 = arith.index_cast %add3A_157 : i32 to index
      %swap3A_174 = tpu.vector_load %arg6[%swap3A_173] {strides = array<i32>} : memref<6400xi32, #tpu.memory_space<vmem>>, vector<16xi32>,
      %swap3A_175 = vector.shape_cast %swap3A_174 : vector<16xi32> to vector<16xi32>
      %swap3A_176 = vector.shape_cast %select_n3A_172 : vector<16xi32> to vector<16xi32>
      tpu.vector_store %arg6[%swap3A_173], %swap3A_176 {strides = array<i32>} : memref<6400xi32, #tpu.memory_space<vmem>>, vector<16xi32>,
      %add3A_177 = arith.constant 32 : i32
      %add3A_178 = arith.addi %mul3A_140, %add3A_177 : i32
      %get3A_179 = arith.index_cast %add3A_178 : i32 to index
      %get3A_180 = tpu.vector_load %arg6[%get3A_179] {strides = array<i32>} : memref<6400xi32, #tpu.memory_space<vmem>>, vector<16xi32>,
      %get3A_181 = vector.shape_cast %get3A_180 : vector<16xi32> to vector<16xi32>
      %add3A_182 = vector.broadcast %add3A_178 : i32 to vector<16xi32>
      %add3A_183 = arith.addi %add3A_182, %iota3A : vector<16xi32>
      %rem3A_184 = arith.constant 200 : i32
      %rem3A_185 = vector.broadcast %rem3A_184 : i32 to vector<16xi32>
      %rem3A_186 = arith.remsi %add3A_183, %rem3A_185 : vector<16xi32>
      %lt3A_187 = arith.cmpi slt, %rem3A_186, %get3A_4 : vector<16xi32>
      %add3A_188 = arith.constant 1 : i32
      %add3A_189 = vector.broadcast %add3A_188 : i32 to vector<16xi32>
      %add3A_190 = arith.addi %get3A_181, %add3A_189 : vector<16xi32>
      %jit3A_191 = arith.constant 0 : i32
      %broadcast_in_dim3A_192 = vector.broadcast %jit3A_191 : i32 to vector<16xi32>
      %select_n3A_193 = arith.select %lt3A_187, %add3A_190, %broadcast_in_dim3A_192 : vector<16xi1>, vector<16xi32>
      %swap3A_194 = arith.index_cast %add3A_178 : i32 to index
      %swap3A_195 = tpu.vector_load %arg6[%swap3A_194] {strides = array<i32>} : memref<6400xi32, #tpu.memory_space<vmem>>, vector<16xi32>,
      %swap3A_196 = vector.shape_cast %swap3A_195 : vector<16xi32> to vector<16xi32>
      %swap3A_197 = vector.shape_cast %select_n3A_193 : vector<16xi32> to vector<16xi32>
      tpu.vector_store %arg6[%swap3A_194], %swap3A_197 {strides = array<i32>} : memref<6400xi32, #tpu.memory_space<vmem>>, vector<16xi32>,
      %add3A_198 = arith.constant 48 : i32
      %add3A_199 = arith.addi %mul3A_140, %add3A_198 : i32
      %get3A_200 = arith.index_cast %add3A_199 : i32 to index
      %get3A_201 = tpu.vector_load %arg6[%get3A_200] {strides = array<i32>} : memref<6400xi32, #tpu.memory_space<vmem>>, vector<16xi32>,
      %get3A_202 = vector.shape_cast %get3A_201 : vector<16xi32> to vector<16xi32>
      %add3A_203 = vector.broadcast %add3A_199 : i32 to vector<16xi32>
      %add3A_204 = arith.addi %add3A_203, %iota3A : vector<16xi32>
      %rem3A_205 = arith.constant 200 : i32
      %rem3A_206 = vector.broadcast %rem3A_205 : i32 to vector<16xi32>
      %rem3A_207 = arith.remsi %add3A_204, %rem3A_206 : vector<16xi32>
      %lt3A_208 = arith.cmpi slt, %rem3A_207, %get3A_4 : vector<16xi32>
      %add3A_209 = arith.constant 1 : i32
      %add3A_210 = vector.broadcast %add3A_209 : i32 to vector<16xi32>
      %add3A_211 = arith.addi %get3A_202, %add3A_210 : vector<16xi32>
      %jit3A_212 = arith.constant 0 : i32
      %broadcast_in_dim3A_213 = vector.broadcast %jit3A_212 : i32 to vector<16xi32>
      %select_n3A_214 = arith.select %lt3A_208, %add3A_211, %broadcast_in_dim3A_213 : vector<16xi1>, vector<16xi32>
      %swap3A_215 = arith.index_cast %add3A_199 : i32 to index
      %swap3A_216 = tpu.vector_load %arg6[%swap3A_215] {strides = array<i32>} : memref<6400xi32, #tpu.memory_space<vmem>>, vector<16xi32>,
      %swap3A_217 = vector.shape_cast %swap3A_216 : vector<16xi32> to vector<16xi32>
      %swap3A_218 = vector.shape_cast %select_n3A_214 : vector<16xi32> to vector<16xi32>
      tpu.vector_store %arg6[%swap3A_215], %swap3A_218 {strides = array<i32>} : memref<6400xi32, #tpu.memory_space<vmem>>, vector<16xi32>,
      %scan3A_219 = arith.constant 0 : i32
      scf.yield %scan3A_219 : i32
    }
    %scan3A_10 = arith.constant 4 : i32
    %multiple_of3A = arith.constant 0 : i32
    %multiple_of3A_11 = tpu.assume_multiple %multiple_of3A, 8 : i32
    %dma_start3A = arith.constant 0 : i32
    %dma_start3A_12 = arith.constant 0 : i32
    %dma_start3A_13 = arith.constant 0 : i32
    %dma_start3A_14 = tpu.memref_slice %arg8[%dma_start3A, %dma_start3A_12, %dma_start3A_13] : memref<10x64x128xf32, #tpu.memory_space<vmem>> -> memref<1x64x128xf32, #tpu.memory_space<vmem>>
    %dma_start3A_15 = tpu.memref_squeeze %dma_start3A_14 : memref<1x64x128xf32, #tpu.memory_space<vmem>> -> memref<64x128xf32, #tpu.memory_space<vmem>>
    %dma_start3A_16 = tpu.memref_slice %arg6[%multiple_of3A_11] : memref<6400xi32, #tpu.memory_space<vmem>> -> memref<64xi32, #tpu.memory_space<vmem>>
    %dma_start3A_17 = arith.constant 0 : i32
    %dma_start3A_18 = arith.constant 0 : i32
    %dma_start3A_19 = tpu.memref_slice %arg4[%dma_start3A_17, %dma_start3A_18] : memref<100001x128xf32, #tpu.memory_space<hbm>> -> memref<100001x128xf32, #tpu.memory_space<hbm>>
    tpu.enqueue_indirect_dma source(%dma_start3A_19 : memref<100001x128xf32, #tpu.memory_space<hbm>>) target(%dma_start3A_15 : memref<64x128xf32, #tpu.memory_space<vmem>>) offsets(%dma_start3A_16 : memref<64xi32, #tpu.memory_space<vmem>>) semaphore(%arg9 : memref<!tpu.dma_semaphore, #tpu.memory_space<semaphore_mem>>)
    %multiple_of3A_20 = arith.constant 64 : i32
    %multiple_of3A_21 = tpu.assume_multiple %multiple_of3A_20, 8 : i32
    %dma_start3A_22 = arith.constant 1 : i32
    %dma_start3A_23 = arith.constant 0 : i32
    %dma_start3A_24 = arith.constant 0 : i32
    %dma_start3A_25 = tpu.memref_slice %arg8[%dma_start3A_22, %dma_start3A_23, %dma_start3A_24] : memref<10x64x128xf32, #tpu.memory_space<vmem>> -> memref<1x64x128xf32, #tpu.memory_space<vmem>>
    %dma_start3A_26 = tpu.memref_squeeze %dma_start3A_25 : memref<1x64x128xf32, #tpu.memory_space<vmem>> -> memref<64x128xf32, #tpu.memory_space<vmem>>
    %dma_start3A_27 = tpu.memref_slice %arg6[%multiple_of3A_21] : memref<6400xi32, #tpu.memory_space<vmem>> -> memref<64xi32, #tpu.memory_space<vmem>>
    %dma_start3A_28 = arith.constant 0 : i32
    %dma_start3A_29 = arith.constant 0 : i32
    %dma_start3A_30 = tpu.memref_slice %arg4[%dma_start3A_28, %dma_start3A_29] : memref<100001x128xf32, #tpu.memory_space<hbm>> -> memref<100001x128xf32, #tpu.memory_space<hbm>>
    tpu.enqueue_indirect_dma source(%dma_start3A_30 : memref<100001x128xf32, #tpu.memory_space<hbm>>) target(%dma_start3A_26 : memref<64x128xf32, #tpu.memory_space<vmem>>) offsets(%dma_start3A_27 : memref<64xi32, #tpu.memory_space<vmem>>) semaphore(%arg10 : memref<!tpu.dma_semaphore, #tpu.memory_space<semaphore_mem>>)
    %multiple_of3A_31 = arith.constant 128 : i32
    %multiple_of3A_32 = tpu.assume_multiple %multiple_of3A_31, 8 : i32
    %dma_start3A_33 = arith.constant 2 : i32
    %dma_start3A_34 = arith.constant 0 : i32
    %dma_start3A_35 = arith.constant 0 : i32
    %dma_start3A_36 = tpu.memref_slice %arg8[%dma_start3A_33, %dma_start3A_34, %dma_start3A_35] : memref<10x64x128xf32, #tpu.memory_space<vmem>> -> memref<1x64x128xf32, #tpu.memory_space<vmem>>
    %dma_start3A_37 = tpu.memref_squeeze %dma_start3A_36 : memref<1x64x128xf32, #tpu.memory_space<vmem>> -> memref<64x128xf32, #tpu.memory_space<vmem>>
    %dma_start3A_38 = tpu.memref_slice %arg6[%multiple_of3A_32] : memref<6400xi32, #tpu.memory_space<vmem>> -> memref<64xi32, #tpu.memory_space<vmem>>
    %dma_start3A_39 = arith.constant 0 : i32
    %dma_start3A_40 = arith.constant 0 : i32
    %dma_start3A_41 = tpu.memref_slice %arg4[%dma_start3A_39, %dma_start3A_40] : memref<100001x128xf32, #tpu.memory_space<hbm>> -> memref<100001x128xf32, #tpu.memory_space<hbm>>
    tpu.enqueue_indirect_dma source(%dma_start3A_41 : memref<100001x128xf32, #tpu.memory_space<hbm>>) target(%dma_start3A_37 : memref<64x128xf32, #tpu.memory_space<vmem>>) offsets(%dma_start3A_38 : memref<64xi32, #tpu.memory_space<vmem>>) semaphore(%arg11 : memref<!tpu.dma_semaphore, #tpu.memory_space<semaphore_mem>>)
    %multiple_of3A_42 = arith.constant 192 : i32
    %multiple_of3A_43 = tpu.assume_multiple %multiple_of3A_42, 8 : i32
    %dma_start3A_44 = arith.constant 3 : i32
    %dma_start3A_45 = arith.constant 0 : i32
    %dma_start3A_46 = arith.constant 0 : i32
    %dma_start3A_47 = tpu.memref_slice %arg8[%dma_start3A_44, %dma_start3A_45, %dma_start3A_46] : memref<10x64x128xf32, #tpu.memory_space<vmem>> -> memref<1x64x128xf32, #tpu.memory_space<vmem>>
    %dma_start3A_48 = tpu.memref_squeeze %dma_start3A_47 : memref<1x64x128xf32, #tpu.memory_space<vmem>> -> memref<64x128xf32, #tpu.memory_space<vmem>>
    %dma_start3A_49 = tpu.memref_slice %arg6[%multiple_of3A_43] : memref<6400xi32, #tpu.memory_space<vmem>> -> memref<64xi32, #tpu.memory_space<vmem>>
    %dma_start3A_50 = arith.constant 0 : i32
    %dma_start3A_51 = arith.constant 0 : i32
    %dma_start3A_52 = tpu.memref_slice %arg4[%dma_start3A_50, %dma_start3A_51] : memref<100001x128xf32, #tpu.memory_space<hbm>> -> memref<100001x128xf32, #tpu.memory_space<hbm>>
    tpu.enqueue_indirect_dma source(%dma_start3A_52 : memref<100001x128xf32, #tpu.memory_space<hbm>>) target(%dma_start3A_48 : memref<64x128xf32, #tpu.memory_space<vmem>>) offsets(%dma_start3A_49 : memref<64xi32, #tpu.memory_space<vmem>>) semaphore(%arg12 : memref<!tpu.dma_semaphore, #tpu.memory_space<semaphore_mem>>)
    %scan3A_53 = arith.constant 0 : i32
    %scan3A_54 = arith.constant 0 : i32
    %scan3A_55 = arith.constant 10 : i32
    %scan3A_56 = arith.addi %scan3A_54, %scan3A_55 : i32
    %scan3A_57 = arith.constant 1 : i32
    %scan3A_58 = scf.for %scan3A_137 = %scan3A_54 to %scan3A_56 step %scan3A_57 iter_args(%scan3A_138 = %scan3A_53) -> (i32)  : i32 {
      %mul3A_139 = arith.constant 10 : i32
      %mul3A_140 = arith.muli %scan3A_137, %mul3A_139 : i32
      %add3A_141 = arith.constant 0 : i32
      %add3A_142 = arith.addi %mul3A_140, %add3A_141 : i32
      %add3A_143 = arith.constant 4 : i32
      %add3A_144 = arith.addi %add3A_142, %add3A_143 : i32
      %ge3A = arith.constant 10 : i32
      %ge3A_145 = arith.cmpi sge, %add3A_144, %ge3A : i32
      %convert_element_type3A = arith.extui %ge3A_145 : i1 to i32
      %cond3A = arith.constant 0 : i32
      %cond3A_146 = arith.cmpi ne, %convert_element_type3A, %cond3A : i32
      scf.if %cond3A_146 {
        %dma_wait3A_558 = arith.constant 4 : i32
        %dma_wait3A_559 = arith.constant 0 : i32
        %dma_wait3A_560 = arith.constant 0 : i32
        %dma_wait3A_561 = tpu.memref_slice %arg8[%dma_wait3A_558, %dma_wait3A_559, %dma_wait3A_560] : memref<10x64x128xf32, #tpu.memory_space<vmem>> -> memref<1x64x128xf32, #tpu.memory_space<vmem>>
        %dma_wait3A_562 = tpu.memref_squeeze %dma_wait3A_561 : memref<1x64x128xf32, #tpu.memory_space<vmem>> -> memref<64x128xf32, #tpu.memory_space<vmem>>
        %dma_wait3A_563 = arith.constant 0 : i32
        %dma_wait3A_564 = tpu.memref_slice %arg5[%mul3A_2, %dma_wait3A_563] : memref<204800x128xf32, #tpu.memory_space<hbm>> -> memref<64x128xf32, #tpu.memory_space<hbm>>
        %dma_wait3A_565 = arith.constant 0 : i32
        %dma_wait3A_566 = tpu.memref_slice %arg5[%mul3A_2, %dma_wait3A_565] : memref<204800x128xf32, #tpu.memory_space<hbm>> -> memref<64x128xf32, #tpu.memory_space<hbm>>
        %dma_wait3A_567 = arith.constant 0 : i32
        %dma_wait3A_568 = arith.constant 0 : i32
        %dma_wait3A_569 = tpu.memref_slice %arg8[%dma_wait3A_558, %dma_wait3A_567, %dma_wait3A_568] : memref<10x64x128xf32, #tpu.memory_space<vmem>> -> memref<1x64x128xf32, #tpu.memory_space<vmem>>
        %dma_wait3A_570 = tpu.memref_squeeze %dma_wait3A_569 : memref<1x64x128xf32, #tpu.memory_space<vmem>> -> memref<64x128xf32, #tpu.memory_space<vmem>>
        tpu.wait_dma2 semaphore(%arg23 : memref<!tpu.dma_semaphore, #tpu.memory_space<semaphore_mem>>) src(%dma_wait3A_570 : memref<64x128xf32, #tpu.memory_space<vmem>>) dst(%dma_wait3A_566 : memref<64x128xf32, #tpu.memory_space<hbm>>)
      } else {
      }
      %add3A_147 = arith.constant 4 : i32
      %add3A_148 = arith.addi %add3A_142, %add3A_147 : i32
      %lt3A = arith.constant 100 : i32
      %lt3A_149 = arith.cmpi slt, %add3A_148, %lt3A : i32
      %convert_element_type3A_150 = arith.extui %lt3A_149 : i1 to i32
      %cond3A_151 = arith.constant 0 : i32
      %cond3A_152 = arith.cmpi ne, %convert_element_type3A_150, %cond3A_151 : i32
      scf.if %cond3A_152 {
        %add3A_558 = arith.constant 4 : i32
        %add3A_559 = arith.addi %add3A_142, %add3A_558 : i32
        %mul3A_560 = arith.constant 64 : i32
        %mul3A_561 = arith.muli %add3A_559, %mul3A_560 : i32
        %add3A_562 = arith.constant 0 : i32
        %add3A_563 = arith.addi %mul3A_561, %add3A_562 : i32
        %get3A_564 = arith.index_cast %add3A_563 : i32 to index
        %get3A_565 = tpu.vector_load %arg6[%get3A_564] {strides = array<i32>} : memref<6400xi32, #tpu.memory_space<vmem>>, vector<16xi32>,
        %get3A_566 = vector.shape_cast %get3A_565 : vector<16xi32> to vector<16xi32>
        %add3A_567 = vector.broadcast %add3A_563 : i32 to vector<16xi32>
        %add3A_568 = arith.addi %add3A_567, %iota3A : vector<16xi32>
        %rem3A = arith.constant 200 : i32
        %rem3A_569 = vector.broadcast %rem3A : i32 to vector<16xi32>
        %rem3A_570 = arith.remsi %add3A_568, %rem3A_569 : vector<16xi32>
        %lt3A_571 = arith.cmpi slt, %rem3A_570, %get3A_4 : vector<16xi32>
        %add3A_572 = arith.constant 1 : i32
        %add3A_573 = vector.broadcast %add3A_572 : i32 to vector<16xi32>
        %add3A_574 = arith.addi %get3A_566, %add3A_573 : vector<16xi32>
        %jit3A = arith.constant 0 : i32
        %broadcast_in_dim3A = vector.broadcast %jit3A : i32 to vector<16xi32>
        %select_n3A = arith.select %lt3A_571, %add3A_574, %broadcast_in_dim3A : vector<16xi1>, vector<16xi32>
        %swap3A = arith.index_cast %add3A_563 : i32 to index
        %swap3A_575 = tpu.vector_load %arg6[%swap3A] {strides = array<i32>} : memref<6400xi32, #tpu.memory_space<vmem>>, vector<16xi32>,
        %swap3A_576 = vector.shape_cast %swap3A_575 : vector<16xi32> to vector<16xi32>
        %swap3A_577 = vector.shape_cast %select_n3A : vector<16xi32> to vector<16xi32>
        tpu.vector_store %arg6[%swap3A], %swap3A_577 {strides = array<i32>} : memref<6400xi32, #tpu.memory_space<vmem>>, vector<16xi32>,
        %add3A_578 = arith.constant 16 : i32
        %add3A_579 = arith.addi %mul3A_561, %add3A_578 : i32
        %get3A_580 = arith.index_cast %add3A_579 : i32 to index
        %get3A_581 = tpu.vector_load %arg6[%get3A_580] {strides = array<i32>} : memref<6400xi32, #tpu.memory_space<vmem>>, vector<16xi32>,
        %get3A_582 = vector.shape_cast %get3A_581 : vector<16xi32> to vector<16xi32>
        %add3A_583 = vector.broadcast %add3A_579 : i32 to vector<16xi32>
        %add3A_584 = arith.addi %add3A_583, %iota3A : vector<16xi32>
        %rem3A_585 = arith.constant 200 : i32
        %rem3A_586 = vector.broadcast %rem3A_585 : i32 to vector<16xi32>
        %rem3A_587 = arith.remsi %add3A_584, %rem3A_586 : vector<16xi32>
        %lt3A_588 = arith.cmpi slt, %rem3A_587, %get3A_4 : vector<16xi32>
        %add3A_589 = arith.constant 1 : i32
        %add3A_590 = vector.broadcast %add3A_589 : i32 to vector<16xi32>
        %add3A_591 = arith.addi %get3A_582, %add3A_590 : vector<16xi32>
        %jit3A_592 = arith.constant 0 : i32
        %broadcast_in_dim3A_593 = vector.broadcast %jit3A_592 : i32 to vector<16xi32>
        %select_n3A_594 = arith.select %lt3A_588, %add3A_591, %broadcast_in_dim3A_593 : vector<16xi1>, vector<16xi32>
        %swap3A_595 = arith.index_cast %add3A_579 : i32 to index
        %swap3A_596 = tpu.vector_load %arg6[%swap3A_595] {strides = array<i32>} : memref<6400xi32, #tpu.memory_space<vmem>>, vector<16xi32>,
        %swap3A_597 = vector.shape_cast %swap3A_596 : vector<16xi32> to vector<16xi32>
        %swap3A_598 = vector.shape_cast %select_n3A_594 : vector<16xi32> to vector<16xi32>
        tpu.vector_store %arg6[%swap3A_595], %swap3A_598 {strides = array<i32>} : memref<6400xi32, #tpu.memory_space<vmem>>, vector<16xi32>,
        %add3A_599 = arith.constant 32 : i32
        %add3A_600 = arith.addi %mul3A_561, %add3A_599 : i32
        %get3A_601 = arith.index_cast %add3A_600 : i32 to index
        %get3A_602 = tpu.vector_load %arg6[%get3A_601] {strides = array<i32>} : memref<6400xi32, #tpu.memory_space<vmem>>, vector<16xi32>,
        %get3A_603 = vector.shape_cast %get3A_602 : vector<16xi32> to vector<16xi32>
        %add3A_604 = vector.broadcast %add3A_600 : i32 to vector<16xi32>
        %add3A_605 = arith.addi %add3A_604, %iota3A : vector<16xi32>
        %rem3A_606 = arith.constant 200 : i32
        %rem3A_607 = vector.broadcast %rem3A_606 : i32 to vector<16xi32>
        %rem3A_608 = arith.remsi %add3A_605, %rem3A_607 : vector<16xi32>
        %lt3A_609 = arith.cmpi slt, %rem3A_608, %get3A_4 : vector<16xi32>
        %add3A_610 = arith.constant 1 : i32
        %add3A_611 = vector.broadcast %add3A_610 : i32 to vector<16xi32>
        %add3A_612 = arith.addi %get3A_603, %add3A_611 : vector<16xi32>
        %jit3A_613 = arith.constant 0 : i32
        %broadcast_in_dim3A_614 = vector.broadcast %jit3A_613 : i32 to vector<16xi32>
        %select_n3A_615 = arith.select %lt3A_609, %add3A_612, %broadcast_in_dim3A_614 : vector<16xi1>, vector<16xi32>
        %swap3A_616 = arith.index_cast %add3A_600 : i32 to index
        %swap3A_617 = tpu.vector_load %arg6[%swap3A_616] {strides = array<i32>} : memref<6400xi32, #tpu.memory_space<vmem>>, vector<16xi32>,
        %swap3A_618 = vector.shape_cast %swap3A_617 : vector<16xi32> to vector<16xi32>
        %swap3A_619 = vector.shape_cast %select_n3A_615 : vector<16xi32> to vector<16xi32>
        tpu.vector_store %arg6[%swap3A_616], %swap3A_619 {strides = array<i32>} : memref<6400xi32, #tpu.memory_space<vmem>>, vector<16xi32>,
        %add3A_620 = arith.constant 48 : i32
        %add3A_621 = arith.addi %mul3A_561, %add3A_620 : i32
        %get3A_622 = arith.index_cast %add3A_621 : i32 to index
        %get3A_623 = tpu.vector_load %arg6[%get3A_622] {strides = array<i32>} : memref<6400xi32, #tpu.memory_space<vmem>>, vector<16xi32>,
        %get3A_624 = vector.shape_cast %get3A_623 : vector<16xi32> to vector<16xi32>
        %add3A_625 = vector.broadcast %add3A_621 : i32 to vector<16xi32>
        %add3A_626 = arith.addi %add3A_625, %iota3A : vector<16xi32>
        %rem3A_627 = arith.constant 200 : i32
        %rem3A_628 = vector.broadcast %rem3A_627 : i32 to vector<16xi32>
        %rem3A_629 = arith.remsi %add3A_626, %rem3A_628 : vector<16xi32>
        %lt3A_630 = arith.cmpi slt, %rem3A_629, %get3A_4 : vector<16xi32>
        %add3A_631 = arith.constant 1 : i32
        %add3A_632 = vector.broadcast %add3A_631 : i32 to vector<16xi32>
        %add3A_633 = arith.addi %get3A_624, %add3A_632 : vector<16xi32>
        %jit3A_634 = arith.constant 0 : i32
        %broadcast_in_dim3A_635 = vector.broadcast %jit3A_634 : i32 to vector<16xi32>
        %select_n3A_636 = arith.select %lt3A_630, %add3A_633, %broadcast_in_dim3A_635 : vector<16xi1>, vector<16xi32>
        %swap3A_637 = arith.index_cast %add3A_621 : i32 to index
        %swap3A_638 = tpu.vector_load %arg6[%swap3A_637] {strides = array<i32>} : memref<6400xi32, #tpu.memory_space<vmem>>, vector<16xi32>,
        %swap3A_639 = vector.shape_cast %swap3A_638 : vector<16xi32> to vector<16xi32>
        %swap3A_640 = vector.shape_cast %select_n3A_636 : vector<16xi32> to vector<16xi32>
        tpu.vector_store %arg6[%swap3A_637], %swap3A_640 {strides = array<i32>} : memref<6400xi32, #tpu.memory_space<vmem>>, vector<16xi32>,
        %add3A_641 = arith.constant 4 : i32
        %add3A_642 = arith.addi %add3A_142, %add3A_641 : i32
        %mul3A_643 = arith.constant 64 : i32
        %mul3A_644 = arith.muli %add3A_642, %mul3A_643 : i32
        %multiple_of3A_645 = tpu.assume_multiple %mul3A_644, 8 : i32
        %dma_start3A_646 = arith.constant 4 : i32
        %dma_start3A_647 = arith.constant 0 : i32
        %dma_start3A_648 = arith.constant 0 : i32
        %dma_start3A_649 = tpu.memref_slice %arg8[%dma_start3A_646, %dma_start3A_647, %dma_start3A_648] : memref<10x64x128xf32, #tpu.memory_space<vmem>> -> memref<1x64x128xf32, #tpu.memory_space<vmem>>
        %dma_start3A_650 = tpu.memref_squeeze %dma_start3A_649 : memref<1x64x128xf32, #tpu.memory_space<vmem>> -> memref<64x128xf32, #tpu.memory_space<vmem>>
        %dma_start3A_651 = tpu.memref_slice %arg6[%multiple_of3A_645] : memref<6400xi32, #tpu.memory_space<vmem>> -> memref<64xi32, #tpu.memory_space<vmem>>
        %dma_start3A_652 = arith.constant 0 : i32
        %dma_start3A_653 = arith.constant 0 : i32
        %dma_start3A_654 = tpu.memref_slice %arg4[%dma_start3A_652, %dma_start3A_653] : memref<100001x128xf32, #tpu.memory_space<hbm>> -> memref<100001x128xf32, #tpu.memory_space<hbm>>
        tpu.enqueue_indirect_dma source(%dma_start3A_654 : memref<100001x128xf32, #tpu.memory_space<hbm>>) target(%dma_start3A_650 : memref<64x128xf32, #tpu.memory_space<vmem>>) offsets(%dma_start3A_651 : memref<64xi32, #tpu.memory_space<vmem>>) semaphore(%arg13 : memref<!tpu.dma_semaphore, #tpu.memory_space<semaphore_mem>>)
      } else {
      }
      %dma_wait3A_153 = arith.constant 0 : i32
      %dma_wait3A_154 = arith.constant 0 : i32
      %dma_wait3A_155 = arith.constant 0 : i32
      %dma_wait3A_156 = tpu.memref_slice %arg8[%dma_wait3A_153, %dma_wait3A_154, %dma_wait3A_155] : memref<10x64x128xf32, #tpu.memory_space<vmem>> -> memref<1x64x128xf32, #tpu.memory_space<vmem>>
      %dma_wait3A_157 = tpu.memref_squeeze %dma_wait3A_156 : memref<1x64x128xf32, #tpu.memory_space<vmem>> -> memref<64x128xf32, #tpu.memory_space<vmem>>
      %dma_wait3A_158 = arith.constant 0 : i32
      %dma_wait3A_159 = tpu.memref_slice %arg6[%dma_wait3A_158] : memref<6400xi32, #tpu.memory_space<vmem>> -> memref<64xi32, #tpu.memory_space<vmem>>
      %dma_wait3A_160 = arith.constant 0 : i32
      %dma_wait3A_161 = arith.constant 0 : i32
      %dma_wait3A_162 = tpu.memref_slice %arg4[%dma_wait3A_160, %dma_wait3A_161] : memref<100001x128xf32, #tpu.memory_space<hbm>> -> memref<100001x128xf32, #tpu.memory_space<hbm>>
      tpu.wait_indirect_dma semaphore(%arg9 : memref<!tpu.dma_semaphore, #tpu.memory_space<semaphore_mem>>) src(%dma_wait3A_162 : memref<100001x128xf32, #tpu.memory_space<hbm>>) dst(%dma_wait3A_157 : memref<64x128xf32, #tpu.memory_space<vmem>>)
      %mul3A_163 = arith.constant 64 : i32
      %mul3A_164 = arith.muli %add3A_142, %mul3A_163 : i32
      %add3A_165 = arith.addi %mul3A_2, %mul3A_164 : i32
      %dma_start3A_166 = arith.constant 0 : i32
      %dma_start3A_167 = arith.constant 0 : i32
      %dma_start3A_168 = arith.constant 0 : i32
      %dma_start3A_169 = tpu.memref_slice %arg8[%dma_start3A_166, %dma_start3A_167, %dma_start3A_168] : memref<10x64x128xf32, #tpu.memory_space<vmem>> -> memref<1x64x128xf32, #tpu.memory_space<vmem>>
      %dma_start3A_170 = tpu.memref_squeeze %dma_start3A_169 : memref<1x64x128xf32, #tpu.memory_space<vmem>> -> memref<64x128xf32, #tpu.memory_space<vmem>>
      %dma_start3A_171 = arith.constant 0 : i32
      %dma_start3A_172 = tpu.memref_slice %arg5[%add3A_165, %dma_start3A_171] : memref<204800x128xf32, #tpu.memory_space<hbm>> -> memref<64x128xf32, #tpu.memory_space<hbm>>
      %dma_start3A_173 = arith.constant 0 : i32
      %dma_start3A_174 = tpu.memref_slice %arg5[%add3A_165, %dma_start3A_173] : memref<204800x128xf32, #tpu.memory_space<hbm>> -> memref<64x128xf32, #tpu.memory_space<hbm>>
      %dma_start3A_175 = arith.constant 0 : i32
      %dma_start3A_176 = arith.constant 0 : i32
      %dma_start3A_177 = tpu.memref_slice %arg8[%dma_start3A_166, %dma_start3A_175, %dma_start3A_176] : memref<10x64x128xf32, #tpu.memory_space<vmem>> -> memref<1x64x128xf32, #tpu.memory_space<vmem>>
      %dma_start3A_178 = tpu.memref_squeeze %dma_start3A_177 : memref<1x64x128xf32, #tpu.memory_space<vmem>> -> memref<64x128xf32, #tpu.memory_space<vmem>>
      tpu.enqueue_dma source(%dma_start3A_178 : memref<64x128xf32, #tpu.memory_space<vmem>>) target(%dma_start3A_174 : memref<64x128xf32, #tpu.memory_space<hbm>>) target_semaphore(%arg19 : memref<!tpu.dma_semaphore, #tpu.memory_space<semaphore_mem>>)
      %add3A_179 = arith.constant 1 : i32
      %add3A_180 = arith.addi %mul3A_140, %add3A_179 : i32
      %add3A_181 = arith.constant 4 : i32
      %add3A_182 = arith.addi %add3A_180, %add3A_181 : i32
      %ge3A_183 = arith.constant 10 : i32
      %ge3A_184 = arith.cmpi sge, %add3A_182, %ge3A_183 : i32
      %convert_element_type3A_185 = arith.extui %ge3A_184 : i1 to i32
      %cond3A_186 = arith.constant 0 : i32
      %cond3A_187 = arith.cmpi ne, %convert_element_type3A_185, %cond3A_186 : i32
      scf.if %cond3A_187 {
        %dma_wait3A_558 = arith.constant 5 : i32
        %dma_wait3A_559 = arith.constant 0 : i32
        %dma_wait3A_560 = arith.constant 0 : i32
        %dma_wait3A_561 = tpu.memref_slice %arg8[%dma_wait3A_558, %dma_wait3A_559, %dma_wait3A_560] : memref<10x64x128xf32, #tpu.memory_space<vmem>> -> memref<1x64x128xf32, #tpu.memory_space<vmem>>
        %dma_wait3A_562 = tpu.memref_squeeze %dma_wait3A_561 : memref<1x64x128xf32, #tpu.memory_space<vmem>> -> memref<64x128xf32, #tpu.memory_space<vmem>>
        %dma_wait3A_563 = arith.constant 0 : i32
        %dma_wait3A_564 = tpu.memref_slice %arg5[%mul3A_2, %dma_wait3A_563] : memref<204800x128xf32, #tpu.memory_space<hbm>> -> memref<64x128xf32, #tpu.memory_space<hbm>>
        %dma_wait3A_565 = arith.constant 0 : i32
        %dma_wait3A_566 = tpu.memref_slice %arg5[%mul3A_2, %dma_wait3A_565] : memref<204800x128xf32, #tpu.memory_space<hbm>> -> memref<64x128xf32, #tpu.memory_space<hbm>>
        %dma_wait3A_567 = arith.constant 0 : i32
        %dma_wait3A_568 = arith.constant 0 : i32
        %dma_wait3A_569 = tpu.memref_slice %arg8[%dma_wait3A_558, %dma_wait3A_567, %dma_wait3A_568] : memref<10x64x128xf32, #tpu.memory_space<vmem>> -> memref<1x64x128xf32, #tpu.memory_space<vmem>>
        %dma_wait3A_570 = tpu.memref_squeeze %dma_wait3A_569 : memref<1x64x128xf32, #tpu.memory_space<vmem>> -> memref<64x128xf32, #tpu.memory_space<vmem>>
        tpu.wait_dma2 semaphore(%arg24 : memref<!tpu.dma_semaphore, #tpu.memory_space<semaphore_mem>>) src(%dma_wait3A_570 : memref<64x128xf32, #tpu.memory_space<vmem>>) dst(%dma_wait3A_566 : memref<64x128xf32, #tpu.memory_space<hbm>>)
      } else {
      }
      %add3A_188 = arith.constant 4 : i32
      %add3A_189 = arith.addi %add3A_180, %add3A_188 : i32
      %lt3A_190 = arith.constant 100 : i32
      %lt3A_191 = arith.cmpi slt, %add3A_189, %lt3A_190 : i32
      %convert_element_type3A_192 = arith.extui %lt3A_191 : i1 to i32
      %cond3A_193 = arith.constant 0 : i32
      %cond3A_194 = arith.cmpi ne, %convert_element_type3A_192, %cond3A_193 : i32
      scf.if %cond3A_194 {
        %add3A_558 = arith.constant 4 : i32
        %add3A_559 = arith.addi %add3A_180, %add3A_558 : i32
        %mul3A_560 = arith.constant 64 : i32
        %mul3A_561 = arith.muli %add3A_559, %mul3A_560 : i32
        %add3A_562 = arith.constant 0 : i32
        %add3A_563 = arith.addi %mul3A_561, %add3A_562 : i32
        %get3A_564 = arith.index_cast %add3A_563 : i32 to index
        %get3A_565 = tpu.vector_load %arg6[%get3A_564] {strides = array<i32>} : memref<6400xi32, #tpu.memory_space<vmem>>, vector<16xi32>,
        %get3A_566 = vector.shape_cast %get3A_565 : vector<16xi32> to vector<16xi32>
        %add3A_567 = vector.broadcast %add3A_563 : i32 to vector<16xi32>
        %add3A_568 = arith.addi %add3A_567, %iota3A : vector<16xi32>
        %rem3A = arith.constant 200 : i32
        %rem3A_569 = vector.broadcast %rem3A : i32 to vector<16xi32>
        %rem3A_570 = arith.remsi %add3A_568, %rem3A_569 : vector<16xi32>
        %lt3A_571 = arith.cmpi slt, %rem3A_570, %get3A_4 : vector<16xi32>
        %add3A_572 = arith.constant 1 : i32
        %add3A_573 = vector.broadcast %add3A_572 : i32 to vector<16xi32>
        %add3A_574 = arith.addi %get3A_566, %add3A_573 : vector<16xi32>
        %jit3A = arith.constant 0 : i32
        %broadcast_in_dim3A = vector.broadcast %jit3A : i32 to vector<16xi32>
        %select_n3A = arith.select %lt3A_571, %add3A_574, %broadcast_in_dim3A : vector<16xi1>, vector<16xi32>
        %swap3A = arith.index_cast %add3A_563 : i32 to index
        %swap3A_575 = tpu.vector_load %arg6[%swap3A] {strides = array<i32>} : memref<6400xi32, #tpu.memory_space<vmem>>, vector<16xi32>,
        %swap3A_576 = vector.shape_cast %swap3A_575 : vector<16xi32> to vector<16xi32>
        %swap3A_577 = vector.shape_cast %select_n3A : vector<16xi32> to vector<16xi32>
        tpu.vector_store %arg6[%swap3A], %swap3A_577 {strides = array<i32>} : memref<6400xi32, #tpu.memory_space<vmem>>, vector<16xi32>,
        %add3A_578 = arith.constant 16 : i32
        %add3A_579 = arith.addi %mul3A_561, %add3A_578 : i32
        %get3A_580 = arith.index_cast %add3A_579 : i32 to index
        %get3A_581 = tpu.vector_load %arg6[%get3A_580] {strides = array<i32>} : memref<6400xi32, #tpu.memory_space<vmem>>, vector<16xi32>,
        %get3A_582 = vector.shape_cast %get3A_581 : vector<16xi32> to vector<16xi32>
        %add3A_583 = vector.broadcast %add3A_579 : i32 to vector<16xi32>
        %add3A_584 = arith.addi %add3A_583, %iota3A : vector<16xi32>
        %rem3A_585 = arith.constant 200 : i32
        %rem3A_586 = vector.broadcast %rem3A_585 : i32 to vector<16xi32>
        %rem3A_587 = arith.remsi %add3A_584, %rem3A_586 : vector<16xi32>
        %lt3A_588 = arith.cmpi slt, %rem3A_587, %get3A_4 : vector<16xi32>
        %add3A_589 = arith.constant 1 : i32
        %add3A_590 = vector.broadcast %add3A_589 : i32 to vector<16xi32>
        %add3A_591 = arith.addi %get3A_582, %add3A_590 : vector<16xi32>
        %jit3A_592 = arith.constant 0 : i32
        %broadcast_in_dim3A_593 = vector.broadcast %jit3A_592 : i32 to vector<16xi32>
        %select_n3A_594 = arith.select %lt3A_588, %add3A_591, %broadcast_in_dim3A_593 : vector<16xi1>, vector<16xi32>
        %swap3A_595 = arith.index_cast %add3A_579 : i32 to index
        %swap3A_596 = tpu.vector_load %arg6[%swap3A_595] {strides = array<i32>} : memref<6400xi32, #tpu.memory_space<vmem>>, vector<16xi32>,
        %swap3A_597 = vector.shape_cast %swap3A_596 : vector<16xi32> to vector<16xi32>
        %swap3A_598 = vector.shape_cast %select_n3A_594 : vector<16xi32> to vector<16xi32>
        tpu.vector_store %arg6[%swap3A_595], %swap3A_598 {strides = array<i32>} : memref<6400xi32, #tpu.memory_space<vmem>>, vector<16xi32>,
        %add3A_599 = arith.constant 32 : i32
        %add3A_600 = arith.addi %mul3A_561, %add3A_599 : i32
        %get3A_601 = arith.index_cast %add3A_600 : i32 to index
        %get3A_602 = tpu.vector_load %arg6[%get3A_601] {strides = array<i32>} : memref<6400xi32, #tpu.memory_space<vmem>>, vector<16xi32>,
        %get3A_603 = vector.shape_cast %get3A_602 : vector<16xi32> to vector<16xi32>
        %add3A_604 = vector.broadcast %add3A_600 : i32 to vector<16xi32>
        %add3A_605 = arith.addi %add3A_604, %iota3A : vector<16xi32>
        %rem3A_606 = arith.constant 200 : i32
        %rem3A_607 = vector.broadcast %rem3A_606 : i32 to vector<16xi32>
        %rem3A_608 = arith.remsi %add3A_605, %rem3A_607 : vector<16xi32>
        %lt3A_609 = arith.cmpi slt, %rem3A_608, %get3A_4 : vector<16xi32>
        %add3A_610 = arith.constant 1 : i32
        %add3A_611 = vector.broadcast %add3A_610 : i32 to vector<16xi32>
        %add3A_612 = arith.addi %get3A_603, %add3A_611 : vector<16xi32>
        %jit3A_613 = arith.constant 0 : i32
        %broadcast_in_dim3A_614 = vector.broadcast %jit3A_613 : i32 to vector<16xi32>
        %select_n3A_615 = arith.select %lt3A_609, %add3A_612, %broadcast_in_dim3A_614 : vector<16xi1>, vector<16xi32>
        %swap3A_616 = arith.index_cast %add3A_600 : i32 to index
        %swap3A_617 = tpu.vector_load %arg6[%swap3A_616] {strides = array<i32>} : memref<6400xi32, #tpu.memory_space<vmem>>, vector<16xi32>,
        %swap3A_618 = vector.shape_cast %swap3A_617 : vector<16xi32> to vector<16xi32>
        %swap3A_619 = vector.shape_cast %select_n3A_615 : vector<16xi32> to vector<16xi32>
        tpu.vector_store %arg6[%swap3A_616], %swap3A_619 {strides = array<i32>} : memref<6400xi32, #tpu.memory_space<vmem>>, vector<16xi32>,
        %add3A_620 = arith.constant 48 : i32
        %add3A_621 = arith.addi %mul3A_561, %add3A_620 : i32
        %get3A_622 = arith.index_cast %add3A_621 : i32 to index
        %get3A_623 = tpu.vector_load %arg6[%get3A_622] {strides = array<i32>} : memref<6400xi32, #tpu.memory_space<vmem>>, vector<16xi32>,
        %get3A_624 = vector.shape_cast %get3A_623 : vector<16xi32> to vector<16xi32>
        %add3A_625 = vector.broadcast %add3A_621 : i32 to vector<16xi32>
        %add3A_626 = arith.addi %add3A_625, %iota3A : vector<16xi32>
        %rem3A_627 = arith.constant 200 : i32
        %rem3A_628 = vector.broadcast %rem3A_627 : i32 to vector<16xi32>
        %rem3A_629 = arith.remsi %add3A_626, %rem3A_628 : vector<16xi32>
        %lt3A_630 = arith.cmpi slt, %rem3A_629, %get3A_4 : vector<16xi32>
        %add3A_631 = arith.constant 1 : i32
        %add3A_632 = vector.broadcast %add3A_631 : i32 to vector<16xi32>
        %add3A_633 = arith.addi %get3A_624, %add3A_632 : vector<16xi32>
        %jit3A_634 = arith.constant 0 : i32
        %broadcast_in_dim3A_635 = vector.broadcast %jit3A_634 : i32 to vector<16xi32>
        %select_n3A_636 = arith.select %lt3A_630, %add3A_633, %broadcast_in_dim3A_635 : vector<16xi1>, vector<16xi32>
        %swap3A_637 = arith.index_cast %add3A_621 : i32 to index
        %swap3A_638 = tpu.vector_load %arg6[%swap3A_637] {strides = array<i32>} : memref<6400xi32, #tpu.memory_space<vmem>>, vector<16xi32>,
        %swap3A_639 = vector.shape_cast %swap3A_638 : vector<16xi32> to vector<16xi32>
        %swap3A_640 = vector.shape_cast %select_n3A_636 : vector<16xi32> to vector<16xi32>
        tpu.vector_store %arg6[%swap3A_637], %swap3A_640 {strides = array<i32>} : memref<6400xi32, #tpu.memory_space<vmem>>, vector<16xi32>,
        %add3A_641 = arith.constant 4 : i32
        %add3A_642 = arith.addi %add3A_180, %add3A_641 : i32
        %mul3A_643 = arith.constant 64 : i32
        %mul3A_644 = arith.muli %add3A_642, %mul3A_643 : i32
        %multiple_of3A_645 = tpu.assume_multiple %mul3A_644, 8 : i32
        %dma_start3A_646 = arith.constant 5 : i32
        %dma_start3A_647 = arith.constant 0 : i32
        %dma_start3A_648 = arith.constant 0 : i32
        %dma_start3A_649 = tpu.memref_slice %arg8[%dma_start3A_646, %dma_start3A_647, %dma_start3A_648] : memref<10x64x128xf32, #tpu.memory_space<vmem>> -> memref<1x64x128xf32, #tpu.memory_space<vmem>>
        %dma_start3A_650 = tpu.memref_squeeze %dma_start3A_649 : memref<1x64x128xf32, #tpu.memory_space<vmem>> -> memref<64x128xf32, #tpu.memory_space<vmem>>
        %dma_start3A_651 = tpu.memref_slice %arg6[%multiple_of3A_645] : memref<6400xi32, #tpu.memory_space<vmem>> -> memref<64xi32, #tpu.memory_space<vmem>>
        %dma_start3A_652 = arith.constant 0 : i32
        %dma_start3A_653 = arith.constant 0 : i32
        %dma_start3A_654 = tpu.memref_slice %arg4[%dma_start3A_652, %dma_start3A_653] : memref<100001x128xf32, #tpu.memory_space<hbm>> -> memref<100001x128xf32, #tpu.memory_space<hbm>>
        tpu.enqueue_indirect_dma source(%dma_start3A_654 : memref<100001x128xf32, #tpu.memory_space<hbm>>) target(%dma_start3A_650 : memref<64x128xf32, #tpu.memory_space<vmem>>) offsets(%dma_start3A_651 : memref<64xi32, #tpu.memory_space<vmem>>) semaphore(%arg14 : memref<!tpu.dma_semaphore, #tpu.memory_space<semaphore_mem>>)
      } else {
      }
      %dma_wait3A_195 = arith.constant 1 : i32
      %dma_wait3A_196 = arith.constant 0 : i32
      %dma_wait3A_197 = arith.constant 0 : i32
      %dma_wait3A_198 = tpu.memref_slice %arg8[%dma_wait3A_195, %dma_wait3A_196, %dma_wait3A_197] : memref<10x64x128xf32, #tpu.memory_space<vmem>> -> memref<1x64x128xf32, #tpu.memory_space<vmem>>
      %dma_wait3A_199 = tpu.memref_squeeze %dma_wait3A_198 : memref<1x64x128xf32, #tpu.memory_space<vmem>> -> memref<64x128xf32, #tpu.memory_space<vmem>>
      %dma_wait3A_200 = arith.constant 0 : i32
      %dma_wait3A_201 = tpu.memref_slice %arg6[%dma_wait3A_200] : memref<6400xi32, #tpu.memory_space<vmem>> -> memref<64xi32, #tpu.memory_space<vmem>>
      %dma_wait3A_202 = arith.constant 0 : i32
      %dma_wait3A_203 = arith.constant 0 : i32
      %dma_wait3A_204 = tpu.memref_slice %arg4[%dma_wait3A_202, %dma_wait3A_203] : memref<100001x128xf32, #tpu.memory_space<hbm>> -> memref<100001x128xf32, #tpu.memory_space<hbm>>
      tpu.wait_indirect_dma semaphore(%arg10 : memref<!tpu.dma_semaphore, #tpu.memory_space<semaphore_mem>>) src(%dma_wait3A_204 : memref<100001x128xf32, #tpu.memory_space<hbm>>) dst(%dma_wait3A_199 : memref<64x128xf32, #tpu.memory_space<vmem>>)
      %mul3A_205 = arith.constant 64 : i32
      %mul3A_206 = arith.muli %add3A_180, %mul3A_205 : i32
      %add3A_207 = arith.addi %mul3A_2, %mul3A_206 : i32
      %dma_start3A_208 = arith.constant 1 : i32
      %dma_start3A_209 = arith.constant 0 : i32
      %dma_start3A_210 = arith.constant 0 : i32
      %dma_start3A_211 = tpu.memref_slice %arg8[%dma_start3A_208, %dma_start3A_209, %dma_start3A_210] : memref<10x64x128xf32, #tpu.memory_space<vmem>> -> memref<1x64x128xf32, #tpu.memory_space<vmem>>
      %dma_start3A_212 = tpu.memref_squeeze %dma_start3A_211 : memref<1x64x128xf32, #tpu.memory_space<vmem>> -> memref<64x128xf32, #tpu.memory_space<vmem>>
      %dma_start3A_213 = arith.constant 0 : i32
      %dma_start3A_214 = tpu.memref_slice %arg5[%add3A_207, %dma_start3A_213] : memref<204800x128xf32, #tpu.memory_space<hbm>> -> memref<64x128xf32, #tpu.memory_space<hbm>>
      %dma_start3A_215 = arith.constant 0 : i32
      %dma_start3A_216 = tpu.memref_slice %arg5[%add3A_207, %dma_start3A_215] : memref<204800x128xf32, #tpu.memory_space<hbm>> -> memref<64x128xf32, #tpu.memory_space<hbm>>
      %dma_start3A_217 = arith.constant 0 : i32
      %dma_start3A_218 = arith.constant 0 : i32
      %dma_start3A_219 = tpu.memref_slice %arg8[%dma_start3A_208, %dma_start3A_217, %dma_start3A_218] : memref<10x64x128xf32, #tpu.memory_space<vmem>> -> memref<1x64x128xf32, #tpu.memory_space<vmem>>
      %dma_start3A_220 = tpu.memref_squeeze %dma_start3A_219 : memref<1x64x128xf32, #tpu.memory_space<vmem>> -> memref<64x128xf32, #tpu.memory_space<vmem>>
      tpu.enqueue_dma source(%dma_start3A_220 : memref<64x128xf32, #tpu.memory_space<vmem>>) target(%dma_start3A_216 : memref<64x128xf32, #tpu.memory_space<hbm>>) target_semaphore(%arg20 : memref<!tpu.dma_semaphore, #tpu.memory_space<semaphore_mem>>)
      %add3A_221 = arith.constant 2 : i32
      %add3A_222 = arith.addi %mul3A_140, %add3A_221 : i32
      %add3A_223 = arith.constant 4 : i32
      %add3A_224 = arith.addi %add3A_222, %add3A_223 : i32
      %ge3A_225 = arith.constant 10 : i32
      %ge3A_226 = arith.cmpi sge, %add3A_224, %ge3A_225 : i32
      %convert_element_type3A_227 = arith.extui %ge3A_226 : i1 to i32
      %cond3A_228 = arith.constant 0 : i32
      %cond3A_229 = arith.cmpi ne, %convert_element_type3A_227, %cond3A_228 : i32
      scf.if %cond3A_229 {
        %dma_wait3A_558 = arith.constant 6 : i32
        %dma_wait3A_559 = arith.constant 0 : i32
        %dma_wait3A_560 = arith.constant 0 : i32
        %dma_wait3A_561 = tpu.memref_slice %arg8[%dma_wait3A_558, %dma_wait3A_559, %dma_wait3A_560] : memref<10x64x128xf32, #tpu.memory_space<vmem>> -> memref<1x64x128xf32, #tpu.memory_space<vmem>>
        %dma_wait3A_562 = tpu.memref_squeeze %dma_wait3A_561 : memref<1x64x128xf32, #tpu.memory_space<vmem>> -> memref<64x128xf32, #tpu.memory_space<vmem>>
        %dma_wait3A_563 = arith.constant 0 : i32
        %dma_wait3A_564 = tpu.memref_slice %arg5[%mul3A_2, %dma_wait3A_563] : memref<204800x128xf32, #tpu.memory_space<hbm>> -> memref<64x128xf32, #tpu.memory_space<hbm>>
        %dma_wait3A_565 = arith.constant 0 : i32
        %dma_wait3A_566 = tpu.memref_slice %arg5[%mul3A_2, %dma_wait3A_565] : memref<204800x128xf32, #tpu.memory_space<hbm>> -> memref<64x128xf32, #tpu.memory_space<hbm>>
        %dma_wait3A_567 = arith.constant 0 : i32
        %dma_wait3A_568 = arith.constant 0 : i32
        %dma_wait3A_569 = tpu.memref_slice %arg8[%dma_wait3A_558, %dma_wait3A_567, %dma_wait3A_568] : memref<10x64x128xf32, #tpu.memory_space<vmem>> -> memref<1x64x128xf32, #tpu.memory_space<vmem>>
        %dma_wait3A_570 = tpu.memref_squeeze %dma_wait3A_569 : memref<1x64x128xf32, #tpu.memory_space<vmem>> -> memref<64x128xf32, #tpu.memory_space<vmem>>
        tpu.wait_dma2 semaphore(%arg25 : memref<!tpu.dma_semaphore, #tpu.memory_space<semaphore_mem>>) src(%dma_wait3A_570 : memref<64x128xf32, #tpu.memory_space<vmem>>) dst(%dma_wait3A_566 : memref<64x128xf32, #tpu.memory_space<hbm>>)
      } else {
      }
      %add3A_230 = arith.constant 4 : i32
      %add3A_231 = arith.addi %add3A_222, %add3A_230 : i32
      %lt3A_232 = arith.constant 100 : i32
      %lt3A_233 = arith.cmpi slt, %add3A_231, %lt3A_232 : i32
      %convert_element_type3A_234 = arith.extui %lt3A_233 : i1 to i32
      %cond3A_235 = arith.constant 0 : i32
      %cond3A_236 = arith.cmpi ne, %convert_element_type3A_234, %cond3A_235 : i32
      scf.if %cond3A_236 {
        %add3A_558 = arith.constant 4 : i32
        %add3A_559 = arith.addi %add3A_222, %add3A_558 : i32
        %mul3A_560 = arith.constant 64 : i32
        %mul3A_561 = arith.muli %add3A_559, %mul3A_560 : i32
        %add3A_562 = arith.constant 0 : i32
        %add3A_563 = arith.addi %mul3A_561, %add3A_562 : i32
        %get3A_564 = arith.index_cast %add3A_563 : i32 to index
        %get3A_565 = tpu.vector_load %arg6[%get3A_564] {strides = array<i32>} : memref<6400xi32, #tpu.memory_space<vmem>>, vector<16xi32>,
        %get3A_566 = vector.shape_cast %get3A_565 : vector<16xi32> to vector<16xi32>
        %add3A_567 = vector.broadcast %add3A_563 : i32 to vector<16xi32>
        %add3A_568 = arith.addi %add3A_567, %iota3A : vector<16xi32>
        %rem3A = arith.constant 200 : i32
        %rem3A_569 = vector.broadcast %rem3A : i32 to vector<16xi32>
        %rem3A_570 = arith.remsi %add3A_568, %rem3A_569 : vector<16xi32>
        %lt3A_571 = arith.cmpi slt, %rem3A_570, %get3A_4 : vector<16xi32>
        %add3A_572 = arith.constant 1 : i32
        %add3A_573 = vector.broadcast %add3A_572 : i32 to vector<16xi32>
        %add3A_574 = arith.addi %get3A_566, %add3A_573 : vector<16xi32>
        %jit3A = arith.constant 0 : i32
        %broadcast_in_dim3A = vector.broadcast %jit3A : i32 to vector<16xi32>
        %select_n3A = arith.select %lt3A_571, %add3A_574, %broadcast_in_dim3A : vector<16xi1>, vector<16xi32>
        %swap3A = arith.index_cast %add3A_563 : i32 to index
        %swap3A_575 = tpu.vector_load %arg6[%swap3A] {strides = array<i32>} : memref<6400xi32, #tpu.memory_space<vmem>>, vector<16xi32>,
        %swap3A_576 = vector.shape_cast %swap3A_575 : vector<16xi32> to vector<16xi32>
        %swap3A_577 = vector.shape_cast %select_n3A : vector<16xi32> to vector<16xi32>
        tpu.vector_store %arg6[%swap3A], %swap3A_577 {strides = array<i32>} : memref<6400xi32, #tpu.memory_space<vmem>>, vector<16xi32>,
        %add3A_578 = arith.constant 16 : i32
        %add3A_579 = arith.addi %mul3A_561, %add3A_578 : i32
        %get3A_580 = arith.index_cast %add3A_579 : i32 to index
        %get3A_581 = tpu.vector_load %arg6[%get3A_580] {strides = array<i32>} : memref<6400xi32, #tpu.memory_space<vmem>>, vector<16xi32>,
        %get3A_582 = vector.shape_cast %get3A_581 : vector<16xi32> to vector<16xi32>
        %add3A_583 = vector.broadcast %add3A_579 : i32 to vector<16xi32>
        %add3A_584 = arith.addi %add3A_583, %iota3A : vector<16xi32>
        %rem3A_585 = arith.constant 200 : i32
        %rem3A_586 = vector.broadcast %rem3A_585 : i32 to vector<16xi32>
        %rem3A_587 = arith.remsi %add3A_584, %rem3A_586 : vector<16xi32>
        %lt3A_588 = arith.cmpi slt, %rem3A_587, %get3A_4 : vector<16xi32>
        %add3A_589 = arith.constant 1 : i32
        %add3A_590 = vector.broadcast %add3A_589 : i32 to vector<16xi32>
        %add3A_591 = arith.addi %get3A_582, %add3A_590 : vector<16xi32>
        %jit3A_592 = arith.constant 0 : i32
        %broadcast_in_dim3A_593 = vector.broadcast %jit3A_592 : i32 to vector<16xi32>
        %select_n3A_594 = arith.select %lt3A_588, %add3A_591, %broadcast_in_dim3A_593 : vector<16xi1>, vector<16xi32>
        %swap3A_595 = arith.index_cast %add3A_579 : i32 to index
        %swap3A_596 = tpu.vector_load %arg6[%swap3A_595] {strides = array<i32>} : memref<6400xi32, #tpu.memory_space<vmem>>, vector<16xi32>,
        %swap3A_597 = vector.shape_cast %swap3A_596 : vector<16xi32> to vector<16xi32>
        %swap3A_598 = vector.shape_cast %select_n3A_594 : vector<16xi32> to vector<16xi32>
        tpu.vector_store %arg6[%swap3A_595], %swap3A_598 {strides = array<i32>} : memref<6400xi32, #tpu.memory_space<vmem>>, vector<16xi32>,
        %add3A_599 = arith.constant 32 : i32
        %add3A_600 = arith.addi %mul3A_561, %add3A_599 : i32
        %get3A_601 = arith.index_cast %add3A_600 : i32 to index
        %get3A_602 = tpu.vector_load %arg6[%get3A_601] {strides = array<i32>} : memref<6400xi32, #tpu.memory_space<vmem>>, vector<16xi32>,
        %get3A_603 = vector.shape_cast %get3A_602 : vector<16xi32> to vector<16xi32>
        %add3A_604 = vector.broadcast %add3A_600 : i32 to vector<16xi32>
        %add3A_605 = arith.addi %add3A_604, %iota3A : vector<16xi32>
        %rem3A_606 = arith.constant 200 : i32
        %rem3A_607 = vector.broadcast %rem3A_606 : i32 to vector<16xi32>
        %rem3A_608 = arith.remsi %add3A_605, %rem3A_607 : vector<16xi32>
        %lt3A_609 = arith.cmpi slt, %rem3A_608, %get3A_4 : vector<16xi32>
        %add3A_610 = arith.constant 1 : i32
        %add3A_611 = vector.broadcast %add3A_610 : i32 to vector<16xi32>
        %add3A_612 = arith.addi %get3A_603, %add3A_611 : vector<16xi32>
        %jit3A_613 = arith.constant 0 : i32
        %broadcast_in_dim3A_614 = vector.broadcast %jit3A_613 : i32 to vector<16xi32>
        %select_n3A_615 = arith.select %lt3A_609, %add3A_612, %broadcast_in_dim3A_614 : vector<16xi1>, vector<16xi32>
        %swap3A_616 = arith.index_cast %add3A_600 : i32 to index
        %swap3A_617 = tpu.vector_load %arg6[%swap3A_616] {strides = array<i32>} : memref<6400xi32, #tpu.memory_space<vmem>>, vector<16xi32>,
        %swap3A_618 = vector.shape_cast %swap3A_617 : vector<16xi32> to vector<16xi32>
        %swap3A_619 = vector.shape_cast %select_n3A_615 : vector<16xi32> to vector<16xi32>
        tpu.vector_store %arg6[%swap3A_616], %swap3A_619 {strides = array<i32>} : memref<6400xi32, #tpu.memory_space<vmem>>, vector<16xi32>,
        %add3A_620 = arith.constant 48 : i32
        %add3A_621 = arith.addi %mul3A_561, %add3A_620 : i32
        %get3A_622 = arith.index_cast %add3A_621 : i32 to index
        %get3A_623 = tpu.vector_load %arg6[%get3A_622] {strides = array<i32>} : memref<6400xi32, #tpu.memory_space<vmem>>, vector<16xi32>,
        %get3A_624 = vector.shape_cast %get3A_623 : vector<16xi32> to vector<16xi32>
        %add3A_625 = vector.broadcast %add3A_621 : i32 to vector<16xi32>
        %add3A_626 = arith.addi %add3A_625, %iota3A : vector<16xi32>
        %rem3A_627 = arith.constant 200 : i32
        %rem3A_628 = vector.broadcast %rem3A_627 : i32 to vector<16xi32>
        %rem3A_629 = arith.remsi %add3A_626, %rem3A_628 : vector<16xi32>
        %lt3A_630 = arith.cmpi slt, %rem3A_629, %get3A_4 : vector<16xi32>
        %add3A_631 = arith.constant 1 : i32
        %add3A_632 = vector.broadcast %add3A_631 : i32 to vector<16xi32>
        %add3A_633 = arith.addi %get3A_624, %add3A_632 : vector<16xi32>
        %jit3A_634 = arith.constant 0 : i32
        %broadcast_in_dim3A_635 = vector.broadcast %jit3A_634 : i32 to vector<16xi32>
        %select_n3A_636 = arith.select %lt3A_630, %add3A_633, %broadcast_in_dim3A_635 : vector<16xi1>, vector<16xi32>
        %swap3A_637 = arith.index_cast %add3A_621 : i32 to index
        %swap3A_638 = tpu.vector_load %arg6[%swap3A_637] {strides = array<i32>} : memref<6400xi32, #tpu.memory_space<vmem>>, vector<16xi32>,
        %swap3A_639 = vector.shape_cast %swap3A_638 : vector<16xi32> to vector<16xi32>
        %swap3A_640 = vector.shape_cast %select_n3A_636 : vector<16xi32> to vector<16xi32>
        tpu.vector_store %arg6[%swap3A_637], %swap3A_640 {strides = array<i32>} : memref<6400xi32, #tpu.memory_space<vmem>>, vector<16xi32>,
        %add3A_641 = arith.constant 4 : i32
        %add3A_642 = arith.addi %add3A_222, %add3A_641 : i32
        %mul3A_643 = arith.constant 64 : i32
        %mul3A_644 = arith.muli %add3A_642, %mul3A_643 : i32
        %multiple_of3A_645 = tpu.assume_multiple %mul3A_644, 8 : i32
        %dma_start3A_646 = arith.constant 6 : i32
        %dma_start3A_647 = arith.constant 0 : i32
        %dma_start3A_648 = arith.constant 0 : i32
        %dma_start3A_649 = tpu.memref_slice %arg8[%dma_start3A_646, %dma_start3A_647, %dma_start3A_648] : memref<10x64x128xf32, #tpu.memory_space<vmem>> -> memref<1x64x128xf32, #tpu.memory_space<vmem>>
        %dma_start3A_650 = tpu.memref_squeeze %dma_start3A_649 : memref<1x64x128xf32, #tpu.memory_space<vmem>> -> memref<64x128xf32, #tpu.memory_space<vmem>>
        %dma_start3A_651 = tpu.memref_slice %arg6[%multiple_of3A_645] : memref<6400xi32, #tpu.memory_space<vmem>> -> memref<64xi32, #tpu.memory_space<vmem>>
        %dma_start3A_652 = arith.constant 0 : i32
        %dma_start3A_653 = arith.constant 0 : i32
        %dma_start3A_654 = tpu.memref_slice %arg4[%dma_start3A_652, %dma_start3A_653] : memref<100001x128xf32, #tpu.memory_space<hbm>> -> memref<100001x128xf32, #tpu.memory_space<hbm>>
        tpu.enqueue_indirect_dma source(%dma_start3A_654 : memref<100001x128xf32, #tpu.memory_space<hbm>>) target(%dma_start3A_650 : memref<64x128xf32, #tpu.memory_space<vmem>>) offsets(%dma_start3A_651 : memref<64xi32, #tpu.memory_space<vmem>>) semaphore(%arg15 : memref<!tpu.dma_semaphore, #tpu.memory_space<semaphore_mem>>)
      } else {
      }
      %dma_wait3A_237 = arith.constant 2 : i32
      %dma_wait3A_238 = arith.constant 0 : i32
      %dma_wait3A_239 = arith.constant 0 : i32
      %dma_wait3A_240 = tpu.memref_slice %arg8[%dma_wait3A_237, %dma_wait3A_238, %dma_wait3A_239] : memref<10x64x128xf32, #tpu.memory_space<vmem>> -> memref<1x64x128xf32, #tpu.memory_space<vmem>>
      %dma_wait3A_241 = tpu.memref_squeeze %dma_wait3A_240 : memref<1x64x128xf32, #tpu.memory_space<vmem>> -> memref<64x128xf32, #tpu.memory_space<vmem>>
      %dma_wait3A_242 = arith.constant 0 : i32
      %dma_wait3A_243 = tpu.memref_slice %arg6[%dma_wait3A_242] : memref<6400xi32, #tpu.memory_space<vmem>> -> memref<64xi32, #tpu.memory_space<vmem>>
      %dma_wait3A_244 = arith.constant 0 : i32
      %dma_wait3A_245 = arith.constant 0 : i32
      %dma_wait3A_246 = tpu.memref_slice %arg4[%dma_wait3A_244, %dma_wait3A_245] : memref<100001x128xf32, #tpu.memory_space<hbm>> -> memref<100001x128xf32, #tpu.memory_space<hbm>>
      tpu.wait_indirect_dma semaphore(%arg11 : memref<!tpu.dma_semaphore, #tpu.memory_space<semaphore_mem>>) src(%dma_wait3A_246 : memref<100001x128xf32, #tpu.memory_space<hbm>>) dst(%dma_wait3A_241 : memref<64x128xf32, #tpu.memory_space<vmem>>)
      %mul3A_247 = arith.constant 64 : i32
      %mul3A_248 = arith.muli %add3A_222, %mul3A_247 : i32
      %add3A_249 = arith.addi %mul3A_2, %mul3A_248 : i32
      %dma_start3A_250 = arith.constant 2 : i32
      %dma_start3A_251 = arith.constant 0 : i32
      %dma_start3A_252 = arith.constant 0 : i32
      %dma_start3A_253 = tpu.memref_slice %arg8[%dma_start3A_250, %dma_start3A_251, %dma_start3A_252] : memref<10x64x128xf32, #tpu.memory_space<vmem>> -> memref<1x64x128xf32, #tpu.memory_space<vmem>>
      %dma_start3A_254 = tpu.memref_squeeze %dma_start3A_253 : memref<1x64x128xf32, #tpu.memory_space<vmem>> -> memref<64x128xf32, #tpu.memory_space<vmem>>
      %dma_start3A_255 = arith.constant 0 : i32
      %dma_start3A_256 = tpu.memref_slice %arg5[%add3A_249, %dma_start3A_255] : memref<204800x128xf32, #tpu.memory_space<hbm>> -> memref<64x128xf32, #tpu.memory_space<hbm>>
      %dma_start3A_257 = arith.constant 0 : i32
      %dma_start3A_258 = tpu.memref_slice %arg5[%add3A_249, %dma_start3A_257] : memref<204800x128xf32, #tpu.memory_space<hbm>> -> memref<64x128xf32, #tpu.memory_space<hbm>>
      %dma_start3A_259 = arith.constant 0 : i32
      %dma_start3A_260 = arith.constant 0 : i32
      %dma_start3A_261 = tpu.memref_slice %arg8[%dma_start3A_250, %dma_start3A_259, %dma_start3A_260] : memref<10x64x128xf32, #tpu.memory_space<vmem>> -> memref<1x64x128xf32, #tpu.memory_space<vmem>>
      %dma_start3A_262 = tpu.memref_squeeze %dma_start3A_261 : memref<1x64x128xf32, #tpu.memory_space<vmem>> -> memref<64x128xf32, #tpu.memory_space<vmem>>
      tpu.enqueue_dma source(%dma_start3A_262 : memref<64x128xf32, #tpu.memory_space<vmem>>) target(%dma_start3A_258 : memref<64x128xf32, #tpu.memory_space<hbm>>) target_semaphore(%arg21 : memref<!tpu.dma_semaphore, #tpu.memory_space<semaphore_mem>>)
      %add3A_263 = arith.constant 3 : i32
      %add3A_264 = arith.addi %mul3A_140, %add3A_263 : i32
      %add3A_265 = arith.constant 4 : i32
      %add3A_266 = arith.addi %add3A_264, %add3A_265 : i32
      %ge3A_267 = arith.constant 10 : i32
      %ge3A_268 = arith.cmpi sge, %add3A_266, %ge3A_267 : i32
      %convert_element_type3A_269 = arith.extui %ge3A_268 : i1 to i32
      %cond3A_270 = arith.constant 0 : i32
      %cond3A_271 = arith.cmpi ne, %convert_element_type3A_269, %cond3A_270 : i32
      scf.if %cond3A_271 {
        %dma_wait3A_558 = arith.constant 7 : i32
        %dma_wait3A_559 = arith.constant 0 : i32
        %dma_wait3A_560 = arith.constant 0 : i32
        %dma_wait3A_561 = tpu.memref_slice %arg8[%dma_wait3A_558, %dma_wait3A_559, %dma_wait3A_560] : memref<10x64x128xf32, #tpu.memory_space<vmem>> -> memref<1x64x128xf32, #tpu.memory_space<vmem>>
        %dma_wait3A_562 = tpu.memref_squeeze %dma_wait3A_561 : memref<1x64x128xf32, #tpu.memory_space<vmem>> -> memref<64x128xf32, #tpu.memory_space<vmem>>
        %dma_wait3A_563 = arith.constant 0 : i32
        %dma_wait3A_564 = tpu.memref_slice %arg5[%mul3A_2, %dma_wait3A_563] : memref<204800x128xf32, #tpu.memory_space<hbm>> -> memref<64x128xf32, #tpu.memory_space<hbm>>
        %dma_wait3A_565 = arith.constant 0 : i32
        %dma_wait3A_566 = tpu.memref_slice %arg5[%mul3A_2, %dma_wait3A_565] : memref<204800x128xf32, #tpu.memory_space<hbm>> -> memref<64x128xf32, #tpu.memory_space<hbm>>
        %dma_wait3A_567 = arith.constant 0 : i32
        %dma_wait3A_568 = arith.constant 0 : i32
        %dma_wait3A_569 = tpu.memref_slice %arg8[%dma_wait3A_558, %dma_wait3A_567, %dma_wait3A_568] : memref<10x64x128xf32, #tpu.memory_space<vmem>> -> memref<1x64x128xf32, #tpu.memory_space<vmem>>
        %dma_wait3A_570 = tpu.memref_squeeze %dma_wait3A_569 : memref<1x64x128xf32, #tpu.memory_space<vmem>> -> memref<64x128xf32, #tpu.memory_space<vmem>>
        tpu.wait_dma2 semaphore(%arg26 : memref<!tpu.dma_semaphore, #tpu.memory_space<semaphore_mem>>) src(%dma_wait3A_570 : memref<64x128xf32, #tpu.memory_space<vmem>>) dst(%dma_wait3A_566 : memref<64x128xf32, #tpu.memory_space<hbm>>)
      } else {
      }
      %add3A_272 = arith.constant 4 : i32
      %add3A_273 = arith.addi %add3A_264, %add3A_272 : i32
      %lt3A_274 = arith.constant 100 : i32
      %lt3A_275 = arith.cmpi slt, %add3A_273, %lt3A_274 : i32
      %convert_element_type3A_276 = arith.extui %lt3A_275 : i1 to i32
      %cond3A_277 = arith.constant 0 : i32
      %cond3A_278 = arith.cmpi ne, %convert_element_type3A_276, %cond3A_277 : i32
      scf.if %cond3A_278 {
        %add3A_558 = arith.constant 4 : i32
        %add3A_559 = arith.addi %add3A_264, %add3A_558 : i32
        %mul3A_560 = arith.constant 64 : i32
        %mul3A_561 = arith.muli %add3A_559, %mul3A_560 : i32
        %add3A_562 = arith.constant 0 : i32
        %add3A_563 = arith.addi %mul3A_561, %add3A_562 : i32
        %get3A_564 = arith.index_cast %add3A_563 : i32 to index
        %get3A_565 = tpu.vector_load %arg6[%get3A_564] {strides = array<i32>} : memref<6400xi32, #tpu.memory_space<vmem>>, vector<16xi32>,
        %get3A_566 = vector.shape_cast %get3A_565 : vector<16xi32> to vector<16xi32>
        %add3A_567 = vector.broadcast %add3A_563 : i32 to vector<16xi32>
        %add3A_568 = arith.addi %add3A_567, %iota3A : vector<16xi32>
        %rem3A = arith.constant 200 : i32
        %rem3A_569 = vector.broadcast %rem3A : i32 to vector<16xi32>
        %rem3A_570 = arith.remsi %add3A_568, %rem3A_569 : vector<16xi32>
        %lt3A_571 = arith.cmpi slt, %rem3A_570, %get3A_4 : vector<16xi32>
        %add3A_572 = arith.constant 1 : i32
        %add3A_573 = vector.broadcast %add3A_572 : i32 to vector<16xi32>
        %add3A_574 = arith.addi %get3A_566, %add3A_573 : vector<16xi32>
        %jit3A = arith.constant 0 : i32
        %broadcast_in_dim3A = vector.broadcast %jit3A : i32 to vector<16xi32>
        %select_n3A = arith.select %lt3A_571, %add3A_574, %broadcast_in_dim3A : vector<16xi1>, vector<16xi32>
        %swap3A = arith.index_cast %add3A_563 : i32 to index
        %swap3A_575 = tpu.vector_load %arg6[%swap3A] {strides = array<i32>} : memref<6400xi32, #tpu.memory_space<vmem>>, vector<16xi32>,
        %swap3A_576 = vector.shape_cast %swap3A_575 : vector<16xi32> to vector<16xi32>
        %swap3A_577 = vector.shape_cast %select_n3A : vector<16xi32> to vector<16xi32>
        tpu.vector_store %arg6[%swap3A], %swap3A_577 {strides = array<i32>} : memref<6400xi32, #tpu.memory_space<vmem>>, vector<16xi32>,
        %add3A_578 = arith.constant 16 : i32
        %add3A_579 = arith.addi %mul3A_561, %add3A_578 : i32
        %get3A_580 = arith.index_cast %add3A_579 : i32 to index
        %get3A_581 = tpu.vector_load %arg6[%get3A_580] {strides = array<i32>} : memref<6400xi32, #tpu.memory_space<vmem>>, vector<16xi32>,
        %get3A_582 = vector.shape_cast %get3A_581 : vector<16xi32> to vector<16xi32>
        %add3A_583 = vector.broadcast %add3A_579 : i32 to vector<16xi32>
        %add3A_584 = arith.addi %add3A_583, %iota3A : vector<16xi32>
        %rem3A_585 = arith.constant 200 : i32
        %rem3A_586 = vector.broadcast %rem3A_585 : i32 to vector<16xi32>
        %rem3A_587 = arith.remsi %add3A_584, %rem3A_586 : vector<16xi32>
        %lt3A_588 = arith.cmpi slt, %rem3A_587, %get3A_4 : vector<16xi32>
        %add3A_589 = arith.constant 1 : i32
        %add3A_590 = vector.broadcast %add3A_589 : i32 to vector<16xi32>
        %add3A_591 = arith.addi %get3A_582, %add3A_590 : vector<16xi32>
        %jit3A_592 = arith.constant 0 : i32
        %broadcast_in_dim3A_593 = vector.broadcast %jit3A_592 : i32 to vector<16xi32>
        %select_n3A_594 = arith.select %lt3A_588, %add3A_591, %broadcast_in_dim3A_593 : vector<16xi1>, vector<16xi32>
        %swap3A_595 = arith.index_cast %add3A_579 : i32 to index
        %swap3A_596 = tpu.vector_load %arg6[%swap3A_595] {strides = array<i32>} : memref<6400xi32, #tpu.memory_space<vmem>>, vector<16xi32>,
        %swap3A_597 = vector.shape_cast %swap3A_596 : vector<16xi32> to vector<16xi32>
        %swap3A_598 = vector.shape_cast %select_n3A_594 : vector<16xi32> to vector<16xi32>
        tpu.vector_store %arg6[%swap3A_595], %swap3A_598 {strides = array<i32>} : memref<6400xi32, #tpu.memory_space<vmem>>, vector<16xi32>,
        %add3A_599 = arith.constant 32 : i32
        %add3A_600 = arith.addi %mul3A_561, %add3A_599 : i32
        %get3A_601 = arith.index_cast %add3A_600 : i32 to index
        %get3A_602 = tpu.vector_load %arg6[%get3A_601] {strides = array<i32>} : memref<6400xi32, #tpu.memory_space<vmem>>, vector<16xi32>,
        %get3A_603 = vector.shape_cast %get3A_602 : vector<16xi32> to vector<16xi32>
        %add3A_604 = vector.broadcast %add3A_600 : i32 to vector<16xi32>
        %add3A_605 = arith.addi %add3A_604, %iota3A : vector<16xi32>
        %rem3A_606 = arith.constant 200 : i32
        %rem3A_607 = vector.broadcast %rem3A_606 : i32 to vector<16xi32>
        %rem3A_608 = arith.remsi %add3A_605, %rem3A_607 : vector<16xi32>
        %lt3A_609 = arith.cmpi slt, %rem3A_608, %get3A_4 : vector<16xi32>
        %add3A_610 = arith.constant 1 : i32
        %add3A_611 = vector.broadcast %add3A_610 : i32 to vector<16xi32>
        %add3A_612 = arith.addi %get3A_603, %add3A_611 : vector<16xi32>
        %jit3A_613 = arith.constant 0 : i32
        %broadcast_in_dim3A_614 = vector.broadcast %jit3A_613 : i32 to vector<16xi32>
        %select_n3A_615 = arith.select %lt3A_609, %add3A_612, %broadcast_in_dim3A_614 : vector<16xi1>, vector<16xi32>
        %swap3A_616 = arith.index_cast %add3A_600 : i32 to index
        %swap3A_617 = tpu.vector_load %arg6[%swap3A_616] {strides = array<i32>} : memref<6400xi32, #tpu.memory_space<vmem>>, vector<16xi32>,
        %swap3A_618 = vector.shape_cast %swap3A_617 : vector<16xi32> to vector<16xi32>
        %swap3A_619 = vector.shape_cast %select_n3A_615 : vector<16xi32> to vector<16xi32>
        tpu.vector_store %arg6[%swap3A_616], %swap3A_619 {strides = array<i32>} : memref<6400xi32, #tpu.memory_space<vmem>>, vector<16xi32>,
        %add3A_620 = arith.constant 48 : i32
        %add3A_621 = arith.addi %mul3A_561, %add3A_620 : i32
        %get3A_622 = arith.index_cast %add3A_621 : i32 to index
        %get3A_623 = tpu.vector_load %arg6[%get3A_622] {strides = array<i32>} : memref<6400xi32, #tpu.memory_space<vmem>>, vector<16xi32>,
        %get3A_624 = vector.shape_cast %get3A_623 : vector<16xi32> to vector<16xi32>
        %add3A_625 = vector.broadcast %add3A_621 : i32 to vector<16xi32>
        %add3A_626 = arith.addi %add3A_625, %iota3A : vector<16xi32>
        %rem3A_627 = arith.constant 200 : i32
        %rem3A_628 = vector.broadcast %rem3A_627 : i32 to vector<16xi32>
        %rem3A_629 = arith.remsi %add3A_626, %rem3A_628 : vector<16xi32>
        %lt3A_630 = arith.cmpi slt, %rem3A_629, %get3A_4 : vector<16xi32>
        %add3A_631 = arith.constant 1 : i32
        %add3A_632 = vector.broadcast %add3A_631 : i32 to vector<16xi32>
        %add3A_633 = arith.addi %get3A_624, %add3A_632 : vector<16xi32>
        %jit3A_634 = arith.constant 0 : i32
        %broadcast_in_dim3A_635 = vector.broadcast %jit3A_634 : i32 to vector<16xi32>
        %select_n3A_636 = arith.select %lt3A_630, %add3A_633, %broadcast_in_dim3A_635 : vector<16xi1>, vector<16xi32>
        %swap3A_637 = arith.index_cast %add3A_621 : i32 to index
        %swap3A_638 = tpu.vector_load %arg6[%swap3A_637] {strides = array<i32>} : memref<6400xi32, #tpu.memory_space<vmem>>, vector<16xi32>,
        %swap3A_639 = vector.shape_cast %swap3A_638 : vector<16xi32> to vector<16xi32>
        %swap3A_640 = vector.shape_cast %select_n3A_636 : vector<16xi32> to vector<16xi32>
        tpu.vector_store %arg6[%swap3A_637], %swap3A_640 {strides = array<i32>} : memref<6400xi32, #tpu.memory_space<vmem>>, vector<16xi32>,
        %add3A_641 = arith.constant 4 : i32
        %add3A_642 = arith.addi %add3A_264, %add3A_641 : i32
        %mul3A_643 = arith.constant 64 : i32
        %mul3A_644 = arith.muli %add3A_642, %mul3A_643 : i32
        %multiple_of3A_645 = tpu.assume_multiple %mul3A_644, 8 : i32
        %dma_start3A_646 = arith.constant 7 : i32
        %dma_start3A_647 = arith.constant 0 : i32
        %dma_start3A_648 = arith.constant 0 : i32
        %dma_start3A_649 = tpu.memref_slice %arg8[%dma_start3A_646, %dma_start3A_647, %dma_start3A_648] : memref<10x64x128xf32, #tpu.memory_space<vmem>> -> memref<1x64x128xf32, #tpu.memory_space<vmem>>
        %dma_start3A_650 = tpu.memref_squeeze %dma_start3A_649 : memref<1x64x128xf32, #tpu.memory_space<vmem>> -> memref<64x128xf32, #tpu.memory_space<vmem>>
        %dma_start3A_651 = tpu.memref_slice %arg6[%multiple_of3A_645] : memref<6400xi32, #tpu.memory_space<vmem>> -> memref<64xi32, #tpu.memory_space<vmem>>
        %dma_start3A_652 = arith.constant 0 : i32
        %dma_start3A_653 = arith.constant 0 : i32
        %dma_start3A_654 = tpu.memref_slice %arg4[%dma_start3A_652, %dma_start3A_653] : memref<100001x128xf32, #tpu.memory_space<hbm>> -> memref<100001x128xf32, #tpu.memory_space<hbm>>
        tpu.enqueue_indirect_dma source(%dma_start3A_654 : memref<100001x128xf32, #tpu.memory_space<hbm>>) target(%dma_start3A_650 : memref<64x128xf32, #tpu.memory_space<vmem>>) offsets(%dma_start3A_651 : memref<64xi32, #tpu.memory_space<vmem>>) semaphore(%arg16 : memref<!tpu.dma_semaphore, #tpu.memory_space<semaphore_mem>>)
      } else {
      }
      %dma_wait3A_279 = arith.constant 3 : i32
      %dma_wait3A_280 = arith.constant 0 : i32
      %dma_wait3A_281 = arith.constant 0 : i32
      %dma_wait3A_282 = tpu.memref_slice %arg8[%dma_wait3A_279, %dma_wait3A_280, %dma_wait3A_281] : memref<10x64x128xf32, #tpu.memory_space<vmem>> -> memref<1x64x128xf32, #tpu.memory_space<vmem>>
      %dma_wait3A_283 = tpu.memref_squeeze %dma_wait3A_282 : memref<1x64x128xf32, #tpu.memory_space<vmem>> -> memref<64x128xf32, #tpu.memory_space<vmem>>
      %dma_wait3A_284 = arith.constant 0 : i32
      %dma_wait3A_285 = tpu.memref_slice %arg6[%dma_wait3A_284] : memref<6400xi32, #tpu.memory_space<vmem>> -> memref<64xi32, #tpu.memory_space<vmem>>
      %dma_wait3A_286 = arith.constant 0 : i32
      %dma_wait3A_287 = arith.constant 0 : i32
      %dma_wait3A_288 = tpu.memref_slice %arg4[%dma_wait3A_286, %dma_wait3A_287] : memref<100001x128xf32, #tpu.memory_space<hbm>> -> memref<100001x128xf32, #tpu.memory_space<hbm>>
      tpu.wait_indirect_dma semaphore(%arg12 : memref<!tpu.dma_semaphore, #tpu.memory_space<semaphore_mem>>) src(%dma_wait3A_288 : memref<100001x128xf32, #tpu.memory_space<hbm>>) dst(%dma_wait3A_283 : memref<64x128xf32, #tpu.memory_space<vmem>>)
      %mul3A_289 = arith.constant 64 : i32
      %mul3A_290 = arith.muli %add3A_264, %mul3A_289 : i32
      %add3A_291 = arith.addi %mul3A_2, %mul3A_290 : i32
      %dma_start3A_292 = arith.constant 3 : i32
      %dma_start3A_293 = arith.constant 0 : i32
      %dma_start3A_294 = arith.constant 0 : i32
      %dma_start3A_295 = tpu.memref_slice %arg8[%dma_start3A_292, %dma_start3A_293, %dma_start3A_294] : memref<10x64x128xf32, #tpu.memory_space<vmem>> -> memref<1x64x128xf32, #tpu.memory_space<vmem>>
      %dma_start3A_296 = tpu.memref_squeeze %dma_start3A_295 : memref<1x64x128xf32, #tpu.memory_space<vmem>> -> memref<64x128xf32, #tpu.memory_space<vmem>>
      %dma_start3A_297 = arith.constant 0 : i32
      %dma_start3A_298 = tpu.memref_slice %arg5[%add3A_291, %dma_start3A_297] : memref<204800x128xf32, #tpu.memory_space<hbm>> -> memref<64x128xf32, #tpu.memory_space<hbm>>
      %dma_start3A_299 = arith.constant 0 : i32
      %dma_start3A_300 = tpu.memref_slice %arg5[%add3A_291, %dma_start3A_299] : memref<204800x128xf32, #tpu.memory_space<hbm>> -> memref<64x128xf32, #tpu.memory_space<hbm>>
      %dma_start3A_301 = arith.constant 0 : i32
      %dma_start3A_302 = arith.constant 0 : i32
      %dma_start3A_303 = tpu.memref_slice %arg8[%dma_start3A_292, %dma_start3A_301, %dma_start3A_302] : memref<10x64x128xf32, #tpu.memory_space<vmem>> -> memref<1x64x128xf32, #tpu.memory_space<vmem>>
      %dma_start3A_304 = tpu.memref_squeeze %dma_start3A_303 : memref<1x64x128xf32, #tpu.memory_space<vmem>> -> memref<64x128xf32, #tpu.memory_space<vmem>>
      tpu.enqueue_dma source(%dma_start3A_304 : memref<64x128xf32, #tpu.memory_space<vmem>>) target(%dma_start3A_300 : memref<64x128xf32, #tpu.memory_space<hbm>>) target_semaphore(%arg22 : memref<!tpu.dma_semaphore, #tpu.memory_space<semaphore_mem>>)
      %add3A_305 = arith.constant 4 : i32
      %add3A_306 = arith.addi %mul3A_140, %add3A_305 : i32
      %add3A_307 = arith.constant 4 : i32
      %add3A_308 = arith.addi %add3A_306, %add3A_307 : i32
      %ge3A_309 = arith.constant 10 : i32
      %ge3A_310 = arith.cmpi sge, %add3A_308, %ge3A_309 : i32
      %convert_element_type3A_311 = arith.extui %ge3A_310 : i1 to i32
      %cond3A_312 = arith.constant 0 : i32
      %cond3A_313 = arith.cmpi ne, %convert_element_type3A_311, %cond3A_312 : i32
      scf.if %cond3A_313 {
        %dma_wait3A_558 = arith.constant 8 : i32
        %dma_wait3A_559 = arith.constant 0 : i32
        %dma_wait3A_560 = arith.constant 0 : i32
        %dma_wait3A_561 = tpu.memref_slice %arg8[%dma_wait3A_558, %dma_wait3A_559, %dma_wait3A_560] : memref<10x64x128xf32, #tpu.memory_space<vmem>> -> memref<1x64x128xf32, #tpu.memory_space<vmem>>
        %dma_wait3A_562 = tpu.memref_squeeze %dma_wait3A_561 : memref<1x64x128xf32, #tpu.memory_space<vmem>> -> memref<64x128xf32, #tpu.memory_space<vmem>>
        %dma_wait3A_563 = arith.constant 0 : i32
        %dma_wait3A_564 = tpu.memref_slice %arg5[%mul3A_2, %dma_wait3A_563] : memref<204800x128xf32, #tpu.memory_space<hbm>> -> memref<64x128xf32, #tpu.memory_space<hbm>>
        %dma_wait3A_565 = arith.constant 0 : i32
        %dma_wait3A_566 = tpu.memref_slice %arg5[%mul3A_2, %dma_wait3A_565] : memref<204800x128xf32, #tpu.memory_space<hbm>> -> memref<64x128xf32, #tpu.memory_space<hbm>>
        %dma_wait3A_567 = arith.constant 0 : i32
        %dma_wait3A_568 = arith.constant 0 : i32
        %dma_wait3A_569 = tpu.memref_slice %arg8[%dma_wait3A_558, %dma_wait3A_567, %dma_wait3A_568] : memref<10x64x128xf32, #tpu.memory_space<vmem>> -> memref<1x64x128xf32, #tpu.memory_space<vmem>>
        %dma_wait3A_570 = tpu.memref_squeeze %dma_wait3A_569 : memref<1x64x128xf32, #tpu.memory_space<vmem>> -> memref<64x128xf32, #tpu.memory_space<vmem>>
        tpu.wait_dma2 semaphore(%arg27 : memref<!tpu.dma_semaphore, #tpu.memory_space<semaphore_mem>>) src(%dma_wait3A_570 : memref<64x128xf32, #tpu.memory_space<vmem>>) dst(%dma_wait3A_566 : memref<64x128xf32, #tpu.memory_space<hbm>>)
      } else {
      }
      %add3A_314 = arith.constant 4 : i32
      %add3A_315 = arith.addi %add3A_306, %add3A_314 : i32
      %lt3A_316 = arith.constant 100 : i32
      %lt3A_317 = arith.cmpi slt, %add3A_315, %lt3A_316 : i32
      %convert_element_type3A_318 = arith.extui %lt3A_317 : i1 to i32
      %cond3A_319 = arith.constant 0 : i32
      %cond3A_320 = arith.cmpi ne, %convert_element_type3A_318, %cond3A_319 : i32
      scf.if %cond3A_320 {
        %add3A_558 = arith.constant 4 : i32
        %add3A_559 = arith.addi %add3A_306, %add3A_558 : i32
        %mul3A_560 = arith.constant 64 : i32
        %mul3A_561 = arith.muli %add3A_559, %mul3A_560 : i32
        %add3A_562 = arith.constant 0 : i32
        %add3A_563 = arith.addi %mul3A_561, %add3A_562 : i32
        %get3A_564 = arith.index_cast %add3A_563 : i32 to index
        %get3A_565 = tpu.vector_load %arg6[%get3A_564] {strides = array<i32>} : memref<6400xi32, #tpu.memory_space<vmem>>, vector<16xi32>,
        %get3A_566 = vector.shape_cast %get3A_565 : vector<16xi32> to vector<16xi32>
        %add3A_567 = vector.broadcast %add3A_563 : i32 to vector<16xi32>
        %add3A_568 = arith.addi %add3A_567, %iota3A : vector<16xi32>
        %rem3A = arith.constant 200 : i32
        %rem3A_569 = vector.broadcast %rem3A : i32 to vector<16xi32>
        %rem3A_570 = arith.remsi %add3A_568, %rem3A_569 : vector<16xi32>
        %lt3A_571 = arith.cmpi slt, %rem3A_570, %get3A_4 : vector<16xi32>
        %add3A_572 = arith.constant 1 : i32
        %add3A_573 = vector.broadcast %add3A_572 : i32 to vector<16xi32>
        %add3A_574 = arith.addi %get3A_566, %add3A_573 : vector<16xi32>
        %jit3A = arith.constant 0 : i32
        %broadcast_in_dim3A = vector.broadcast %jit3A : i32 to vector<16xi32>
        %select_n3A = arith.select %lt3A_571, %add3A_574, %broadcast_in_dim3A : vector<16xi1>, vector<16xi32>
        %swap3A = arith.index_cast %add3A_563 : i32 to index
        %swap3A_575 = tpu.vector_load %arg6[%swap3A] {strides = array<i32>} : memref<6400xi32, #tpu.memory_space<vmem>>, vector<16xi32>,
        %swap3A_576 = vector.shape_cast %swap3A_575 : vector<16xi32> to vector<16xi32>
        %swap3A_577 = vector.shape_cast %select_n3A : vector<16xi32> to vector<16xi32>
        tpu.vector_store %arg6[%swap3A], %swap3A_577 {strides = array<i32>} : memref<6400xi32, #tpu.memory_space<vmem>>, vector<16xi32>,
        %add3A_578 = arith.constant 16 : i32
        %add3A_579 = arith.addi %mul3A_561, %add3A_578 : i32
        %get3A_580 = arith.index_cast %add3A_579 : i32 to index
        %get3A_581 = tpu.vector_load %arg6[%get3A_580] {strides = array<i32>} : memref<6400xi32, #tpu.memory_space<vmem>>, vector<16xi32>,
        %get3A_582 = vector.shape_cast %get3A_581 : vector<16xi32> to vector<16xi32>
        %add3A_583 = vector.broadcast %add3A_579 : i32 to vector<16xi32>
        %add3A_584 = arith.addi %add3A_583, %iota3A : vector<16xi32>
        %rem3A_585 = arith.constant 200 : i32
        %rem3A_586 = vector.broadcast %rem3A_585 : i32 to vector<16xi32>
        %rem3A_587 = arith.remsi %add3A_584, %rem3A_586 : vector<16xi32>
        %lt3A_588 = arith.cmpi slt, %rem3A_587, %get3A_4 : vector<16xi32>
        %add3A_589 = arith.constant 1 : i32
        %add3A_590 = vector.broadcast %add3A_589 : i32 to vector<16xi32>
        %add3A_591 = arith.addi %get3A_582, %add3A_590 : vector<16xi32>
        %jit3A_592 = arith.constant 0 : i32
        %broadcast_in_dim3A_593 = vector.broadcast %jit3A_592 : i32 to vector<16xi32>
        %select_n3A_594 = arith.select %lt3A_588, %add3A_591, %broadcast_in_dim3A_593 : vector<16xi1>, vector<16xi32>
        %swap3A_595 = arith.index_cast %add3A_579 : i32 to index
        %swap3A_596 = tpu.vector_load %arg6[%swap3A_595] {strides = array<i32>} : memref<6400xi32, #tpu.memory_space<vmem>>, vector<16xi32>,
        %swap3A_597 = vector.shape_cast %swap3A_596 : vector<16xi32> to vector<16xi32>
        %swap3A_598 = vector.shape_cast %select_n3A_594 : vector<16xi32> to vector<16xi32>
        tpu.vector_store %arg6[%swap3A_595], %swap3A_598 {strides = array<i32>} : memref<6400xi32, #tpu.memory_space<vmem>>, vector<16xi32>,
        %add3A_599 = arith.constant 32 : i32
        %add3A_600 = arith.addi %mul3A_561, %add3A_599 : i32
        %get3A_601 = arith.index_cast %add3A_600 : i32 to index
        %get3A_602 = tpu.vector_load %arg6[%get3A_601] {strides = array<i32>} : memref<6400xi32, #tpu.memory_space<vmem>>, vector<16xi32>,
        %get3A_603 = vector.shape_cast %get3A_602 : vector<16xi32> to vector<16xi32>
        %add3A_604 = vector.broadcast %add3A_600 : i32 to vector<16xi32>
        %add3A_605 = arith.addi %add3A_604, %iota3A : vector<16xi32>
        %rem3A_606 = arith.constant 200 : i32
        %rem3A_607 = vector.broadcast %rem3A_606 : i32 to vector<16xi32>
        %rem3A_608 = arith.remsi %add3A_605, %rem3A_607 : vector<16xi32>
        %lt3A_609 = arith.cmpi slt, %rem3A_608, %get3A_4 : vector<16xi32>
        %add3A_610 = arith.constant 1 : i32
        %add3A_611 = vector.broadcast %add3A_610 : i32 to vector<16xi32>
        %add3A_612 = arith.addi %get3A_603, %add3A_611 : vector<16xi32>
        %jit3A_613 = arith.constant 0 : i32
        %broadcast_in_dim3A_614 = vector.broadcast %jit3A_613 : i32 to vector<16xi32>
        %select_n3A_615 = arith.select %lt3A_609, %add3A_612, %broadcast_in_dim3A_614 : vector<16xi1>, vector<16xi32>
        %swap3A_616 = arith.index_cast %add3A_600 : i32 to index
        %swap3A_617 = tpu.vector_load %arg6[%swap3A_616] {strides = array<i32>} : memref<6400xi32, #tpu.memory_space<vmem>>, vector<16xi32>,
        %swap3A_618 = vector.shape_cast %swap3A_617 : vector<16xi32> to vector<16xi32>
        %swap3A_619 = vector.shape_cast %select_n3A_615 : vector<16xi32> to vector<16xi32>
        tpu.vector_store %arg6[%swap3A_616], %swap3A_619 {strides = array<i32>} : memref<6400xi32, #tpu.memory_space<vmem>>, vector<16xi32>,
        %add3A_620 = arith.constant 48 : i32
        %add3A_621 = arith.addi %mul3A_561, %add3A_620 : i32
        %get3A_622 = arith.index_cast %add3A_621 : i32 to index
        %get3A_623 = tpu.vector_load %arg6[%get3A_622] {strides = array<i32>} : memref<6400xi32, #tpu.memory_space<vmem>>, vector<16xi32>,
        %get3A_624 = vector.shape_cast %get3A_623 : vector<16xi32> to vector<16xi32>
        %add3A_625 = vector.broadcast %add3A_621 : i32 to vector<16xi32>
        %add3A_626 = arith.addi %add3A_625, %iota3A : vector<16xi32>
        %rem3A_627 = arith.constant 200 : i32
        %rem3A_628 = vector.broadcast %rem3A_627 : i32 to vector<16xi32>
        %rem3A_629 = arith.remsi %add3A_626, %rem3A_628 : vector<16xi32>
        %lt3A_630 = arith.cmpi slt, %rem3A_629, %get3A_4 : vector<16xi32>
        %add3A_631 = arith.constant 1 : i32
        %add3A_632 = vector.broadcast %add3A_631 : i32 to vector<16xi32>
        %add3A_633 = arith.addi %get3A_624, %add3A_632 : vector<16xi32>
        %jit3A_634 = arith.constant 0 : i32
        %broadcast_in_dim3A_635 = vector.broadcast %jit3A_634 : i32 to vector<16xi32>
        %select_n3A_636 = arith.select %lt3A_630, %add3A_633, %broadcast_in_dim3A_635 : vector<16xi1>, vector<16xi32>
        %swap3A_637 = arith.index_cast %add3A_621 : i32 to index
        %swap3A_638 = tpu.vector_load %arg6[%swap3A_637] {strides = array<i32>} : memref<6400xi32, #tpu.memory_space<vmem>>, vector<16xi32>,
        %swap3A_639 = vector.shape_cast %swap3A_638 : vector<16xi32> to vector<16xi32>
        %swap3A_640 = vector.shape_cast %select_n3A_636 : vector<16xi32> to vector<16xi32>
        tpu.vector_store %arg6[%swap3A_637], %swap3A_640 {strides = array<i32>} : memref<6400xi32, #tpu.memory_space<vmem>>, vector<16xi32>,
        %add3A_641 = arith.constant 4 : i32
        %add3A_642 = arith.addi %add3A_306, %add3A_641 : i32
        %mul3A_643 = arith.constant 64 : i32
        %mul3A_644 = arith.muli %add3A_642, %mul3A_643 : i32
        %multiple_of3A_645 = tpu.assume_multiple %mul3A_644, 8 : i32
        %dma_start3A_646 = arith.constant 8 : i32
        %dma_start3A_647 = arith.constant 0 : i32
        %dma_start3A_648 = arith.constant 0 : i32
        %dma_start3A_649 = tpu.memref_slice %arg8[%dma_start3A_646, %dma_start3A_647, %dma_start3A_648] : memref<10x64x128xf32, #tpu.memory_space<vmem>> -> memref<1x64x128xf32, #tpu.memory_space<vmem>>
        %dma_start3A_650 = tpu.memref_squeeze %dma_start3A_649 : memref<1x64x128xf32, #tpu.memory_space<vmem>> -> memref<64x128xf32, #tpu.memory_space<vmem>>
        %dma_start3A_651 = tpu.memref_slice %arg6[%multiple_of3A_645] : memref<6400xi32, #tpu.memory_space<vmem>> -> memref<64xi32, #tpu.memory_space<vmem>>
        %dma_start3A_652 = arith.constant 0 : i32
        %dma_start3A_653 = arith.constant 0 : i32
        %dma_start3A_654 = tpu.memref_slice %arg4[%dma_start3A_652, %dma_start3A_653] : memref<100001x128xf32, #tpu.memory_space<hbm>> -> memref<100001x128xf32, #tpu.memory_space<hbm>>
        tpu.enqueue_indirect_dma source(%dma_start3A_654 : memref<100001x128xf32, #tpu.memory_space<hbm>>) target(%dma_start3A_650 : memref<64x128xf32, #tpu.memory_space<vmem>>) offsets(%dma_start3A_651 : memref<64xi32, #tpu.memory_space<vmem>>) semaphore(%arg17 : memref<!tpu.dma_semaphore, #tpu.memory_space<semaphore_mem>>)
      } else {
      }
      %dma_wait3A_321 = arith.constant 4 : i32
      %dma_wait3A_322 = arith.constant 0 : i32
      %dma_wait3A_323 = arith.constant 0 : i32
      %dma_wait3A_324 = tpu.memref_slice %arg8[%dma_wait3A_321, %dma_wait3A_322, %dma_wait3A_323] : memref<10x64x128xf32, #tpu.memory_space<vmem>> -> memref<1x64x128xf32, #tpu.memory_space<vmem>>
      %dma_wait3A_325 = tpu.memref_squeeze %dma_wait3A_324 : memref<1x64x128xf32, #tpu.memory_space<vmem>> -> memref<64x128xf32, #tpu.memory_space<vmem>>
      %dma_wait3A_326 = arith.constant 0 : i32
      %dma_wait3A_327 = tpu.memref_slice %arg6[%dma_wait3A_326] : memref<6400xi32, #tpu.memory_space<vmem>> -> memref<64xi32, #tpu.memory_space<vmem>>
      %dma_wait3A_328 = arith.constant 0 : i32
      %dma_wait3A_329 = arith.constant 0 : i32
      %dma_wait3A_330 = tpu.memref_slice %arg4[%dma_wait3A_328, %dma_wait3A_329] : memref<100001x128xf32, #tpu.memory_space<hbm>> -> memref<100001x128xf32, #tpu.memory_space<hbm>>
      tpu.wait_indirect_dma semaphore(%arg13 : memref<!tpu.dma_semaphore, #tpu.memory_space<semaphore_mem>>) src(%dma_wait3A_330 : memref<100001x128xf32, #tpu.memory_space<hbm>>) dst(%dma_wait3A_325 : memref<64x128xf32, #tpu.memory_space<vmem>>)
      %mul3A_331 = arith.constant 64 : i32
      %mul3A_332 = arith.muli %add3A_306, %mul3A_331 : i32
      %add3A_333 = arith.addi %mul3A_2, %mul3A_332 : i32
      %dma_start3A_334 = arith.constant 4 : i32
      %dma_start3A_335 = arith.constant 0 : i32
      %dma_start3A_336 = arith.constant 0 : i32
      %dma_start3A_337 = tpu.memref_slice %arg8[%dma_start3A_334, %dma_start3A_335, %dma_start3A_336] : memref<10x64x128xf32, #tpu.memory_space<vmem>> -> memref<1x64x128xf32, #tpu.memory_space<vmem>>
      %dma_start3A_338 = tpu.memref_squeeze %dma_start3A_337 : memref<1x64x128xf32, #tpu.memory_space<vmem>> -> memref<64x128xf32, #tpu.memory_space<vmem>>
      %dma_start3A_339 = arith.constant 0 : i32
      %dma_start3A_340 = tpu.memref_slice %arg5[%add3A_333, %dma_start3A_339] : memref<204800x128xf32, #tpu.memory_space<hbm>> -> memref<64x128xf32, #tpu.memory_space<hbm>>
      %dma_start3A_341 = arith.constant 0 : i32
      %dma_start3A_342 = tpu.memref_slice %arg5[%add3A_333, %dma_start3A_341] : memref<204800x128xf32, #tpu.memory_space<hbm>> -> memref<64x128xf32, #tpu.memory_space<hbm>>
      %dma_start3A_343 = arith.constant 0 : i32
      %dma_start3A_344 = arith.constant 0 : i32
      %dma_start3A_345 = tpu.memref_slice %arg8[%dma_start3A_334, %dma_start3A_343, %dma_start3A_344] : memref<10x64x128xf32, #tpu.memory_space<vmem>> -> memref<1x64x128xf32, #tpu.memory_space<vmem>>
      %dma_start3A_346 = tpu.memref_squeeze %dma_start3A_345 : memref<1x64x128xf32, #tpu.memory_space<vmem>> -> memref<64x128xf32, #tpu.memory_space<vmem>>
      tpu.enqueue_dma source(%dma_start3A_346 : memref<64x128xf32, #tpu.memory_space<vmem>>) target(%dma_start3A_342 : memref<64x128xf32, #tpu.memory_space<hbm>>) target_semaphore(%arg23 : memref<!tpu.dma_semaphore, #tpu.memory_space<semaphore_mem>>)
      %add3A_347 = arith.constant 5 : i32
      %add3A_348 = arith.addi %mul3A_140, %add3A_347 : i32
      %add3A_349 = arith.constant 4 : i32
      %add3A_350 = arith.addi %add3A_348, %add3A_349 : i32
      %ge3A_351 = arith.constant 10 : i32
      %ge3A_352 = arith.cmpi sge, %add3A_350, %ge3A_351 : i32
      %convert_element_type3A_353 = arith.extui %ge3A_352 : i1 to i32
      %cond3A_354 = arith.constant 0 : i32
      %cond3A_355 = arith.cmpi ne, %convert_element_type3A_353, %cond3A_354 : i32
      scf.if %cond3A_355 {
        %dma_wait3A_558 = arith.constant 9 : i32
        %dma_wait3A_559 = arith.constant 0 : i32
        %dma_wait3A_560 = arith.constant 0 : i32
        %dma_wait3A_561 = tpu.memref_slice %arg8[%dma_wait3A_558, %dma_wait3A_559, %dma_wait3A_560] : memref<10x64x128xf32, #tpu.memory_space<vmem>> -> memref<1x64x128xf32, #tpu.memory_space<vmem>>
        %dma_wait3A_562 = tpu.memref_squeeze %dma_wait3A_561 : memref<1x64x128xf32, #tpu.memory_space<vmem>> -> memref<64x128xf32, #tpu.memory_space<vmem>>
        %dma_wait3A_563 = arith.constant 0 : i32
        %dma_wait3A_564 = tpu.memref_slice %arg5[%mul3A_2, %dma_wait3A_563] : memref<204800x128xf32, #tpu.memory_space<hbm>> -> memref<64x128xf32, #tpu.memory_space<hbm>>
        %dma_wait3A_565 = arith.constant 0 : i32
        %dma_wait3A_566 = tpu.memref_slice %arg5[%mul3A_2, %dma_wait3A_565] : memref<204800x128xf32, #tpu.memory_space<hbm>> -> memref<64x128xf32, #tpu.memory_space<hbm>>
        %dma_wait3A_567 = arith.constant 0 : i32
        %dma_wait3A_568 = arith.constant 0 : i32
        %dma_wait3A_569 = tpu.memref_slice %arg8[%dma_wait3A_558, %dma_wait3A_567, %dma_wait3A_568] : memref<10x64x128xf32, #tpu.memory_space<vmem>> -> memref<1x64x128xf32, #tpu.memory_space<vmem>>
        %dma_wait3A_570 = tpu.memref_squeeze %dma_wait3A_569 : memref<1x64x128xf32, #tpu.memory_space<vmem>> -> memref<64x128xf32, #tpu.memory_space<vmem>>
        tpu.wait_dma2 semaphore(%arg28 : memref<!tpu.dma_semaphore, #tpu.memory_space<semaphore_mem>>) src(%dma_wait3A_570 : memref<64x128xf32, #tpu.memory_space<vmem>>) dst(%dma_wait3A_566 : memref<64x128xf32, #tpu.memory_space<hbm>>)
      } else {
      }
      %add3A_356 = arith.constant 4 : i32
      %add3A_357 = arith.addi %add3A_348, %add3A_356 : i32
      %lt3A_358 = arith.constant 100 : i32
      %lt3A_359 = arith.cmpi slt, %add3A_357, %lt3A_358 : i32
      %convert_element_type3A_360 = arith.extui %lt3A_359 : i1 to i32
      %cond3A_361 = arith.constant 0 : i32
      %cond3A_362 = arith.cmpi ne, %convert_element_type3A_360, %cond3A_361 : i32
      scf.if %cond3A_362 {
        %add3A_558 = arith.constant 4 : i32
        %add3A_559 = arith.addi %add3A_348, %add3A_558 : i32
        %mul3A_560 = arith.constant 64 : i32
        %mul3A_561 = arith.muli %add3A_559, %mul3A_560 : i32
        %add3A_562 = arith.constant 0 : i32
        %add3A_563 = arith.addi %mul3A_561, %add3A_562 : i32
        %get3A_564 = arith.index_cast %add3A_563 : i32 to index
        %get3A_565 = tpu.vector_load %arg6[%get3A_564] {strides = array<i32>} : memref<6400xi32, #tpu.memory_space<vmem>>, vector<16xi32>,
        %get3A_566 = vector.shape_cast %get3A_565 : vector<16xi32> to vector<16xi32>
        %add3A_567 = vector.broadcast %add3A_563 : i32 to vector<16xi32>
        %add3A_568 = arith.addi %add3A_567, %iota3A : vector<16xi32>
        %rem3A = arith.constant 200 : i32
        %rem3A_569 = vector.broadcast %rem3A : i32 to vector<16xi32>
        %rem3A_570 = arith.remsi %add3A_568, %rem3A_569 : vector<16xi32>
        %lt3A_571 = arith.cmpi slt, %rem3A_570, %get3A_4 : vector<16xi32>
        %add3A_572 = arith.constant 1 : i32
        %add3A_573 = vector.broadcast %add3A_572 : i32 to vector<16xi32>
        %add3A_574 = arith.addi %get3A_566, %add3A_573 : vector<16xi32>
        %jit3A = arith.constant 0 : i32
        %broadcast_in_dim3A = vector.broadcast %jit3A : i32 to vector<16xi32>
        %select_n3A = arith.select %lt3A_571, %add3A_574, %broadcast_in_dim3A : vector<16xi1>, vector<16xi32>
        %swap3A = arith.index_cast %add3A_563 : i32 to index
        %swap3A_575 = tpu.vector_load %arg6[%swap3A] {strides = array<i32>} : memref<6400xi32, #tpu.memory_space<vmem>>, vector<16xi32>,
        %swap3A_576 = vector.shape_cast %swap3A_575 : vector<16xi32> to vector<16xi32>
        %swap3A_577 = vector.shape_cast %select_n3A : vector<16xi32> to vector<16xi32>
        tpu.vector_store %arg6[%swap3A], %swap3A_577 {strides = array<i32>} : memref<6400xi32, #tpu.memory_space<vmem>>, vector<16xi32>,
        %add3A_578 = arith.constant 16 : i32
        %add3A_579 = arith.addi %mul3A_561, %add3A_578 : i32
        %get3A_580 = arith.index_cast %add3A_579 : i32 to index
        %get3A_581 = tpu.vector_load %arg6[%get3A_580] {strides = array<i32>} : memref<6400xi32, #tpu.memory_space<vmem>>, vector<16xi32>,
        %get3A_582 = vector.shape_cast %get3A_581 : vector<16xi32> to vector<16xi32>
        %add3A_583 = vector.broadcast %add3A_579 : i32 to vector<16xi32>
        %add3A_584 = arith.addi %add3A_583, %iota3A : vector<16xi32>
        %rem3A_585 = arith.constant 200 : i32
        %rem3A_586 = vector.broadcast %rem3A_585 : i32 to vector<16xi32>
        %rem3A_587 = arith.remsi %add3A_584, %rem3A_586 : vector<16xi32>
        %lt3A_588 = arith.cmpi slt, %rem3A_587, %get3A_4 : vector<16xi32>
        %add3A_589 = arith.constant 1 : i32
        %add3A_590 = vector.broadcast %add3A_589 : i32 to vector<16xi32>
        %add3A_591 = arith.addi %get3A_582, %add3A_590 : vector<16xi32>
        %jit3A_592 = arith.constant 0 : i32
        %broadcast_in_dim3A_593 = vector.broadcast %jit3A_592 : i32 to vector<16xi32>
        %select_n3A_594 = arith.select %lt3A_588, %add3A_591, %broadcast_in_dim3A_593 : vector<16xi1>, vector<16xi32>
        %swap3A_595 = arith.index_cast %add3A_579 : i32 to index
        %swap3A_596 = tpu.vector_load %arg6[%swap3A_595] {strides = array<i32>} : memref<6400xi32, #tpu.memory_space<vmem>>, vector<16xi32>,
        %swap3A_597 = vector.shape_cast %swap3A_596 : vector<16xi32> to vector<16xi32>
        %swap3A_598 = vector.shape_cast %select_n3A_594 : vector<16xi32> to vector<16xi32>
        tpu.vector_store %arg6[%swap3A_595], %swap3A_598 {strides = array<i32>} : memref<6400xi32, #tpu.memory_space<vmem>>, vector<16xi32>,
        %add3A_599 = arith.constant 32 : i32
        %add3A_600 = arith.addi %mul3A_561, %add3A_599 : i32
        %get3A_601 = arith.index_cast %add3A_600 : i32 to index
        %get3A_602 = tpu.vector_load %arg6[%get3A_601] {strides = array<i32>} : memref<6400xi32, #tpu.memory_space<vmem>>, vector<16xi32>,
        %get3A_603 = vector.shape_cast %get3A_602 : vector<16xi32> to vector<16xi32>
        %add3A_604 = vector.broadcast %add3A_600 : i32 to vector<16xi32>
        %add3A_605 = arith.addi %add3A_604, %iota3A : vector<16xi32>
        %rem3A_606 = arith.constant 200 : i32
        %rem3A_607 = vector.broadcast %rem3A_606 : i32 to vector<16xi32>
        %rem3A_608 = arith.remsi %add3A_605, %rem3A_607 : vector<16xi32>
        %lt3A_609 = arith.cmpi slt, %rem3A_608, %get3A_4 : vector<16xi32>
        %add3A_610 = arith.constant 1 : i32
        %add3A_611 = vector.broadcast %add3A_610 : i32 to vector<16xi32>
        %add3A_612 = arith.addi %get3A_603, %add3A_611 : vector<16xi32>
        %jit3A_613 = arith.constant 0 : i32
        %broadcast_in_dim3A_614 = vector.broadcast %jit3A_613 : i32 to vector<16xi32>
        %select_n3A_615 = arith.select %lt3A_609, %add3A_612, %broadcast_in_dim3A_614 : vector<16xi1>, vector<16xi32>
        %swap3A_616 = arith.index_cast %add3A_600 : i32 to index
        %swap3A_617 = tpu.vector_load %arg6[%swap3A_616] {strides = array<i32>} : memref<6400xi32, #tpu.memory_space<vmem>>, vector<16xi32>,
        %swap3A_618 = vector.shape_cast %swap3A_617 : vector<16xi32> to vector<16xi32>
        %swap3A_619 = vector.shape_cast %select_n3A_615 : vector<16xi32> to vector<16xi32>
        tpu.vector_store %arg6[%swap3A_616], %swap3A_619 {strides = array<i32>} : memref<6400xi32, #tpu.memory_space<vmem>>, vector<16xi32>,
        %add3A_620 = arith.constant 48 : i32
        %add3A_621 = arith.addi %mul3A_561, %add3A_620 : i32
        %get3A_622 = arith.index_cast %add3A_621 : i32 to index
        %get3A_623 = tpu.vector_load %arg6[%get3A_622] {strides = array<i32>} : memref<6400xi32, #tpu.memory_space<vmem>>, vector<16xi32>,
        %get3A_624 = vector.shape_cast %get3A_623 : vector<16xi32> to vector<16xi32>
        %add3A_625 = vector.broadcast %add3A_621 : i32 to vector<16xi32>
        %add3A_626 = arith.addi %add3A_625, %iota3A : vector<16xi32>
        %rem3A_627 = arith.constant 200 : i32
        %rem3A_628 = vector.broadcast %rem3A_627 : i32 to vector<16xi32>
        %rem3A_629 = arith.remsi %add3A_626, %rem3A_628 : vector<16xi32>
        %lt3A_630 = arith.cmpi slt, %rem3A_629, %get3A_4 : vector<16xi32>
        %add3A_631 = arith.constant 1 : i32
        %add3A_632 = vector.broadcast %add3A_631 : i32 to vector<16xi32>
        %add3A_633 = arith.addi %get3A_624, %add3A_632 : vector<16xi32>
        %jit3A_634 = arith.constant 0 : i32
        %broadcast_in_dim3A_635 = vector.broadcast %jit3A_634 : i32 to vector<16xi32>
        %select_n3A_636 = arith.select %lt3A_630, %add3A_633, %broadcast_in_dim3A_635 : vector<16xi1>, vector<16xi32>
        %swap3A_637 = arith.index_cast %add3A_621 : i32 to index
        %swap3A_638 = tpu.vector_load %arg6[%swap3A_637] {strides = array<i32>} : memref<6400xi32, #tpu.memory_space<vmem>>, vector<16xi32>,
        %swap3A_639 = vector.shape_cast %swap3A_638 : vector<16xi32> to vector<16xi32>
        %swap3A_640 = vector.shape_cast %select_n3A_636 : vector<16xi32> to vector<16xi32>
        tpu.vector_store %arg6[%swap3A_637], %swap3A_640 {strides = array<i32>} : memref<6400xi32, #tpu.memory_space<vmem>>, vector<16xi32>,
        %add3A_641 = arith.constant 4 : i32
        %add3A_642 = arith.addi %add3A_348, %add3A_641 : i32
        %mul3A_643 = arith.constant 64 : i32
        %mul3A_644 = arith.muli %add3A_642, %mul3A_643 : i32
        %multiple_of3A_645 = tpu.assume_multiple %mul3A_644, 8 : i32
        %dma_start3A_646 = arith.constant 9 : i32
        %dma_start3A_647 = arith.constant 0 : i32
        %dma_start3A_648 = arith.constant 0 : i32
        %dma_start3A_649 = tpu.memref_slice %arg8[%dma_start3A_646, %dma_start3A_647, %dma_start3A_648] : memref<10x64x128xf32, #tpu.memory_space<vmem>> -> memref<1x64x128xf32, #tpu.memory_space<vmem>>
        %dma_start3A_650 = tpu.memref_squeeze %dma_start3A_649 : memref<1x64x128xf32, #tpu.memory_space<vmem>> -> memref<64x128xf32, #tpu.memory_space<vmem>>
        %dma_start3A_651 = tpu.memref_slice %arg6[%multiple_of3A_645] : memref<6400xi32, #tpu.memory_space<vmem>> -> memref<64xi32, #tpu.memory_space<vmem>>
        %dma_start3A_652 = arith.constant 0 : i32
        %dma_start3A_653 = arith.constant 0 : i32
        %dma_start3A_654 = tpu.memref_slice %arg4[%dma_start3A_652, %dma_start3A_653] : memref<100001x128xf32, #tpu.memory_space<hbm>> -> memref<100001x128xf32, #tpu.memory_space<hbm>>
        tpu.enqueue_indirect_dma source(%dma_start3A_654 : memref<100001x128xf32, #tpu.memory_space<hbm>>) target(%dma_start3A_650 : memref<64x128xf32, #tpu.memory_space<vmem>>) offsets(%dma_start3A_651 : memref<64xi32, #tpu.memory_space<vmem>>) semaphore(%arg18 : memref<!tpu.dma_semaphore, #tpu.memory_space<semaphore_mem>>)
      } else {
      }
      %dma_wait3A_363 = arith.constant 5 : i32
      %dma_wait3A_364 = arith.constant 0 : i32
      %dma_wait3A_365 = arith.constant 0 : i32
      %dma_wait3A_366 = tpu.memref_slice %arg8[%dma_wait3A_363, %dma_wait3A_364, %dma_wait3A_365] : memref<10x64x128xf32, #tpu.memory_space<vmem>> -> memref<1x64x128xf32, #tpu.memory_space<vmem>>
      %dma_wait3A_367 = tpu.memref_squeeze %dma_wait3A_366 : memref<1x64x128xf32, #tpu.memory_space<vmem>> -> memref<64x128xf32, #tpu.memory_space<vmem>>
      %dma_wait3A_368 = arith.constant 0 : i32
      %dma_wait3A_369 = tpu.memref_slice %arg6[%dma_wait3A_368] : memref<6400xi32, #tpu.memory_space<vmem>> -> memref<64xi32, #tpu.memory_space<vmem>>
      %dma_wait3A_370 = arith.constant 0 : i32
      %dma_wait3A_371 = arith.constant 0 : i32
      %dma_wait3A_372 = tpu.memref_slice %arg4[%dma_wait3A_370, %dma_wait3A_371] : memref<100001x128xf32, #tpu.memory_space<hbm>> -> memref<100001x128xf32, #tpu.memory_space<hbm>>
      tpu.wait_indirect_dma semaphore(%arg14 : memref<!tpu.dma_semaphore, #tpu.memory_space<semaphore_mem>>) src(%dma_wait3A_372 : memref<100001x128xf32, #tpu.memory_space<hbm>>) dst(%dma_wait3A_367 : memref<64x128xf32, #tpu.memory_space<vmem>>)
      %mul3A_373 = arith.constant 64 : i32
      %mul3A_374 = arith.muli %add3A_348, %mul3A_373 : i32
      %add3A_375 = arith.addi %mul3A_2, %mul3A_374 : i32
      %dma_start3A_376 = arith.constant 5 : i32
      %dma_start3A_377 = arith.constant 0 : i32
      %dma_start3A_378 = arith.constant 0 : i32
      %dma_start3A_379 = tpu.memref_slice %arg8[%dma_start3A_376, %dma_start3A_377, %dma_start3A_378] : memref<10x64x128xf32, #tpu.memory_space<vmem>> -> memref<1x64x128xf32, #tpu.memory_space<vmem>>
      %dma_start3A_380 = tpu.memref_squeeze %dma_start3A_379 : memref<1x64x128xf32, #tpu.memory_space<vmem>> -> memref<64x128xf32, #tpu.memory_space<vmem>>
      %dma_start3A_381 = arith.constant 0 : i32
      %dma_start3A_382 = tpu.memref_slice %arg5[%add3A_375, %dma_start3A_381] : memref<204800x128xf32, #tpu.memory_space<hbm>> -> memref<64x128xf32, #tpu.memory_space<hbm>>
      %dma_start3A_383 = arith.constant 0 : i32
      %dma_start3A_384 = tpu.memref_slice %arg5[%add3A_375, %dma_start3A_383] : memref<204800x128xf32, #tpu.memory_space<hbm>> -> memref<64x128xf32, #tpu.memory_space<hbm>>
      %dma_start3A_385 = arith.constant 0 : i32
      %dma_start3A_386 = arith.constant 0 : i32
      %dma_start3A_387 = tpu.memref_slice %arg8[%dma_start3A_376, %dma_start3A_385, %dma_start3A_386] : memref<10x64x128xf32, #tpu.memory_space<vmem>> -> memref<1x64x128xf32, #tpu.memory_space<vmem>>
      %dma_start3A_388 = tpu.memref_squeeze %dma_start3A_387 : memref<1x64x128xf32, #tpu.memory_space<vmem>> -> memref<64x128xf32, #tpu.memory_space<vmem>>
      tpu.enqueue_dma source(%dma_start3A_388 : memref<64x128xf32, #tpu.memory_space<vmem>>) target(%dma_start3A_384 : memref<64x128xf32, #tpu.memory_space<hbm>>) target_semaphore(%arg24 : memref<!tpu.dma_semaphore, #tpu.memory_space<semaphore_mem>>)
      %add3A_389 = arith.constant 6 : i32
      %add3A_390 = arith.addi %mul3A_140, %add3A_389 : i32
      %add3A_391 = arith.constant 4 : i32
      %add3A_392 = arith.addi %add3A_390, %add3A_391 : i32
      %ge3A_393 = arith.constant 10 : i32
      %ge3A_394 = arith.cmpi sge, %add3A_392, %ge3A_393 : i32
      %convert_element_type3A_395 = arith.extui %ge3A_394 : i1 to i32
      %cond3A_396 = arith.constant 0 : i32
      %cond3A_397 = arith.cmpi ne, %convert_element_type3A_395, %cond3A_396 : i32
      scf.if %cond3A_397 {
        %dma_wait3A_558 = arith.constant 0 : i32
        %dma_wait3A_559 = arith.constant 0 : i32
        %dma_wait3A_560 = arith.constant 0 : i32
        %dma_wait3A_561 = tpu.memref_slice %arg8[%dma_wait3A_558, %dma_wait3A_559, %dma_wait3A_560] : memref<10x64x128xf32, #tpu.memory_space<vmem>> -> memref<1x64x128xf32, #tpu.memory_space<vmem>>
        %dma_wait3A_562 = tpu.memref_squeeze %dma_wait3A_561 : memref<1x64x128xf32, #tpu.memory_space<vmem>> -> memref<64x128xf32, #tpu.memory_space<vmem>>
        %dma_wait3A_563 = arith.constant 0 : i32
        %dma_wait3A_564 = tpu.memref_slice %arg5[%mul3A_2, %dma_wait3A_563] : memref<204800x128xf32, #tpu.memory_space<hbm>> -> memref<64x128xf32, #tpu.memory_space<hbm>>
        %dma_wait3A_565 = arith.constant 0 : i32
        %dma_wait3A_566 = tpu.memref_slice %arg5[%mul3A_2, %dma_wait3A_565] : memref<204800x128xf32, #tpu.memory_space<hbm>> -> memref<64x128xf32, #tpu.memory_space<hbm>>
        %dma_wait3A_567 = arith.constant 0 : i32
        %dma_wait3A_568 = arith.constant 0 : i32
        %dma_wait3A_569 = tpu.memref_slice %arg8[%dma_wait3A_558, %dma_wait3A_567, %dma_wait3A_568] : memref<10x64x128xf32, #tpu.memory_space<vmem>> -> memref<1x64x128xf32, #tpu.memory_space<vmem>>
        %dma_wait3A_570 = tpu.memref_squeeze %dma_wait3A_569 : memref<1x64x128xf32, #tpu.memory_space<vmem>> -> memref<64x128xf32, #tpu.memory_space<vmem>>
        tpu.wait_dma2 semaphore(%arg19 : memref<!tpu.dma_semaphore, #tpu.memory_space<semaphore_mem>>) src(%dma_wait3A_570 : memref<64x128xf32, #tpu.memory_space<vmem>>) dst(%dma_wait3A_566 : memref<64x128xf32, #tpu.memory_space<hbm>>)
      } else {
      }
      %add3A_398 = arith.constant 4 : i32
      %add3A_399 = arith.addi %add3A_390, %add3A_398 : i32
      %lt3A_400 = arith.constant 100 : i32
      %lt3A_401 = arith.cmpi slt, %add3A_399, %lt3A_400 : i32
      %convert_element_type3A_402 = arith.extui %lt3A_401 : i1 to i32
      %cond3A_403 = arith.constant 0 : i32
      %cond3A_404 = arith.cmpi ne, %convert_element_type3A_402, %cond3A_403 : i32
      scf.if %cond3A_404 {
        %add3A_558 = arith.constant 4 : i32
        %add3A_559 = arith.addi %add3A_390, %add3A_558 : i32
        %mul3A_560 = arith.constant 64 : i32
        %mul3A_561 = arith.muli %add3A_559, %mul3A_560 : i32
        %add3A_562 = arith.constant 0 : i32
        %add3A_563 = arith.addi %mul3A_561, %add3A_562 : i32
        %get3A_564 = arith.index_cast %add3A_563 : i32 to index
        %get3A_565 = tpu.vector_load %arg6[%get3A_564] {strides = array<i32>} : memref<6400xi32, #tpu.memory_space<vmem>>, vector<16xi32>,
        %get3A_566 = vector.shape_cast %get3A_565 : vector<16xi32> to vector<16xi32>
        %add3A_567 = vector.broadcast %add3A_563 : i32 to vector<16xi32>
        %add3A_568 = arith.addi %add3A_567, %iota3A : vector<16xi32>
        %rem3A = arith.constant 200 : i32
        %rem3A_569 = vector.broadcast %rem3A : i32 to vector<16xi32>
        %rem3A_570 = arith.remsi %add3A_568, %rem3A_569 : vector<16xi32>
        %lt3A_571 = arith.cmpi slt, %rem3A_570, %get3A_4 : vector<16xi32>
        %add3A_572 = arith.constant 1 : i32
        %add3A_573 = vector.broadcast %add3A_572 : i32 to vector<16xi32>
        %add3A_574 = arith.addi %get3A_566, %add3A_573 : vector<16xi32>
        %jit3A = arith.constant 0 : i32
        %broadcast_in_dim3A = vector.broadcast %jit3A : i32 to vector<16xi32>
        %select_n3A = arith.select %lt3A_571, %add3A_574, %broadcast_in_dim3A : vector<16xi1>, vector<16xi32>
        %swap3A = arith.index_cast %add3A_563 : i32 to index
        %swap3A_575 = tpu.vector_load %arg6[%swap3A] {strides = array<i32>} : memref<6400xi32, #tpu.memory_space<vmem>>, vector<16xi32>,
        %swap3A_576 = vector.shape_cast %swap3A_575 : vector<16xi32> to vector<16xi32>
        %swap3A_577 = vector.shape_cast %select_n3A : vector<16xi32> to vector<16xi32>
        tpu.vector_store %arg6[%swap3A], %swap3A_577 {strides = array<i32>} : memref<6400xi32, #tpu.memory_space<vmem>>, vector<16xi32>,
        %add3A_578 = arith.constant 16 : i32
        %add3A_579 = arith.addi %mul3A_561, %add3A_578 : i32
        %get3A_580 = arith.index_cast %add3A_579 : i32 to index
        %get3A_581 = tpu.vector_load %arg6[%get3A_580] {strides = array<i32>} : memref<6400xi32, #tpu.memory_space<vmem>>, vector<16xi32>,
        %get3A_582 = vector.shape_cast %get3A_581 : vector<16xi32> to vector<16xi32>
        %add3A_583 = vector.broadcast %add3A_579 : i32 to vector<16xi32>
        %add3A_584 = arith.addi %add3A_583, %iota3A : vector<16xi32>
        %rem3A_585 = arith.constant 200 : i32
        %rem3A_586 = vector.broadcast %rem3A_585 : i32 to vector<16xi32>
        %rem3A_587 = arith.remsi %add3A_584, %rem3A_586 : vector<16xi32>
        %lt3A_588 = arith.cmpi slt, %rem3A_587, %get3A_4 : vector<16xi32>
        %add3A_589 = arith.constant 1 : i32
        %add3A_590 = vector.broadcast %add3A_589 : i32 to vector<16xi32>
        %add3A_591 = arith.addi %get3A_582, %add3A_590 : vector<16xi32>
        %jit3A_592 = arith.constant 0 : i32
        %broadcast_in_dim3A_593 = vector.broadcast %jit3A_592 : i32 to vector<16xi32>
        %select_n3A_594 = arith.select %lt3A_588, %add3A_591, %broadcast_in_dim3A_593 : vector<16xi1>, vector<16xi32>
        %swap3A_595 = arith.index_cast %add3A_579 : i32 to index
        %swap3A_596 = tpu.vector_load %arg6[%swap3A_595] {strides = array<i32>} : memref<6400xi32, #tpu.memory_space<vmem>>, vector<16xi32>,
        %swap3A_597 = vector.shape_cast %swap3A_596 : vector<16xi32> to vector<16xi32>
        %swap3A_598 = vector.shape_cast %select_n3A_594 : vector<16xi32> to vector<16xi32>
        tpu.vector_store %arg6[%swap3A_595], %swap3A_598 {strides = array<i32>} : memref<6400xi32, #tpu.memory_space<vmem>>, vector<16xi32>,
        %add3A_599 = arith.constant 32 : i32
        %add3A_600 = arith.addi %mul3A_561, %add3A_599 : i32
        %get3A_601 = arith.index_cast %add3A_600 : i32 to index
        %get3A_602 = tpu.vector_load %arg6[%get3A_601] {strides = array<i32>} : memref<6400xi32, #tpu.memory_space<vmem>>, vector<16xi32>,
        %get3A_603 = vector.shape_cast %get3A_602 : vector<16xi32> to vector<16xi32>
        %add3A_604 = vector.broadcast %add3A_600 : i32 to vector<16xi32>
        %add3A_605 = arith.addi %add3A_604, %iota3A : vector<16xi32>
        %rem3A_606 = arith.constant 200 : i32
        %rem3A_607 = vector.broadcast %rem3A_606 : i32 to vector<16xi32>
        %rem3A_608 = arith.remsi %add3A_605, %rem3A_607 : vector<16xi32>
        %lt3A_609 = arith.cmpi slt, %rem3A_608, %get3A_4 : vector<16xi32>
        %add3A_610 = arith.constant 1 : i32
        %add3A_611 = vector.broadcast %add3A_610 : i32 to vector<16xi32>
        %add3A_612 = arith.addi %get3A_603, %add3A_611 : vector<16xi32>
        %jit3A_613 = arith.constant 0 : i32
        %broadcast_in_dim3A_614 = vector.broadcast %jit3A_613 : i32 to vector<16xi32>
        %select_n3A_615 = arith.select %lt3A_609, %add3A_612, %broadcast_in_dim3A_614 : vector<16xi1>, vector<16xi32>
        %swap3A_616 = arith.index_cast %add3A_600 : i32 to index
        %swap3A_617 = tpu.vector_load %arg6[%swap3A_616] {strides = array<i32>} : memref<6400xi32, #tpu.memory_space<vmem>>, vector<16xi32>,
        %swap3A_618 = vector.shape_cast %swap3A_617 : vector<16xi32> to vector<16xi32>
        %swap3A_619 = vector.shape_cast %select_n3A_615 : vector<16xi32> to vector<16xi32>
        tpu.vector_store %arg6[%swap3A_616], %swap3A_619 {strides = array<i32>} : memref<6400xi32, #tpu.memory_space<vmem>>, vector<16xi32>,
        %add3A_620 = arith.constant 48 : i32
        %add3A_621 = arith.addi %mul3A_561, %add3A_620 : i32
        %get3A_622 = arith.index_cast %add3A_621 : i32 to index
        %get3A_623 = tpu.vector_load %arg6[%get3A_622] {strides = array<i32>} : memref<6400xi32, #tpu.memory_space<vmem>>, vector<16xi32>,
        %get3A_624 = vector.shape_cast %get3A_623 : vector<16xi32> to vector<16xi32>
        %add3A_625 = vector.broadcast %add3A_621 : i32 to vector<16xi32>
        %add3A_626 = arith.addi %add3A_625, %iota3A : vector<16xi32>
        %rem3A_627 = arith.constant 200 : i32
        %rem3A_628 = vector.broadcast %rem3A_627 : i32 to vector<16xi32>
        %rem3A_629 = arith.remsi %add3A_626, %rem3A_628 : vector<16xi32>
        %lt3A_630 = arith.cmpi slt, %rem3A_629, %get3A_4 : vector<16xi32>
        %add3A_631 = arith.constant 1 : i32
        %add3A_632 = vector.broadcast %add3A_631 : i32 to vector<16xi32>
        %add3A_633 = arith.addi %get3A_624, %add3A_632 : vector<16xi32>
        %jit3A_634 = arith.constant 0 : i32
        %broadcast_in_dim3A_635 = vector.broadcast %jit3A_634 : i32 to vector<16xi32>
        %select_n3A_636 = arith.select %lt3A_630, %add3A_633, %broadcast_in_dim3A_635 : vector<16xi1>, vector<16xi32>
        %swap3A_637 = arith.index_cast %add3A_621 : i32 to index
        %swap3A_638 = tpu.vector_load %arg6[%swap3A_637] {strides = array<i32>} : memref<6400xi32, #tpu.memory_space<vmem>>, vector<16xi32>,
        %swap3A_639 = vector.shape_cast %swap3A_638 : vector<16xi32> to vector<16xi32>
        %swap3A_640 = vector.shape_cast %select_n3A_636 : vector<16xi32> to vector<16xi32>
        tpu.vector_store %arg6[%swap3A_637], %swap3A_640 {strides = array<i32>} : memref<6400xi32, #tpu.memory_space<vmem>>, vector<16xi32>,
        %add3A_641 = arith.constant 4 : i32
        %add3A_642 = arith.addi %add3A_390, %add3A_641 : i32
        %mul3A_643 = arith.constant 64 : i32
        %mul3A_644 = arith.muli %add3A_642, %mul3A_643 : i32
        %multiple_of3A_645 = tpu.assume_multiple %mul3A_644, 8 : i32
        %dma_start3A_646 = arith.constant 0 : i32
        %dma_start3A_647 = arith.constant 0 : i32
        %dma_start3A_648 = arith.constant 0 : i32
        %dma_start3A_649 = tpu.memref_slice %arg8[%dma_start3A_646, %dma_start3A_647, %dma_start3A_648] : memref<10x64x128xf32, #tpu.memory_space<vmem>> -> memref<1x64x128xf32, #tpu.memory_space<vmem>>
        %dma_start3A_650 = tpu.memref_squeeze %dma_start3A_649 : memref<1x64x128xf32, #tpu.memory_space<vmem>> -> memref<64x128xf32, #tpu.memory_space<vmem>>
        %dma_start3A_651 = tpu.memref_slice %arg6[%multiple_of3A_645] : memref<6400xi32, #tpu.memory_space<vmem>> -> memref<64xi32, #tpu.memory_space<vmem>>
        %dma_start3A_652 = arith.constant 0 : i32
        %dma_start3A_653 = arith.constant 0 : i32
        %dma_start3A_654 = tpu.memref_slice %arg4[%dma_start3A_652, %dma_start3A_653] : memref<100001x128xf32, #tpu.memory_space<hbm>> -> memref<100001x128xf32, #tpu.memory_space<hbm>>
        tpu.enqueue_indirect_dma source(%dma_start3A_654 : memref<100001x128xf32, #tpu.memory_space<hbm>>) target(%dma_start3A_650 : memref<64x128xf32, #tpu.memory_space<vmem>>) offsets(%dma_start3A_651 : memref<64xi32, #tpu.memory_space<vmem>>) semaphore(%arg9 : memref<!tpu.dma_semaphore, #tpu.memory_space<semaphore_mem>>)
      } else {
      }
      %dma_wait3A_405 = arith.constant 6 : i32
      %dma_wait3A_406 = arith.constant 0 : i32
      %dma_wait3A_407 = arith.constant 0 : i32
      %dma_wait3A_408 = tpu.memref_slice %arg8[%dma_wait3A_405, %dma_wait3A_406, %dma_wait3A_407] : memref<10x64x128xf32, #tpu.memory_space<vmem>> -> memref<1x64x128xf32, #tpu.memory_space<vmem>>
      %dma_wait3A_409 = tpu.memref_squeeze %dma_wait3A_408 : memref<1x64x128xf32, #tpu.memory_space<vmem>> -> memref<64x128xf32, #tpu.memory_space<vmem>>
      %dma_wait3A_410 = arith.constant 0 : i32
      %dma_wait3A_411 = tpu.memref_slice %arg6[%dma_wait3A_410] : memref<6400xi32, #tpu.memory_space<vmem>> -> memref<64xi32, #tpu.memory_space<vmem>>
      %dma_wait3A_412 = arith.constant 0 : i32
      %dma_wait3A_413 = arith.constant 0 : i32
      %dma_wait3A_414 = tpu.memref_slice %arg4[%dma_wait3A_412, %dma_wait3A_413] : memref<100001x128xf32, #tpu.memory_space<hbm>> -> memref<100001x128xf32, #tpu.memory_space<hbm>>
      tpu.wait_indirect_dma semaphore(%arg15 : memref<!tpu.dma_semaphore, #tpu.memory_space<semaphore_mem>>) src(%dma_wait3A_414 : memref<100001x128xf32, #tpu.memory_space<hbm>>) dst(%dma_wait3A_409 : memref<64x128xf32, #tpu.memory_space<vmem>>)
      %mul3A_415 = arith.constant 64 : i32
      %mul3A_416 = arith.muli %add3A_390, %mul3A_415 : i32
      %add3A_417 = arith.addi %mul3A_2, %mul3A_416 : i32
      %dma_start3A_418 = arith.constant 6 : i32
      %dma_start3A_419 = arith.constant 0 : i32
      %dma_start3A_420 = arith.constant 0 : i32
      %dma_start3A_421 = tpu.memref_slice %arg8[%dma_start3A_418, %dma_start3A_419, %dma_start3A_420] : memref<10x64x128xf32, #tpu.memory_space<vmem>> -> memref<1x64x128xf32, #tpu.memory_space<vmem>>
      %dma_start3A_422 = tpu.memref_squeeze %dma_start3A_421 : memref<1x64x128xf32, #tpu.memory_space<vmem>> -> memref<64x128xf32, #tpu.memory_space<vmem>>
      %dma_start3A_423 = arith.constant 0 : i32
      %dma_start3A_424 = tpu.memref_slice %arg5[%add3A_417, %dma_start3A_423] : memref<204800x128xf32, #tpu.memory_space<hbm>> -> memref<64x128xf32, #tpu.memory_space<hbm>>
      %dma_start3A_425 = arith.constant 0 : i32
      %dma_start3A_426 = tpu.memref_slice %arg5[%add3A_417, %dma_start3A_425] : memref<204800x128xf32, #tpu.memory_space<hbm>> -> memref<64x128xf32, #tpu.memory_space<hbm>>
      %dma_start3A_427 = arith.constant 0 : i32
      %dma_start3A_428 = arith.constant 0 : i32
      %dma_start3A_429 = tpu.memref_slice %arg8[%dma_start3A_418, %dma_start3A_427, %dma_start3A_428] : memref<10x64x128xf32, #tpu.memory_space<vmem>> -> memref<1x64x128xf32, #tpu.memory_space<vmem>>
      %dma_start3A_430 = tpu.memref_squeeze %dma_start3A_429 : memref<1x64x128xf32, #tpu.memory_space<vmem>> -> memref<64x128xf32, #tpu.memory_space<vmem>>
      tpu.enqueue_dma source(%dma_start3A_430 : memref<64x128xf32, #tpu.memory_space<vmem>>) target(%dma_start3A_426 : memref<64x128xf32, #tpu.memory_space<hbm>>) target_semaphore(%arg25 : memref<!tpu.dma_semaphore, #tpu.memory_space<semaphore_mem>>)
      %add3A_431 = arith.constant 7 : i32
      %add3A_432 = arith.addi %mul3A_140, %add3A_431 : i32
      %add3A_433 = arith.constant 4 : i32
      %add3A_434 = arith.addi %add3A_432, %add3A_433 : i32
      %ge3A_435 = arith.constant 10 : i32
      %ge3A_436 = arith.cmpi sge, %add3A_434, %ge3A_435 : i32
      %convert_element_type3A_437 = arith.extui %ge3A_436 : i1 to i32
      %cond3A_438 = arith.constant 0 : i32
      %cond3A_439 = arith.cmpi ne, %convert_element_type3A_437, %cond3A_438 : i32
      scf.if %cond3A_439 {
        %dma_wait3A_558 = arith.constant 1 : i32
        %dma_wait3A_559 = arith.constant 0 : i32
        %dma_wait3A_560 = arith.constant 0 : i32
        %dma_wait3A_561 = tpu.memref_slice %arg8[%dma_wait3A_558, %dma_wait3A_559, %dma_wait3A_560] : memref<10x64x128xf32, #tpu.memory_space<vmem>> -> memref<1x64x128xf32, #tpu.memory_space<vmem>>
        %dma_wait3A_562 = tpu.memref_squeeze %dma_wait3A_561 : memref<1x64x128xf32, #tpu.memory_space<vmem>> -> memref<64x128xf32, #tpu.memory_space<vmem>>
        %dma_wait3A_563 = arith.constant 0 : i32
        %dma_wait3A_564 = tpu.memref_slice %arg5[%mul3A_2, %dma_wait3A_563] : memref<204800x128xf32, #tpu.memory_space<hbm>> -> memref<64x128xf32, #tpu.memory_space<hbm>>
        %dma_wait3A_565 = arith.constant 0 : i32
        %dma_wait3A_566 = tpu.memref_slice %arg5[%mul3A_2, %dma_wait3A_565] : memref<204800x128xf32, #tpu.memory_space<hbm>> -> memref<64x128xf32, #tpu.memory_space<hbm>>
        %dma_wait3A_567 = arith.constant 0 : i32
        %dma_wait3A_568 = arith.constant 0 : i32
        %dma_wait3A_569 = tpu.memref_slice %arg8[%dma_wait3A_558, %dma_wait3A_567, %dma_wait3A_568] : memref<10x64x128xf32, #tpu.memory_space<vmem>> -> memref<1x64x128xf32, #tpu.memory_space<vmem>>
        %dma_wait3A_570 = tpu.memref_squeeze %dma_wait3A_569 : memref<1x64x128xf32, #tpu.memory_space<vmem>> -> memref<64x128xf32, #tpu.memory_space<vmem>>
        tpu.wait_dma2 semaphore(%arg20 : memref<!tpu.dma_semaphore, #tpu.memory_space<semaphore_mem>>) src(%dma_wait3A_570 : memref<64x128xf32, #tpu.memory_space<vmem>>) dst(%dma_wait3A_566 : memref<64x128xf32, #tpu.memory_space<hbm>>)
      } else {
      }
      %add3A_440 = arith.constant 4 : i32
      %add3A_441 = arith.addi %add3A_432, %add3A_440 : i32
      %lt3A_442 = arith.constant 100 : i32
      %lt3A_443 = arith.cmpi slt, %add3A_441, %lt3A_442 : i32
      %convert_element_type3A_444 = arith.extui %lt3A_443 : i1 to i32
      %cond3A_445 = arith.constant 0 : i32
      %cond3A_446 = arith.cmpi ne, %convert_element_type3A_444, %cond3A_445 : i32
      scf.if %cond3A_446 {
        %add3A_558 = arith.constant 4 : i32
        %add3A_559 = arith.addi %add3A_432, %add3A_558 : i32
        %mul3A_560 = arith.constant 64 : i32
        %mul3A_561 = arith.muli %add3A_559, %mul3A_560 : i32
        %add3A_562 = arith.constant 0 : i32
        %add3A_563 = arith.addi %mul3A_561, %add3A_562 : i32
        %get3A_564 = arith.index_cast %add3A_563 : i32 to index
        %get3A_565 = tpu.vector_load %arg6[%get3A_564] {strides = array<i32>} : memref<6400xi32, #tpu.memory_space<vmem>>, vector<16xi32>,
        %get3A_566 = vector.shape_cast %get3A_565 : vector<16xi32> to vector<16xi32>
        %add3A_567 = vector.broadcast %add3A_563 : i32 to vector<16xi32>
        %add3A_568 = arith.addi %add3A_567, %iota3A : vector<16xi32>
        %rem3A = arith.constant 200 : i32
        %rem3A_569 = vector.broadcast %rem3A : i32 to vector<16xi32>
        %rem3A_570 = arith.remsi %add3A_568, %rem3A_569 : vector<16xi32>
        %lt3A_571 = arith.cmpi slt, %rem3A_570, %get3A_4 : vector<16xi32>
        %add3A_572 = arith.constant 1 : i32
        %add3A_573 = vector.broadcast %add3A_572 : i32 to vector<16xi32>
        %add3A_574 = arith.addi %get3A_566, %add3A_573 : vector<16xi32>
        %jit3A = arith.constant 0 : i32
        %broadcast_in_dim3A = vector.broadcast %jit3A : i32 to vector<16xi32>
        %select_n3A = arith.select %lt3A_571, %add3A_574, %broadcast_in_dim3A : vector<16xi1>, vector<16xi32>
        %swap3A = arith.index_cast %add3A_563 : i32 to index
        %swap3A_575 = tpu.vector_load %arg6[%swap3A] {strides = array<i32>} : memref<6400xi32, #tpu.memory_space<vmem>>, vector<16xi32>,
        %swap3A_576 = vector.shape_cast %swap3A_575 : vector<16xi32> to vector<16xi32>
        %swap3A_577 = vector.shape_cast %select_n3A : vector<16xi32> to vector<16xi32>
        tpu.vector_store %arg6[%swap3A], %swap3A_577 {strides = array<i32>} : memref<6400xi32, #tpu.memory_space<vmem>>, vector<16xi32>,
        %add3A_578 = arith.constant 16 : i32
        %add3A_579 = arith.addi %mul3A_561, %add3A_578 : i32
        %get3A_580 = arith.index_cast %add3A_579 : i32 to index
        %get3A_581 = tpu.vector_load %arg6[%get3A_580] {strides = array<i32>} : memref<6400xi32, #tpu.memory_space<vmem>>, vector<16xi32>,
        %get3A_582 = vector.shape_cast %get3A_581 : vector<16xi32> to vector<16xi32>
        %add3A_583 = vector.broadcast %add3A_579 : i32 to vector<16xi32>
        %add3A_584 = arith.addi %add3A_583, %iota3A : vector<16xi32>
        %rem3A_585 = arith.constant 200 : i32
        %rem3A_586 = vector.broadcast %rem3A_585 : i32 to vector<16xi32>
        %rem3A_587 = arith.remsi %add3A_584, %rem3A_586 : vector<16xi32>
        %lt3A_588 = arith.cmpi slt, %rem3A_587, %get3A_4 : vector<16xi32>
        %add3A_589 = arith.constant 1 : i32
        %add3A_590 = vector.broadcast %add3A_589 : i32 to vector<16xi32>
        %add3A_591 = arith.addi %get3A_582, %add3A_590 : vector<16xi32>
        %jit3A_592 = arith.constant 0 : i32
        %broadcast_in_dim3A_593 = vector.broadcast %jit3A_592 : i32 to vector<16xi32>
        %select_n3A_594 = arith.select %lt3A_588, %add3A_591, %broadcast_in_dim3A_593 : vector<16xi1>, vector<16xi32>
        %swap3A_595 = arith.index_cast %add3A_579 : i32 to index
        %swap3A_596 = tpu.vector_load %arg6[%swap3A_595] {strides = array<i32>} : memref<6400xi32, #tpu.memory_space<vmem>>, vector<16xi32>,
        %swap3A_597 = vector.shape_cast %swap3A_596 : vector<16xi32> to vector<16xi32>
        %swap3A_598 = vector.shape_cast %select_n3A_594 : vector<16xi32> to vector<16xi32>
        tpu.vector_store %arg6[%swap3A_595], %swap3A_598 {strides = array<i32>} : memref<6400xi32, #tpu.memory_space<vmem>>, vector<16xi32>,
        %add3A_599 = arith.constant 32 : i32
        %add3A_600 = arith.addi %mul3A_561, %add3A_599 : i32
        %get3A_601 = arith.index_cast %add3A_600 : i32 to index
        %get3A_602 = tpu.vector_load %arg6[%get3A_601] {strides = array<i32>} : memref<6400xi32, #tpu.memory_space<vmem>>, vector<16xi32>,
        %get3A_603 = vector.shape_cast %get3A_602 : vector<16xi32> to vector<16xi32>
        %add3A_604 = vector.broadcast %add3A_600 : i32 to vector<16xi32>
        %add3A_605 = arith.addi %add3A_604, %iota3A : vector<16xi32>
        %rem3A_606 = arith.constant 200 : i32
        %rem3A_607 = vector.broadcast %rem3A_606 : i32 to vector<16xi32>
        %rem3A_608 = arith.remsi %add3A_605, %rem3A_607 : vector<16xi32>
        %lt3A_609 = arith.cmpi slt, %rem3A_608, %get3A_4 : vector<16xi32>
        %add3A_610 = arith.constant 1 : i32
        %add3A_611 = vector.broadcast %add3A_610 : i32 to vector<16xi32>
        %add3A_612 = arith.addi %get3A_603, %add3A_611 : vector<16xi32>
        %jit3A_613 = arith.constant 0 : i32
        %broadcast_in_dim3A_614 = vector.broadcast %jit3A_613 : i32 to vector<16xi32>
        %select_n3A_615 = arith.select %lt3A_609, %add3A_612, %broadcast_in_dim3A_614 : vector<16xi1>, vector<16xi32>
        %swap3A_616 = arith.index_cast %add3A_600 : i32 to index
        %swap3A_617 = tpu.vector_load %arg6[%swap3A_616] {strides = array<i32>} : memref<6400xi32, #tpu.memory_space<vmem>>, vector<16xi32>,
        %swap3A_618 = vector.shape_cast %swap3A_617 : vector<16xi32> to vector<16xi32>
        %swap3A_619 = vector.shape_cast %select_n3A_615 : vector<16xi32> to vector<16xi32>
        tpu.vector_store %arg6[%swap3A_616], %swap3A_619 {strides = array<i32>} : memref<6400xi32, #tpu.memory_space<vmem>>, vector<16xi32>,
        %add3A_620 = arith.constant 48 : i32
        %add3A_621 = arith.addi %mul3A_561, %add3A_620 : i32
        %get3A_622 = arith.index_cast %add3A_621 : i32 to index
        %get3A_623 = tpu.vector_load %arg6[%get3A_622] {strides = array<i32>} : memref<6400xi32, #tpu.memory_space<vmem>>, vector<16xi32>,
        %get3A_624 = vector.shape_cast %get3A_623 : vector<16xi32> to vector<16xi32>
        %add3A_625 = vector.broadcast %add3A_621 : i32 to vector<16xi32>
        %add3A_626 = arith.addi %add3A_625, %iota3A : vector<16xi32>
        %rem3A_627 = arith.constant 200 : i32
        %rem3A_628 = vector.broadcast %rem3A_627 : i32 to vector<16xi32>
        %rem3A_629 = arith.remsi %add3A_626, %rem3A_628 : vector<16xi32>
        %lt3A_630 = arith.cmpi slt, %rem3A_629, %get3A_4 : vector<16xi32>
        %add3A_631 = arith.constant 1 : i32
        %add3A_632 = vector.broadcast %add3A_631 : i32 to vector<16xi32>
        %add3A_633 = arith.addi %get3A_624, %add3A_632 : vector<16xi32>
        %jit3A_634 = arith.constant 0 : i32
        %broadcast_in_dim3A_635 = vector.broadcast %jit3A_634 : i32 to vector<16xi32>
        %select_n3A_636 = arith.select %lt3A_630, %add3A_633, %broadcast_in_dim3A_635 : vector<16xi1>, vector<16xi32>
        %swap3A_637 = arith.index_cast %add3A_621 : i32 to index
        %swap3A_638 = tpu.vector_load %arg6[%swap3A_637] {strides = array<i32>} : memref<6400xi32, #tpu.memory_space<vmem>>, vector<16xi32>,
        %swap3A_639 = vector.shape_cast %swap3A_638 : vector<16xi32> to vector<16xi32>
        %swap3A_640 = vector.shape_cast %select_n3A_636 : vector<16xi32> to vector<16xi32>
        tpu.vector_store %arg6[%swap3A_637], %swap3A_640 {strides = array<i32>} : memref<6400xi32, #tpu.memory_space<vmem>>, vector<16xi32>,
        %add3A_641 = arith.constant 4 : i32
        %add3A_642 = arith.addi %add3A_432, %add3A_641 : i32
        %mul3A_643 = arith.constant 64 : i32
        %mul3A_644 = arith.muli %add3A_642, %mul3A_643 : i32
        %multiple_of3A_645 = tpu.assume_multiple %mul3A_644, 8 : i32
        %dma_start3A_646 = arith.constant 1 : i32
        %dma_start3A_647 = arith.constant 0 : i32
        %dma_start3A_648 = arith.constant 0 : i32
        %dma_start3A_649 = tpu.memref_slice %arg8[%dma_start3A_646, %dma_start3A_647, %dma_start3A_648] : memref<10x64x128xf32, #tpu.memory_space<vmem>> -> memref<1x64x128xf32, #tpu.memory_space<vmem>>
        %dma_start3A_650 = tpu.memref_squeeze %dma_start3A_649 : memref<1x64x128xf32, #tpu.memory_space<vmem>> -> memref<64x128xf32, #tpu.memory_space<vmem>>
        %dma_start3A_651 = tpu.memref_slice %arg6[%multiple_of3A_645] : memref<6400xi32, #tpu.memory_space<vmem>> -> memref<64xi32, #tpu.memory_space<vmem>>
        %dma_start3A_652 = arith.constant 0 : i32
        %dma_start3A_653 = arith.constant 0 : i32
        %dma_start3A_654 = tpu.memref_slice %arg4[%dma_start3A_652, %dma_start3A_653] : memref<100001x128xf32, #tpu.memory_space<hbm>> -> memref<100001x128xf32, #tpu.memory_space<hbm>>
        tpu.enqueue_indirect_dma source(%dma_start3A_654 : memref<100001x128xf32, #tpu.memory_space<hbm>>) target(%dma_start3A_650 : memref<64x128xf32, #tpu.memory_space<vmem>>) offsets(%dma_start3A_651 : memref<64xi32, #tpu.memory_space<vmem>>) semaphore(%arg10 : memref<!tpu.dma_semaphore, #tpu.memory_space<semaphore_mem>>)
      } else {
      }
      %dma_wait3A_447 = arith.constant 7 : i32
      %dma_wait3A_448 = arith.constant 0 : i32
      %dma_wait3A_449 = arith.constant 0 : i32
      %dma_wait3A_450 = tpu.memref_slice %arg8[%dma_wait3A_447, %dma_wait3A_448, %dma_wait3A_449] : memref<10x64x128xf32, #tpu.memory_space<vmem>> -> memref<1x64x128xf32, #tpu.memory_space<vmem>>
      %dma_wait3A_451 = tpu.memref_squeeze %dma_wait3A_450 : memref<1x64x128xf32, #tpu.memory_space<vmem>> -> memref<64x128xf32, #tpu.memory_space<vmem>>
      %dma_wait3A_452 = arith.constant 0 : i32
      %dma_wait3A_453 = tpu.memref_slice %arg6[%dma_wait3A_452] : memref<6400xi32, #tpu.memory_space<vmem>> -> memref<64xi32, #tpu.memory_space<vmem>>
      %dma_wait3A_454 = arith.constant 0 : i32
      %dma_wait3A_455 = arith.constant 0 : i32
      %dma_wait3A_456 = tpu.memref_slice %arg4[%dma_wait3A_454, %dma_wait3A_455] : memref<100001x128xf32, #tpu.memory_space<hbm>> -> memref<100001x128xf32, #tpu.memory_space<hbm>>
      tpu.wait_indirect_dma semaphore(%arg16 : memref<!tpu.dma_semaphore, #tpu.memory_space<semaphore_mem>>) src(%dma_wait3A_456 : memref<100001x128xf32, #tpu.memory_space<hbm>>) dst(%dma_wait3A_451 : memref<64x128xf32, #tpu.memory_space<vmem>>)
      %mul3A_457 = arith.constant 64 : i32
      %mul3A_458 = arith.muli %add3A_432, %mul3A_457 : i32
      %add3A_459 = arith.addi %mul3A_2, %mul3A_458 : i32
      %dma_start3A_460 = arith.constant 7 : i32
      %dma_start3A_461 = arith.constant 0 : i32
      %dma_start3A_462 = arith.constant 0 : i32
      %dma_start3A_463 = tpu.memref_slice %arg8[%dma_start3A_460, %dma_start3A_461, %dma_start3A_462] : memref<10x64x128xf32, #tpu.memory_space<vmem>> -> memref<1x64x128xf32, #tpu.memory_space<vmem>>
      %dma_start3A_464 = tpu.memref_squeeze %dma_start3A_463 : memref<1x64x128xf32, #tpu.memory_space<vmem>> -> memref<64x128xf32, #tpu.memory_space<vmem>>
      %dma_start3A_465 = arith.constant 0 : i32
      %dma_start3A_466 = tpu.memref_slice %arg5[%add3A_459, %dma_start3A_465] : memref<204800x128xf32, #tpu.memory_space<hbm>> -> memref<64x128xf32, #tpu.memory_space<hbm>>
      %dma_start3A_467 = arith.constant 0 : i32
      %dma_start3A_468 = tpu.memref_slice %arg5[%add3A_459, %dma_start3A_467] : memref<204800x128xf32, #tpu.memory_space<hbm>> -> memref<64x128xf32, #tpu.memory_space<hbm>>
      %dma_start3A_469 = arith.constant 0 : i32
      %dma_start3A_470 = arith.constant 0 : i32
      %dma_start3A_471 = tpu.memref_slice %arg8[%dma_start3A_460, %dma_start3A_469, %dma_start3A_470] : memref<10x64x128xf32, #tpu.memory_space<vmem>> -> memref<1x64x128xf32, #tpu.memory_space<vmem>>
      %dma_start3A_472 = tpu.memref_squeeze %dma_start3A_471 : memref<1x64x128xf32, #tpu.memory_space<vmem>> -> memref<64x128xf32, #tpu.memory_space<vmem>>
      tpu.enqueue_dma source(%dma_start3A_472 : memref<64x128xf32, #tpu.memory_space<vmem>>) target(%dma_start3A_468 : memref<64x128xf32, #tpu.memory_space<hbm>>) target_semaphore(%arg26 : memref<!tpu.dma_semaphore, #tpu.memory_space<semaphore_mem>>)
      %add3A_473 = arith.constant 8 : i32
      %add3A_474 = arith.addi %mul3A_140, %add3A_473 : i32
      %add3A_475 = arith.constant 4 : i32
      %add3A_476 = arith.addi %add3A_474, %add3A_475 : i32
      %ge3A_477 = arith.constant 10 : i32
      %ge3A_478 = arith.cmpi sge, %add3A_476, %ge3A_477 : i32
      %convert_element_type3A_479 = arith.extui %ge3A_478 : i1 to i32
      %cond3A_480 = arith.constant 0 : i32
      %cond3A_481 = arith.cmpi ne, %convert_element_type3A_479, %cond3A_480 : i32
      scf.if %cond3A_481 {
        %dma_wait3A_558 = arith.constant 2 : i32
        %dma_wait3A_559 = arith.constant 0 : i32
        %dma_wait3A_560 = arith.constant 0 : i32
        %dma_wait3A_561 = tpu.memref_slice %arg8[%dma_wait3A_558, %dma_wait3A_559, %dma_wait3A_560] : memref<10x64x128xf32, #tpu.memory_space<vmem>> -> memref<1x64x128xf32, #tpu.memory_space<vmem>>
        %dma_wait3A_562 = tpu.memref_squeeze %dma_wait3A_561 : memref<1x64x128xf32, #tpu.memory_space<vmem>> -> memref<64x128xf32, #tpu.memory_space<vmem>>
        %dma_wait3A_563 = arith.constant 0 : i32
        %dma_wait3A_564 = tpu.memref_slice %arg5[%mul3A_2, %dma_wait3A_563] : memref<204800x128xf32, #tpu.memory_space<hbm>> -> memref<64x128xf32, #tpu.memory_space<hbm>>
        %dma_wait3A_565 = arith.constant 0 : i32
        %dma_wait3A_566 = tpu.memref_slice %arg5[%mul3A_2, %dma_wait3A_565] : memref<204800x128xf32, #tpu.memory_space<hbm>> -> memref<64x128xf32, #tpu.memory_space<hbm>>
        %dma_wait3A_567 = arith.constant 0 : i32
        %dma_wait3A_568 = arith.constant 0 : i32
        %dma_wait3A_569 = tpu.memref_slice %arg8[%dma_wait3A_558, %dma_wait3A_567, %dma_wait3A_568] : memref<10x64x128xf32, #tpu.memory_space<vmem>> -> memref<1x64x128xf32, #tpu.memory_space<vmem>>
        %dma_wait3A_570 = tpu.memref_squeeze %dma_wait3A_569 : memref<1x64x128xf32, #tpu.memory_space<vmem>> -> memref<64x128xf32, #tpu.memory_space<vmem>>
        tpu.wait_dma2 semaphore(%arg21 : memref<!tpu.dma_semaphore, #tpu.memory_space<semaphore_mem>>) src(%dma_wait3A_570 : memref<64x128xf32, #tpu.memory_space<vmem>>) dst(%dma_wait3A_566 : memref<64x128xf32, #tpu.memory_space<hbm>>)
      } else {
      }
      %add3A_482 = arith.constant 4 : i32
      %add3A_483 = arith.addi %add3A_474, %add3A_482 : i32
      %lt3A_484 = arith.constant 100 : i32
      %lt3A_485 = arith.cmpi slt, %add3A_483, %lt3A_484 : i32
      %convert_element_type3A_486 = arith.extui %lt3A_485 : i1 to i32
      %cond3A_487 = arith.constant 0 : i32
      %cond3A_488 = arith.cmpi ne, %convert_element_type3A_486, %cond3A_487 : i32
      scf.if %cond3A_488 {
        %add3A_558 = arith.constant 4 : i32
        %add3A_559 = arith.addi %add3A_474, %add3A_558 : i32
        %mul3A_560 = arith.constant 64 : i32
        %mul3A_561 = arith.muli %add3A_559, %mul3A_560 : i32
        %add3A_562 = arith.constant 0 : i32
        %add3A_563 = arith.addi %mul3A_561, %add3A_562 : i32
        %get3A_564 = arith.index_cast %add3A_563 : i32 to index
        %get3A_565 = tpu.vector_load %arg6[%get3A_564] {strides = array<i32>} : memref<6400xi32, #tpu.memory_space<vmem>>, vector<16xi32>,
        %get3A_566 = vector.shape_cast %get3A_565 : vector<16xi32> to vector<16xi32>
        %add3A_567 = vector.broadcast %add3A_563 : i32 to vector<16xi32>
        %add3A_568 = arith.addi %add3A_567, %iota3A : vector<16xi32>
        %rem3A = arith.constant 200 : i32
        %rem3A_569 = vector.broadcast %rem3A : i32 to vector<16xi32>
        %rem3A_570 = arith.remsi %add3A_568, %rem3A_569 : vector<16xi32>
        %lt3A_571 = arith.cmpi slt, %rem3A_570, %get3A_4 : vector<16xi32>
        %add3A_572 = arith.constant 1 : i32
        %add3A_573 = vector.broadcast %add3A_572 : i32 to vector<16xi32>
        %add3A_574 = arith.addi %get3A_566, %add3A_573 : vector<16xi32>
        %jit3A = arith.constant 0 : i32
        %broadcast_in_dim3A = vector.broadcast %jit3A : i32 to vector<16xi32>
        %select_n3A = arith.select %lt3A_571, %add3A_574, %broadcast_in_dim3A : vector<16xi1>, vector<16xi32>
        %swap3A = arith.index_cast %add3A_563 : i32 to index
        %swap3A_575 = tpu.vector_load %arg6[%swap3A] {strides = array<i32>} : memref<6400xi32, #tpu.memory_space<vmem>>, vector<16xi32>,
        %swap3A_576 = vector.shape_cast %swap3A_575 : vector<16xi32> to vector<16xi32>
        %swap3A_577 = vector.shape_cast %select_n3A : vector<16xi32> to vector<16xi32>
        tpu.vector_store %arg6[%swap3A], %swap3A_577 {strides = array<i32>} : memref<6400xi32, #tpu.memory_space<vmem>>, vector<16xi32>,
        %add3A_578 = arith.constant 16 : i32
        %add3A_579 = arith.addi %mul3A_561, %add3A_578 : i32
        %get3A_580 = arith.index_cast %add3A_579 : i32 to index
        %get3A_581 = tpu.vector_load %arg6[%get3A_580] {strides = array<i32>} : memref<6400xi32, #tpu.memory_space<vmem>>, vector<16xi32>,
        %get3A_582 = vector.shape_cast %get3A_581 : vector<16xi32> to vector<16xi32>
        %add3A_583 = vector.broadcast %add3A_579 : i32 to vector<16xi32>
        %add3A_584 = arith.addi %add3A_583, %iota3A : vector<16xi32>
        %rem3A_585 = arith.constant 200 : i32
        %rem3A_586 = vector.broadcast %rem3A_585 : i32 to vector<16xi32>
        %rem3A_587 = arith.remsi %add3A_584, %rem3A_586 : vector<16xi32>
        %lt3A_588 = arith.cmpi slt, %rem3A_587, %get3A_4 : vector<16xi32>
        %add3A_589 = arith.constant 1 : i32
        %add3A_590 = vector.broadcast %add3A_589 : i32 to vector<16xi32>
        %add3A_591 = arith.addi %get3A_582, %add3A_590 : vector<16xi32>
        %jit3A_592 = arith.constant 0 : i32
        %broadcast_in_dim3A_593 = vector.broadcast %jit3A_592 : i32 to vector<16xi32>
        %select_n3A_594 = arith.select %lt3A_588, %add3A_591, %broadcast_in_dim3A_593 : vector<16xi1>, vector<16xi32>
        %swap3A_595 = arith.index_cast %add3A_579 : i32 to index
        %swap3A_596 = tpu.vector_load %arg6[%swap3A_595] {strides = array<i32>} : memref<6400xi32, #tpu.memory_space<vmem>>, vector<16xi32>,
        %swap3A_597 = vector.shape_cast %swap3A_596 : vector<16xi32> to vector<16xi32>
        %swap3A_598 = vector.shape_cast %select_n3A_594 : vector<16xi32> to vector<16xi32>
        tpu.vector_store %arg6[%swap3A_595], %swap3A_598 {strides = array<i32>} : memref<6400xi32, #tpu.memory_space<vmem>>, vector<16xi32>,
        %add3A_599 = arith.constant 32 : i32
        %add3A_600 = arith.addi %mul3A_561, %add3A_599 : i32
        %get3A_601 = arith.index_cast %add3A_600 : i32 to index
        %get3A_602 = tpu.vector_load %arg6[%get3A_601] {strides = array<i32>} : memref<6400xi32, #tpu.memory_space<vmem>>, vector<16xi32>,
        %get3A_603 = vector.shape_cast %get3A_602 : vector<16xi32> to vector<16xi32>
        %add3A_604 = vector.broadcast %add3A_600 : i32 to vector<16xi32>
        %add3A_605 = arith.addi %add3A_604, %iota3A : vector<16xi32>
        %rem3A_606 = arith.constant 200 : i32
        %rem3A_607 = vector.broadcast %rem3A_606 : i32 to vector<16xi32>
        %rem3A_608 = arith.remsi %add3A_605, %rem3A_607 : vector<16xi32>
        %lt3A_609 = arith.cmpi slt, %rem3A_608, %get3A_4 : vector<16xi32>
        %add3A_610 = arith.constant 1 : i32
        %add3A_611 = vector.broadcast %add3A_610 : i32 to vector<16xi32>
        %add3A_612 = arith.addi %get3A_603, %add3A_611 : vector<16xi32>
        %jit3A_613 = arith.constant 0 : i32
        %broadcast_in_dim3A_614 = vector.broadcast %jit3A_613 : i32 to vector<16xi32>
        %select_n3A_615 = arith.select %lt3A_609, %add3A_612, %broadcast_in_dim3A_614 : vector<16xi1>, vector<16xi32>
        %swap3A_616 = arith.index_cast %add3A_600 : i32 to index
        %swap3A_617 = tpu.vector_load %arg6[%swap3A_616] {strides = array<i32>} : memref<6400xi32, #tpu.memory_space<vmem>>, vector<16xi32>,
        %swap3A_618 = vector.shape_cast %swap3A_617 : vector<16xi32> to vector<16xi32>
        %swap3A_619 = vector.shape_cast %select_n3A_615 : vector<16xi32> to vector<16xi32>
        tpu.vector_store %arg6[%swap3A_616], %swap3A_619 {strides = array<i32>} : memref<6400xi32, #tpu.memory_space<vmem>>, vector<16xi32>,
        %add3A_620 = arith.constant 48 : i32
        %add3A_621 = arith.addi %mul3A_561, %add3A_620 : i32
        %get3A_622 = arith.index_cast %add3A_621 : i32 to index
        %get3A_623 = tpu.vector_load %arg6[%get3A_622] {strides = array<i32>} : memref<6400xi32, #tpu.memory_space<vmem>>, vector<16xi32>,
        %get3A_624 = vector.shape_cast %get3A_623 : vector<16xi32> to vector<16xi32>
        %add3A_625 = vector.broadcast %add3A_621 : i32 to vector<16xi32>
        %add3A_626 = arith.addi %add3A_625, %iota3A : vector<16xi32>
        %rem3A_627 = arith.constant 200 : i32
        %rem3A_628 = vector.broadcast %rem3A_627 : i32 to vector<16xi32>
        %rem3A_629 = arith.remsi %add3A_626, %rem3A_628 : vector<16xi32>
        %lt3A_630 = arith.cmpi slt, %rem3A_629, %get3A_4 : vector<16xi32>
        %add3A_631 = arith.constant 1 : i32
        %add3A_632 = vector.broadcast %add3A_631 : i32 to vector<16xi32>
        %add3A_633 = arith.addi %get3A_624, %add3A_632 : vector<16xi32>
        %jit3A_634 = arith.constant 0 : i32
        %broadcast_in_dim3A_635 = vector.broadcast %jit3A_634 : i32 to vector<16xi32>
        %select_n3A_636 = arith.select %lt3A_630, %add3A_633, %broadcast_in_dim3A_635 : vector<16xi1>, vector<16xi32>
        %swap3A_637 = arith.index_cast %add3A_621 : i32 to index
        %swap3A_638 = tpu.vector_load %arg6[%swap3A_637] {strides = array<i32>} : memref<6400xi32, #tpu.memory_space<vmem>>, vector<16xi32>,
        %swap3A_639 = vector.shape_cast %swap3A_638 : vector<16xi32> to vector<16xi32>
        %swap3A_640 = vector.shape_cast %select_n3A_636 : vector<16xi32> to vector<16xi32>
        tpu.vector_store %arg6[%swap3A_637], %swap3A_640 {strides = array<i32>} : memref<6400xi32, #tpu.memory_space<vmem>>, vector<16xi32>,
        %add3A_641 = arith.constant 4 : i32
        %add3A_642 = arith.addi %add3A_474, %add3A_641 : i32
        %mul3A_643 = arith.constant 64 : i32
        %mul3A_644 = arith.muli %add3A_642, %mul3A_643 : i32
        %multiple_of3A_645 = tpu.assume_multiple %mul3A_644, 8 : i32
        %dma_start3A_646 = arith.constant 2 : i32
        %dma_start3A_647 = arith.constant 0 : i32
        %dma_start3A_648 = arith.constant 0 : i32
        %dma_start3A_649 = tpu.memref_slice %arg8[%dma_start3A_646, %dma_start3A_647, %dma_start3A_648] : memref<10x64x128xf32, #tpu.memory_space<vmem>> -> memref<1x64x128xf32, #tpu.memory_space<vmem>>
        %dma_start3A_650 = tpu.memref_squeeze %dma_start3A_649 : memref<1x64x128xf32, #tpu.memory_space<vmem>> -> memref<64x128xf32, #tpu.memory_space<vmem>>
        %dma_start3A_651 = tpu.memref_slice %arg6[%multiple_of3A_645] : memref<6400xi32, #tpu.memory_space<vmem>> -> memref<64xi32, #tpu.memory_space<vmem>>
        %dma_start3A_652 = arith.constant 0 : i32
        %dma_start3A_653 = arith.constant 0 : i32
        %dma_start3A_654 = tpu.memref_slice %arg4[%dma_start3A_652, %dma_start3A_653] : memref<100001x128xf32, #tpu.memory_space<hbm>> -> memref<100001x128xf32, #tpu.memory_space<hbm>>
        tpu.enqueue_indirect_dma source(%dma_start3A_654 : memref<100001x128xf32, #tpu.memory_space<hbm>>) target(%dma_start3A_650 : memref<64x128xf32, #tpu.memory_space<vmem>>) offsets(%dma_start3A_651 : memref<64xi32, #tpu.memory_space<vmem>>) semaphore(%arg11 : memref<!tpu.dma_semaphore, #tpu.memory_space<semaphore_mem>>)
      } else {
      }
      %dma_wait3A_489 = arith.constant 8 : i32
      %dma_wait3A_490 = arith.constant 0 : i32
      %dma_wait3A_491 = arith.constant 0 : i32
      %dma_wait3A_492 = tpu.memref_slice %arg8[%dma_wait3A_489, %dma_wait3A_490, %dma_wait3A_491] : memref<10x64x128xf32, #tpu.memory_space<vmem>> -> memref<1x64x128xf32, #tpu.memory_space<vmem>>
      %dma_wait3A_493 = tpu.memref_squeeze %dma_wait3A_492 : memref<1x64x128xf32, #tpu.memory_space<vmem>> -> memref<64x128xf32, #tpu.memory_space<vmem>>
      %dma_wait3A_494 = arith.constant 0 : i32
      %dma_wait3A_495 = tpu.memref_slice %arg6[%dma_wait3A_494] : memref<6400xi32, #tpu.memory_space<vmem>> -> memref<64xi32, #tpu.memory_space<vmem>>
      %dma_wait3A_496 = arith.constant 0 : i32
      %dma_wait3A_497 = arith.constant 0 : i32
      %dma_wait3A_498 = tpu.memref_slice %arg4[%dma_wait3A_496, %dma_wait3A_497] : memref<100001x128xf32, #tpu.memory_space<hbm>> -> memref<100001x128xf32, #tpu.memory_space<hbm>>
      tpu.wait_indirect_dma semaphore(%arg17 : memref<!tpu.dma_semaphore, #tpu.memory_space<semaphore_mem>>) src(%dma_wait3A_498 : memref<100001x128xf32, #tpu.memory_space<hbm>>) dst(%dma_wait3A_493 : memref<64x128xf32, #tpu.memory_space<vmem>>)
      %mul3A_499 = arith.constant 64 : i32
      %mul3A_500 = arith.muli %add3A_474, %mul3A_499 : i32
      %add3A_501 = arith.addi %mul3A_2, %mul3A_500 : i32
      %dma_start3A_502 = arith.constant 8 : i32
      %dma_start3A_503 = arith.constant 0 : i32
      %dma_start3A_504 = arith.constant 0 : i32
      %dma_start3A_505 = tpu.memref_slice %arg8[%dma_start3A_502, %dma_start3A_503, %dma_start3A_504] : memref<10x64x128xf32, #tpu.memory_space<vmem>> -> memref<1x64x128xf32, #tpu.memory_space<vmem>>
      %dma_start3A_506 = tpu.memref_squeeze %dma_start3A_505 : memref<1x64x128xf32, #tpu.memory_space<vmem>> -> memref<64x128xf32, #tpu.memory_space<vmem>>
      %dma_start3A_507 = arith.constant 0 : i32
      %dma_start3A_508 = tpu.memref_slice %arg5[%add3A_501, %dma_start3A_507] : memref<204800x128xf32, #tpu.memory_space<hbm>> -> memref<64x128xf32, #tpu.memory_space<hbm>>
      %dma_start3A_509 = arith.constant 0 : i32
      %dma_start3A_510 = tpu.memref_slice %arg5[%add3A_501, %dma_start3A_509] : memref<204800x128xf32, #tpu.memory_space<hbm>> -> memref<64x128xf32, #tpu.memory_space<hbm>>
      %dma_start3A_511 = arith.constant 0 : i32
      %dma_start3A_512 = arith.constant 0 : i32
      %dma_start3A_513 = tpu.memref_slice %arg8[%dma_start3A_502, %dma_start3A_511, %dma_start3A_512] : memref<10x64x128xf32, #tpu.memory_space<vmem>> -> memref<1x64x128xf32, #tpu.memory_space<vmem>>
      %dma_start3A_514 = tpu.memref_squeeze %dma_start3A_513 : memref<1x64x128xf32, #tpu.memory_space<vmem>> -> memref<64x128xf32, #tpu.memory_space<vmem>>
      tpu.enqueue_dma source(%dma_start3A_514 : memref<64x128xf32, #tpu.memory_space<vmem>>) target(%dma_start3A_510 : memref<64x128xf32, #tpu.memory_space<hbm>>) target_semaphore(%arg27 : memref<!tpu.dma_semaphore, #tpu.memory_space<semaphore_mem>>)
      %add3A_515 = arith.constant 9 : i32
      %add3A_516 = arith.addi %mul3A_140, %add3A_515 : i32
      %add3A_517 = arith.constant 4 : i32
      %add3A_518 = arith.addi %add3A_516, %add3A_517 : i32
      %ge3A_519 = arith.constant 10 : i32
      %ge3A_520 = arith.cmpi sge, %add3A_518, %ge3A_519 : i32
      %convert_element_type3A_521 = arith.extui %ge3A_520 : i1 to i32
      %cond3A_522 = arith.constant 0 : i32
      %cond3A_523 = arith.cmpi ne, %convert_element_type3A_521, %cond3A_522 : i32
      scf.if %cond3A_523 {
        %dma_wait3A_558 = arith.constant 3 : i32
        %dma_wait3A_559 = arith.constant 0 : i32
        %dma_wait3A_560 = arith.constant 0 : i32
        %dma_wait3A_561 = tpu.memref_slice %arg8[%dma_wait3A_558, %dma_wait3A_559, %dma_wait3A_560] : memref<10x64x128xf32, #tpu.memory_space<vmem>> -> memref<1x64x128xf32, #tpu.memory_space<vmem>>
        %dma_wait3A_562 = tpu.memref_squeeze %dma_wait3A_561 : memref<1x64x128xf32, #tpu.memory_space<vmem>> -> memref<64x128xf32, #tpu.memory_space<vmem>>
        %dma_wait3A_563 = arith.constant 0 : i32
        %dma_wait3A_564 = tpu.memref_slice %arg5[%mul3A_2, %dma_wait3A_563] : memref<204800x128xf32, #tpu.memory_space<hbm>> -> memref<64x128xf32, #tpu.memory_space<hbm>>
        %dma_wait3A_565 = arith.constant 0 : i32
        %dma_wait3A_566 = tpu.memref_slice %arg5[%mul3A_2, %dma_wait3A_565] : memref<204800x128xf32, #tpu.memory_space<hbm>> -> memref<64x128xf32, #tpu.memory_space<hbm>>
        %dma_wait3A_567 = arith.constant 0 : i32
        %dma_wait3A_568 = arith.constant 0 : i32
        %dma_wait3A_569 = tpu.memref_slice %arg8[%dma_wait3A_558, %dma_wait3A_567, %dma_wait3A_568] : memref<10x64x128xf32, #tpu.memory_space<vmem>> -> memref<1x64x128xf32, #tpu.memory_space<vmem>>
        %dma_wait3A_570 = tpu.memref_squeeze %dma_wait3A_569 : memref<1x64x128xf32, #tpu.memory_space<vmem>> -> memref<64x128xf32, #tpu.memory_space<vmem>>
        tpu.wait_dma2 semaphore(%arg22 : memref<!tpu.dma_semaphore, #tpu.memory_space<semaphore_mem>>) src(%dma_wait3A_570 : memref<64x128xf32, #tpu.memory_space<vmem>>) dst(%dma_wait3A_566 : memref<64x128xf32, #tpu.memory_space<hbm>>)
      } else {
      }
      %add3A_524 = arith.constant 4 : i32
      %add3A_525 = arith.addi %add3A_516, %add3A_524 : i32
      %lt3A_526 = arith.constant 100 : i32
      %lt3A_527 = arith.cmpi slt, %add3A_525, %lt3A_526 : i32
      %convert_element_type3A_528 = arith.extui %lt3A_527 : i1 to i32
      %cond3A_529 = arith.constant 0 : i32
      %cond3A_530 = arith.cmpi ne, %convert_element_type3A_528, %cond3A_529 : i32
      scf.if %cond3A_530 {
        %add3A_558 = arith.constant 4 : i32
        %add3A_559 = arith.addi %add3A_516, %add3A_558 : i32
        %mul3A_560 = arith.constant 64 : i32
        %mul3A_561 = arith.muli %add3A_559, %mul3A_560 : i32
        %add3A_562 = arith.constant 0 : i32
        %add3A_563 = arith.addi %mul3A_561, %add3A_562 : i32
        %get3A_564 = arith.index_cast %add3A_563 : i32 to index
        %get3A_565 = tpu.vector_load %arg6[%get3A_564] {strides = array<i32>} : memref<6400xi32, #tpu.memory_space<vmem>>, vector<16xi32>,
        %get3A_566 = vector.shape_cast %get3A_565 : vector<16xi32> to vector<16xi32>
        %add3A_567 = vector.broadcast %add3A_563 : i32 to vector<16xi32>
        %add3A_568 = arith.addi %add3A_567, %iota3A : vector<16xi32>
        %rem3A = arith.constant 200 : i32
        %rem3A_569 = vector.broadcast %rem3A : i32 to vector<16xi32>
        %rem3A_570 = arith.remsi %add3A_568, %rem3A_569 : vector<16xi32>
        %lt3A_571 = arith.cmpi slt, %rem3A_570, %get3A_4 : vector<16xi32>
        %add3A_572 = arith.constant 1 : i32
        %add3A_573 = vector.broadcast %add3A_572 : i32 to vector<16xi32>
        %add3A_574 = arith.addi %get3A_566, %add3A_573 : vector<16xi32>
        %jit3A = arith.constant 0 : i32
        %broadcast_in_dim3A = vector.broadcast %jit3A : i32 to vector<16xi32>
        %select_n3A = arith.select %lt3A_571, %add3A_574, %broadcast_in_dim3A : vector<16xi1>, vector<16xi32>
        %swap3A = arith.index_cast %add3A_563 : i32 to index
        %swap3A_575 = tpu.vector_load %arg6[%swap3A] {strides = array<i32>} : memref<6400xi32, #tpu.memory_space<vmem>>, vector<16xi32>,
        %swap3A_576 = vector.shape_cast %swap3A_575 : vector<16xi32> to vector<16xi32>
        %swap3A_577 = vector.shape_cast %select_n3A : vector<16xi32> to vector<16xi32>
        tpu.vector_store %arg6[%swap3A], %swap3A_577 {strides = array<i32>} : memref<6400xi32, #tpu.memory_space<vmem>>, vector<16xi32>,
        %add3A_578 = arith.constant 16 : i32
        %add3A_579 = arith.addi %mul3A_561, %add3A_578 : i32
        %get3A_580 = arith.index_cast %add3A_579 : i32 to index
        %get3A_581 = tpu.vector_load %arg6[%get3A_580] {strides = array<i32>} : memref<6400xi32, #tpu.memory_space<vmem>>, vector<16xi32>,
        %get3A_582 = vector.shape_cast %get3A_581 : vector<16xi32> to vector<16xi32>
        %add3A_583 = vector.broadcast %add3A_579 : i32 to vector<16xi32>
        %add3A_584 = arith.addi %add3A_583, %iota3A : vector<16xi32>
        %rem3A_585 = arith.constant 200 : i32
        %rem3A_586 = vector.broadcast %rem3A_585 : i32 to vector<16xi32>
        %rem3A_587 = arith.remsi %add3A_584, %rem3A_586 : vector<16xi32>
        %lt3A_588 = arith.cmpi slt, %rem3A_587, %get3A_4 : vector<16xi32>
        %add3A_589 = arith.constant 1 : i32
        %add3A_590 = vector.broadcast %add3A_589 : i32 to vector<16xi32>
        %add3A_591 = arith.addi %get3A_582, %add3A_590 : vector<16xi32>
        %jit3A_592 = arith.constant 0 : i32
        %broadcast_in_dim3A_593 = vector.broadcast %jit3A_592 : i32 to vector<16xi32>
        %select_n3A_594 = arith.select %lt3A_588, %add3A_591, %broadcast_in_dim3A_593 : vector<16xi1>, vector<16xi32>
        %swap3A_595 = arith.index_cast %add3A_579 : i32 to index
        %swap3A_596 = tpu.vector_load %arg6[%swap3A_595] {strides = array<i32>} : memref<6400xi32, #tpu.memory_space<vmem>>, vector<16xi32>,
        %swap3A_597 = vector.shape_cast %swap3A_596 : vector<16xi32> to vector<16xi32>
        %swap3A_598 = vector.shape_cast %select_n3A_594 : vector<16xi32> to vector<16xi32>
        tpu.vector_store %arg6[%swap3A_595], %swap3A_598 {strides = array<i32>} : memref<6400xi32, #tpu.memory_space<vmem>>, vector<16xi32>,
        %add3A_599 = arith.constant 32 : i32
        %add3A_600 = arith.addi %mul3A_561, %add3A_599 : i32
        %get3A_601 = arith.index_cast %add3A_600 : i32 to index
        %get3A_602 = tpu.vector_load %arg6[%get3A_601] {strides = array<i32>} : memref<6400xi32, #tpu.memory_space<vmem>>, vector<16xi32>,
        %get3A_603 = vector.shape_cast %get3A_602 : vector<16xi32> to vector<16xi32>
        %add3A_604 = vector.broadcast %add3A_600 : i32 to vector<16xi32>
        %add3A_605 = arith.addi %add3A_604, %iota3A : vector<16xi32>
        %rem3A_606 = arith.constant 200 : i32
        %rem3A_607 = vector.broadcast %rem3A_606 : i32 to vector<16xi32>
        %rem3A_608 = arith.remsi %add3A_605, %rem3A_607 : vector<16xi32>
        %lt3A_609 = arith.cmpi slt, %rem3A_608, %get3A_4 : vector<16xi32>
        %add3A_610 = arith.constant 1 : i32
        %add3A_611 = vector.broadcast %add3A_610 : i32 to vector<16xi32>
        %add3A_612 = arith.addi %get3A_603, %add3A_611 : vector<16xi32>
        %jit3A_613 = arith.constant 0 : i32
        %broadcast_in_dim3A_614 = vector.broadcast %jit3A_613 : i32 to vector<16xi32>
        %select_n3A_615 = arith.select %lt3A_609, %add3A_612, %broadcast_in_dim3A_614 : vector<16xi1>, vector<16xi32>
        %swap3A_616 = arith.index_cast %add3A_600 : i32 to index
        %swap3A_617 = tpu.vector_load %arg6[%swap3A_616] {strides = array<i32>} : memref<6400xi32, #tpu.memory_space<vmem>>, vector<16xi32>,
        %swap3A_618 = vector.shape_cast %swap3A_617 : vector<16xi32> to vector<16xi32>
        %swap3A_619 = vector.shape_cast %select_n3A_615 : vector<16xi32> to vector<16xi32>
        tpu.vector_store %arg6[%swap3A_616], %swap3A_619 {strides = array<i32>} : memref<6400xi32, #tpu.memory_space<vmem>>, vector<16xi32>,
        %add3A_620 = arith.constant 48 : i32
        %add3A_621 = arith.addi %mul3A_561, %add3A_620 : i32
        %get3A_622 = arith.index_cast %add3A_621 : i32 to index
        %get3A_623 = tpu.vector_load %arg6[%get3A_622] {strides = array<i32>} : memref<6400xi32, #tpu.memory_space<vmem>>, vector<16xi32>,
        %get3A_624 = vector.shape_cast %get3A_623 : vector<16xi32> to vector<16xi32>
        %add3A_625 = vector.broadcast %add3A_621 : i32 to vector<16xi32>
        %add3A_626 = arith.addi %add3A_625, %iota3A : vector<16xi32>
        %rem3A_627 = arith.constant 200 : i32
        %rem3A_628 = vector.broadcast %rem3A_627 : i32 to vector<16xi32>
        %rem3A_629 = arith.remsi %add3A_626, %rem3A_628 : vector<16xi32>
        %lt3A_630 = arith.cmpi slt, %rem3A_629, %get3A_4 : vector<16xi32>
        %add3A_631 = arith.constant 1 : i32
        %add3A_632 = vector.broadcast %add3A_631 : i32 to vector<16xi32>
        %add3A_633 = arith.addi %get3A_624, %add3A_632 : vector<16xi32>
        %jit3A_634 = arith.constant 0 : i32
        %broadcast_in_dim3A_635 = vector.broadcast %jit3A_634 : i32 to vector<16xi32>
        %select_n3A_636 = arith.select %lt3A_630, %add3A_633, %broadcast_in_dim3A_635 : vector<16xi1>, vector<16xi32>
        %swap3A_637 = arith.index_cast %add3A_621 : i32 to index
        %swap3A_638 = tpu.vector_load %arg6[%swap3A_637] {strides = array<i32>} : memref<6400xi32, #tpu.memory_space<vmem>>, vector<16xi32>,
        %swap3A_639 = vector.shape_cast %swap3A_638 : vector<16xi32> to vector<16xi32>
        %swap3A_640 = vector.shape_cast %select_n3A_636 : vector<16xi32> to vector<16xi32>
        tpu.vector_store %arg6[%swap3A_637], %swap3A_640 {strides = array<i32>} : memref<6400xi32, #tpu.memory_space<vmem>>, vector<16xi32>,
        %add3A_641 = arith.constant 4 : i32
        %add3A_642 = arith.addi %add3A_516, %add3A_641 : i32
        %mul3A_643 = arith.constant 64 : i32
        %mul3A_644 = arith.muli %add3A_642, %mul3A_643 : i32
        %multiple_of3A_645 = tpu.assume_multiple %mul3A_644, 8 : i32
        %dma_start3A_646 = arith.constant 3 : i32
        %dma_start3A_647 = arith.constant 0 : i32
        %dma_start3A_648 = arith.constant 0 : i32
        %dma_start3A_649 = tpu.memref_slice %arg8[%dma_start3A_646, %dma_start3A_647, %dma_start3A_648] : memref<10x64x128xf32, #tpu.memory_space<vmem>> -> memref<1x64x128xf32, #tpu.memory_space<vmem>>
        %dma_start3A_650 = tpu.memref_squeeze %dma_start3A_649 : memref<1x64x128xf32, #tpu.memory_space<vmem>> -> memref<64x128xf32, #tpu.memory_space<vmem>>
        %dma_start3A_651 = tpu.memref_slice %arg6[%multiple_of3A_645] : memref<6400xi32, #tpu.memory_space<vmem>> -> memref<64xi32, #tpu.memory_space<vmem>>
        %dma_start3A_652 = arith.constant 0 : i32
        %dma_start3A_653 = arith.constant 0 : i32
        %dma_start3A_654 = tpu.memref_slice %arg4[%dma_start3A_652, %dma_start3A_653] : memref<100001x128xf32, #tpu.memory_space<hbm>> -> memref<100001x128xf32, #tpu.memory_space<hbm>>
        tpu.enqueue_indirect_dma source(%dma_start3A_654 : memref<100001x128xf32, #tpu.memory_space<hbm>>) target(%dma_start3A_650 : memref<64x128xf32, #tpu.memory_space<vmem>>) offsets(%dma_start3A_651 : memref<64xi32, #tpu.memory_space<vmem>>) semaphore(%arg12 : memref<!tpu.dma_semaphore, #tpu.memory_space<semaphore_mem>>)
      } else {
      }
      %dma_wait3A_531 = arith.constant 9 : i32
      %dma_wait3A_532 = arith.constant 0 : i32
      %dma_wait3A_533 = arith.constant 0 : i32
      %dma_wait3A_534 = tpu.memref_slice %arg8[%dma_wait3A_531, %dma_wait3A_532, %dma_wait3A_533] : memref<10x64x128xf32, #tpu.memory_space<vmem>> -> memref<1x64x128xf32, #tpu.memory_space<vmem>>
      %dma_wait3A_535 = tpu.memref_squeeze %dma_wait3A_534 : memref<1x64x128xf32, #tpu.memory_space<vmem>> -> memref<64x128xf32, #tpu.memory_space<vmem>>
      %dma_wait3A_536 = arith.constant 0 : i32
      %dma_wait3A_537 = tpu.memref_slice %arg6[%dma_wait3A_536] : memref<6400xi32, #tpu.memory_space<vmem>> -> memref<64xi32, #tpu.memory_space<vmem>>
      %dma_wait3A_538 = arith.constant 0 : i32
      %dma_wait3A_539 = arith.constant 0 : i32
      %dma_wait3A_540 = tpu.memref_slice %arg4[%dma_wait3A_538, %dma_wait3A_539] : memref<100001x128xf32, #tpu.memory_space<hbm>> -> memref<100001x128xf32, #tpu.memory_space<hbm>>
      tpu.wait_indirect_dma semaphore(%arg18 : memref<!tpu.dma_semaphore, #tpu.memory_space<semaphore_mem>>) src(%dma_wait3A_540 : memref<100001x128xf32, #tpu.memory_space<hbm>>) dst(%dma_wait3A_535 : memref<64x128xf32, #tpu.memory_space<vmem>>)
      %mul3A_541 = arith.constant 64 : i32
      %mul3A_542 = arith.muli %add3A_516, %mul3A_541 : i32
      %add3A_543 = arith.addi %mul3A_2, %mul3A_542 : i32
      %dma_start3A_544 = arith.constant 9 : i32
      %dma_start3A_545 = arith.constant 0 : i32
      %dma_start3A_546 = arith.constant 0 : i32
      %dma_start3A_547 = tpu.memref_slice %arg8[%dma_start3A_544, %dma_start3A_545, %dma_start3A_546] : memref<10x64x128xf32, #tpu.memory_space<vmem>> -> memref<1x64x128xf32, #tpu.memory_space<vmem>>
      %dma_start3A_548 = tpu.memref_squeeze %dma_start3A_547 : memref<1x64x128xf32, #tpu.memory_space<vmem>> -> memref<64x128xf32, #tpu.memory_space<vmem>>
      %dma_start3A_549 = arith.constant 0 : i32
      %dma_start3A_550 = tpu.memref_slice %arg5[%add3A_543, %dma_start3A_549] : memref<204800x128xf32, #tpu.memory_space<hbm>> -> memref<64x128xf32, #tpu.memory_space<hbm>>
      %dma_start3A_551 = arith.constant 0 : i32
      %dma_start3A_552 = tpu.memref_slice %arg5[%add3A_543, %dma_start3A_551] : memref<204800x128xf32, #tpu.memory_space<hbm>> -> memref<64x128xf32, #tpu.memory_space<hbm>>
      %dma_start3A_553 = arith.constant 0 : i32
      %dma_start3A_554 = arith.constant 0 : i32
      %dma_start3A_555 = tpu.memref_slice %arg8[%dma_start3A_544, %dma_start3A_553, %dma_start3A_554] : memref<10x64x128xf32, #tpu.memory_space<vmem>> -> memref<1x64x128xf32, #tpu.memory_space<vmem>>
      %dma_start3A_556 = tpu.memref_squeeze %dma_start3A_555 : memref<1x64x128xf32, #tpu.memory_space<vmem>> -> memref<64x128xf32, #tpu.memory_space<vmem>>
      tpu.enqueue_dma source(%dma_start3A_556 : memref<64x128xf32, #tpu.memory_space<vmem>>) target(%dma_start3A_552 : memref<64x128xf32, #tpu.memory_space<hbm>>) target_semaphore(%arg28 : memref<!tpu.dma_semaphore, #tpu.memory_space<semaphore_mem>>)
      %scan3A_557 = arith.constant 0 : i32
      scf.yield %scan3A_557 : i32
    }
    %scan3A_59 = arith.constant 10 : i32
    %dma_wait3A = arith.constant 4 : i32
    %dma_wait3A_60 = arith.constant 0 : i32
    %dma_wait3A_61 = arith.constant 0 : i32
    %dma_wait3A_62 = tpu.memref_slice %arg8[%dma_wait3A, %dma_wait3A_60, %dma_wait3A_61] : memref<10x64x128xf32, #tpu.memory_space<vmem>> -> memref<1x64x128xf32, #tpu.memory_space<vmem>>
    %dma_wait3A_63 = tpu.memref_squeeze %dma_wait3A_62 : memref<1x64x128xf32, #tpu.memory_space<vmem>> -> memref<64x128xf32, #tpu.memory_space<vmem>>
    %dma_wait3A_64 = arith.constant 0 : i32
    %dma_wait3A_65 = tpu.memref_slice %arg5[%mul3A_2, %dma_wait3A_64] : memref<204800x128xf32, #tpu.memory_space<hbm>> -> memref<64x128xf32, #tpu.memory_space<hbm>>
    %dma_wait3A_66 = arith.constant 0 : i32
    %dma_wait3A_67 = tpu.memref_slice %arg5[%mul3A_2, %dma_wait3A_66] : memref<204800x128xf32, #tpu.memory_space<hbm>> -> memref<64x128xf32, #tpu.memory_space<hbm>>
    %dma_wait3A_68 = arith.constant 0 : i32
    %dma_wait3A_69 = arith.constant 0 : i32
    %dma_wait3A_70 = tpu.memref_slice %arg8[%dma_wait3A, %dma_wait3A_68, %dma_wait3A_69] : memref<10x64x128xf32, #tpu.memory_space<vmem>> -> memref<1x64x128xf32, #tpu.memory_space<vmem>>
    %dma_wait3A_71 = tpu.memref_squeeze %dma_wait3A_70 : memref<1x64x128xf32, #tpu.memory_space<vmem>> -> memref<64x128xf32, #tpu.memory_space<vmem>>
    tpu.wait_dma2 semaphore(%arg23 : memref<!tpu.dma_semaphore, #tpu.memory_space<semaphore_mem>>) src(%dma_wait3A_71 : memref<64x128xf32, #tpu.memory_space<vmem>>) dst(%dma_wait3A_67 : memref<64x128xf32, #tpu.memory_space<hbm>>)
    %dma_wait3A_72 = arith.constant 5 : i32
    %dma_wait3A_73 = arith.constant 0 : i32
    %dma_wait3A_74 = arith.constant 0 : i32
    %dma_wait3A_75 = tpu.memref_slice %arg8[%dma_wait3A_72, %dma_wait3A_73, %dma_wait3A_74] : memref<10x64x128xf32, #tpu.memory_space<vmem>> -> memref<1x64x128xf32, #tpu.memory_space<vmem>>
    %dma_wait3A_76 = tpu.memref_squeeze %dma_wait3A_75 : memref<1x64x128xf32, #tpu.memory_space<vmem>> -> memref<64x128xf32, #tpu.memory_space<vmem>>
    %dma_wait3A_77 = arith.constant 0 : i32
    %dma_wait3A_78 = tpu.memref_slice %arg5[%mul3A_2, %dma_wait3A_77] : memref<204800x128xf32, #tpu.memory_space<hbm>> -> memref<64x128xf32, #tpu.memory_space<hbm>>
    %dma_wait3A_79 = arith.constant 0 : i32
    %dma_wait3A_80 = tpu.memref_slice %arg5[%mul3A_2, %dma_wait3A_79] : memref<204800x128xf32, #tpu.memory_space<hbm>> -> memref<64x128xf32, #tpu.memory_space<hbm>>
    %dma_wait3A_81 = arith.constant 0 : i32
    %dma_wait3A_82 = arith.constant 0 : i32
    %dma_wait3A_83 = tpu.memref_slice %arg8[%dma_wait3A_72, %dma_wait3A_81, %dma_wait3A_82] : memref<10x64x128xf32, #tpu.memory_space<vmem>> -> memref<1x64x128xf32, #tpu.memory_space<vmem>>
    %dma_wait3A_84 = tpu.memref_squeeze %dma_wait3A_83 : memref<1x64x128xf32, #tpu.memory_space<vmem>> -> memref<64x128xf32, #tpu.memory_space<vmem>>
    tpu.wait_dma2 semaphore(%arg24 : memref<!tpu.dma_semaphore, #tpu.memory_space<semaphore_mem>>) src(%dma_wait3A_84 : memref<64x128xf32, #tpu.memory_space<vmem>>) dst(%dma_wait3A_80 : memref<64x128xf32, #tpu.memory_space<hbm>>)
    %dma_wait3A_85 = arith.constant 6 : i32
    %dma_wait3A_86 = arith.constant 0 : i32
    %dma_wait3A_87 = arith.constant 0 : i32
    %dma_wait3A_88 = tpu.memref_slice %arg8[%dma_wait3A_85, %dma_wait3A_86, %dma_wait3A_87] : memref<10x64x128xf32, #tpu.memory_space<vmem>> -> memref<1x64x128xf32, #tpu.memory_space<vmem>>
    %dma_wait3A_89 = tpu.memref_squeeze %dma_wait3A_88 : memref<1x64x128xf32, #tpu.memory_space<vmem>> -> memref<64x128xf32, #tpu.memory_space<vmem>>
    %dma_wait3A_90 = arith.constant 0 : i32
    %dma_wait3A_91 = tpu.memref_slice %arg5[%mul3A_2, %dma_wait3A_90] : memref<204800x128xf32, #tpu.memory_space<hbm>> -> memref<64x128xf32, #tpu.memory_space<hbm>>
    %dma_wait3A_92 = arith.constant 0 : i32
    %dma_wait3A_93 = tpu.memref_slice %arg5[%mul3A_2, %dma_wait3A_92] : memref<204800x128xf32, #tpu.memory_space<hbm>> -> memref<64x128xf32, #tpu.memory_space<hbm>>
    %dma_wait3A_94 = arith.constant 0 : i32
    %dma_wait3A_95 = arith.constant 0 : i32
    %dma_wait3A_96 = tpu.memref_slice %arg8[%dma_wait3A_85, %dma_wait3A_94, %dma_wait3A_95] : memref<10x64x128xf32, #tpu.memory_space<vmem>> -> memref<1x64x128xf32, #tpu.memory_space<vmem>>
    %dma_wait3A_97 = tpu.memref_squeeze %dma_wait3A_96 : memref<1x64x128xf32, #tpu.memory_space<vmem>> -> memref<64x128xf32, #tpu.memory_space<vmem>>
    tpu.wait_dma2 semaphore(%arg25 : memref<!tpu.dma_semaphore, #tpu.memory_space<semaphore_mem>>) src(%dma_wait3A_97 : memref<64x128xf32, #tpu.memory_space<vmem>>) dst(%dma_wait3A_93 : memref<64x128xf32, #tpu.memory_space<hbm>>)
    %dma_wait3A_98 = arith.constant 7 : i32
    %dma_wait3A_99 = arith.constant 0 : i32
    %dma_wait3A_100 = arith.constant 0 : i32
    %dma_wait3A_101 = tpu.memref_slice %arg8[%dma_wait3A_98, %dma_wait3A_99, %dma_wait3A_100] : memref<10x64x128xf32, #tpu.memory_space<vmem>> -> memref<1x64x128xf32, #tpu.memory_space<vmem>>
    %dma_wait3A_102 = tpu.memref_squeeze %dma_wait3A_101 : memref<1x64x128xf32, #tpu.memory_space<vmem>> -> memref<64x128xf32, #tpu.memory_space<vmem>>
    %dma_wait3A_103 = arith.constant 0 : i32
    %dma_wait3A_104 = tpu.memref_slice %arg5[%mul3A_2, %dma_wait3A_103] : memref<204800x128xf32, #tpu.memory_space<hbm>> -> memref<64x128xf32, #tpu.memory_space<hbm>>
    %dma_wait3A_105 = arith.constant 0 : i32
    %dma_wait3A_106 = tpu.memref_slice %arg5[%mul3A_2, %dma_wait3A_105] : memref<204800x128xf32, #tpu.memory_space<hbm>> -> memref<64x128xf32, #tpu.memory_space<hbm>>
    %dma_wait3A_107 = arith.constant 0 : i32
    %dma_wait3A_108 = arith.constant 0 : i32
    %dma_wait3A_109 = tpu.memref_slice %arg8[%dma_wait3A_98, %dma_wait3A_107, %dma_wait3A_108] : memref<10x64x128xf32, #tpu.memory_space<vmem>> -> memref<1x64x128xf32, #tpu.memory_space<vmem>>
    %dma_wait3A_110 = tpu.memref_squeeze %dma_wait3A_109 : memref<1x64x128xf32, #tpu.memory_space<vmem>> -> memref<64x128xf32, #tpu.memory_space<vmem>>
    tpu.wait_dma2 semaphore(%arg26 : memref<!tpu.dma_semaphore, #tpu.memory_space<semaphore_mem>>) src(%dma_wait3A_110 : memref<64x128xf32, #tpu.memory_space<vmem>>) dst(%dma_wait3A_106 : memref<64x128xf32, #tpu.memory_space<hbm>>)
    %dma_wait3A_111 = arith.constant 8 : i32
    %dma_wait3A_112 = arith.constant 0 : i32
    %dma_wait3A_113 = arith.constant 0 : i32
    %dma_wait3A_114 = tpu.memref_slice %arg8[%dma_wait3A_111, %dma_wait3A_112, %dma_wait3A_113] : memref<10x64x128xf32, #tpu.memory_space<vmem>> -> memref<1x64x128xf32, #tpu.memory_space<vmem>>
    %dma_wait3A_115 = tpu.memref_squeeze %dma_wait3A_114 : memref<1x64x128xf32, #tpu.memory_space<vmem>> -> memref<64x128xf32, #tpu.memory_space<vmem>>
    %dma_wait3A_116 = arith.constant 0 : i32
    %dma_wait3A_117 = tpu.memref_slice %arg5[%mul3A_2, %dma_wait3A_116] : memref<204800x128xf32, #tpu.memory_space<hbm>> -> memref<64x128xf32, #tpu.memory_space<hbm>>
    %dma_wait3A_118 = arith.constant 0 : i32
    %dma_wait3A_119 = tpu.memref_slice %arg5[%mul3A_2, %dma_wait3A_118] : memref<204800x128xf32, #tpu.memory_space<hbm>> -> memref<64x128xf32, #tpu.memory_space<hbm>>
    %dma_wait3A_120 = arith.constant 0 : i32
    %dma_wait3A_121 = arith.constant 0 : i32
    %dma_wait3A_122 = tpu.memref_slice %arg8[%dma_wait3A_111, %dma_wait3A_120, %dma_wait3A_121] : memref<10x64x128xf32, #tpu.memory_space<vmem>> -> memref<1x64x128xf32, #tpu.memory_space<vmem>>
    %dma_wait3A_123 = tpu.memref_squeeze %dma_wait3A_122 : memref<1x64x128xf32, #tpu.memory_space<vmem>> -> memref<64x128xf32, #tpu.memory_space<vmem>>
    tpu.wait_dma2 semaphore(%arg27 : memref<!tpu.dma_semaphore, #tpu.memory_space<semaphore_mem>>) src(%dma_wait3A_123 : memref<64x128xf32, #tpu.memory_space<vmem>>) dst(%dma_wait3A_119 : memref<64x128xf32, #tpu.memory_space<hbm>>)
    %dma_wait3A_124 = arith.constant 9 : i32
    %dma_wait3A_125 = arith.constant 0 : i32
    %dma_wait3A_126 = arith.constant 0 : i32
    %dma_wait3A_127 = tpu.memref_slice %arg8[%dma_wait3A_124, %dma_wait3A_125, %dma_wait3A_126] : memref<10x64x128xf32, #tpu.memory_space<vmem>> -> memref<1x64x128xf32, #tpu.memory_space<vmem>>
    %dma_wait3A_128 = tpu.memref_squeeze %dma_wait3A_127 : memref<1x64x128xf32, #tpu.memory_space<vmem>> -> memref<64x128xf32, #tpu.memory_space<vmem>>
    %dma_wait3A_129 = arith.constant 0 : i32
    %dma_wait3A_130 = tpu.memref_slice %arg5[%mul3A_2, %dma_wait3A_129] : memref<204800x128xf32, #tpu.memory_space<hbm>> -> memref<64x128xf32, #tpu.memory_space<hbm>>
    %dma_wait3A_131 = arith.constant 0 : i32
    %dma_wait3A_132 = tpu.memref_slice %arg5[%mul3A_2, %dma_wait3A_131] : memref<204800x128xf32, #tpu.memory_space<hbm>> -> memref<64x128xf32, #tpu.memory_space<hbm>>
    %dma_wait3A_133 = arith.constant 0 : i32
    %dma_wait3A_134 = arith.constant 0 : i32
    %dma_wait3A_135 = tpu.memref_slice %arg8[%dma_wait3A_124, %dma_wait3A_133, %dma_wait3A_134] : memref<10x64x128xf32, #tpu.memory_space<vmem>> -> memref<1x64x128xf32, #tpu.memory_space<vmem>>
    %dma_wait3A_136 = tpu.memref_squeeze %dma_wait3A_135 : memref<1x64x128xf32, #tpu.memory_space<vmem>> -> memref<64x128xf32, #tpu.memory_space<vmem>>
    tpu.wait_dma2 semaphore(%arg28 : memref<!tpu.dma_semaphore, #tpu.memory_space<semaphore_mem>>) src(%dma_wait3A_136 : memref<64x128xf32, #tpu.memory_space<vmem>>) dst(%dma_wait3A_132 : memref<64x128xf32, #tpu.memory_space<hbm>>)
    return
  }
}

</mosaic_0001>

<sc_bundles>
// kernel: kernel.3.cloned.1.call-start
scs
__scs_entry_jumppad:
0x0: {  	(pc) =	sbr.rel $0x88, $3  }
0x1: {  	(tag) =	ssettag $0x0;
	lr =	simm.s32 $0x1  }
0x2: {  	[smem:$0x3F9E] =	sst lr;
	_ =	strace $0xD0000000  }
0x3: {  	_ = 	snop  }
0x4: {  	_ = 	snop  }
0x5: {  	_ = 	snop  }
0x6: {  	_ = 	snop  }
0x7: {  	_ = 	snop  }
__scs_overlays_trampoline_lowered:
0x8: {  	[smem:$0x3FAD] =	sst s0  }
0x9: {  	[smem:$0x3FAE] =	sst s1  }
0xa: {  	[smem:$0x3FAF] =	sst s2  }
0xb: {  	[smem:$0x3FB0] =	sst s3  }
0xc: {  	[smem:$0x3FB1] =	sst s4  }
0xd: {  	[smem:$0x3FB2] =	sst s5  }
0xe: {  	[smem:$0x3FB3] =	sst s6  }
0xf: {  	[smem:$0x3FB4] =	sst s7  }
0x10: {  	[smem:$0x3FB5] =	sst s8  }
0x11: {  	[smem:$0x3FB6] =	sst s9;
	s0 =	simm.s32 @!p0 $0x0  }
0x12: {  	s1 =	sld [smem:$0x3F9C];
	s0 =	simm.s32 @p0 $0x1  }
0x13: {  	[smem:$0x3FB7] =	sst s0;
	s0 =	simm.s32 @!p1 $0x0  }
0x14: {  	s2 =	sld [smem:$0x3F9B];
	s0 =	simm.s32 @p1 $0x1  }
0x15: {  	[smem:$0x3FB8] =	sst s0;
	s0 =	simm.s32 @!p2 $0x0  }
0x16: {  	s3 =	sld [smem:$0x3FDB];
	s0 =	simm.s32 @p2 $0x1  }
0x17: {  	s4 =	simm.s32 $0x1BF5;
	[smem:$0x3FBA] =	sst s0  }
0x18: {  	s0 =	sld [smem:$0x3F9D];
	_ =	swait.ge [sflag:s4], $0x0  }
0x19: {  	s7 =	sld [smem:$0x3F9E]  }
0x1a: {  	s8 =	sadd.s32 $0xFFFFE003, lr  }
0x1b: {  	s9 =	sadd.s32 $0xFFFFFEF7, lr;
	s5 =	simm.s32 $0xFFFFFFFF;
	p2 =	slt.u32 s8, $0xFFFFF086  }
0x1c: {  	p1 =	slt.u32 s9, $0xF7A;
	s5 =	simm.s32 @!p2 $0x0  }
0x1d: {  	s5 =	simm.s32 @p1 $0x1;
	p0 =	seq.s32 s7, s2  }
0x1e: {  	s7 =	smul.u32 @!p0 $0xF7A, s2;
	p2 =	seq.s32 @!p0 s5, $0x0  }
0x1f: {  	s9 =	smul.u32 $0xF7A, s1;
	s8 =	simm.s32 @!p0 $0x1BF5;
	p2 =	por !p2, p0  }
0x20: {  	[sflag:s8] =	ssyncset.s32 @!p0 $0xFFFFF086;
	s6 =	sadd.s32 @!p0 s3, s7;
	s7 =	simm.s32 @!p0 $0x108  }
0x21: {  	s3 =	sadd.s32 s3, s9;
	s6 =	sadd.s32 @!p0 $0x88, s6;
	s7 =	simm.s32 @p2 $0x1082  }
0x22: {  	[simem:s7], [sflag:s8] =	dma.local @!p0 [hbm:s6], $0xF7A  }
0x23: {  	s9 =	sor.u32 $0xD0000000, s2;
	s6 =	simm.s32 $0x108;
	_ =	swait.ge @!p0 [sflag:s8], $0x0  }
0x24: {  	s3 =	sadd.s32 $0x88, s3;
	s6 =	simm.s32 @!p1 $0x1082;
	[sflag:s4] =	ssyncset.s32 $0xFFFFF086  }
0x25: {  	[simem:s6], [sflag:s4] =	dma.local [hbm:s3], $0xF7A  }
0x26: {  	[smem:$0x3F9E] =	sst s1;
	(tag) =	ssettag s2;
	_ =	strace s9  }
0x27: {  	s1 =	sld [smem:$0x3FAE]  }
0x28: {  	s2 =	sld [smem:$0x3FAF]  }
0x29: {  	s4 =	sld [smem:$0x3FB1]  }
0x2a: {  	p0 =	seq.s32 s5, $0x0;
	s5 =	sld [smem:$0x3FB2]  }
0x2b: {  	s6 =	sld [smem:$0x3FB3]  }
0x2c: {  	s7 =	sld [smem:$0x3FB4]  }
0x2d: {  	s3 =	simm.s32 $0x108;
	s8 =	sld [smem:$0x3FB5]  }
0x2e: {  	s3 =	simm.s32 @!p0 $0x1082;
	s9 =	sld [smem:$0x3FB6]  }
0x2f: {  	lr =	sadd.s32 s0, s3;
	s0 =	sld [smem:$0x3FAD]  }
0x30: {  	s3 =	sld [smem:$0x3FB0]  }
0x31: {  	[smem:$0x3FB9] =	sst s10  }
0x32: {  	s10 =	sld [smem:$0x3FB7];
	_ =	sdelay $0x3  }
0x33: {  	p0 =	seq.s32 s10, $0x1;
	s10 =	sld [smem:$0x3FB9];
	_ =	sdelay $0x3  }
0x34: {  	[smem:$0x3FB9] =	sst s10  }
0x35: {  	s10 =	sld [smem:$0x3FB8];
	_ =	sdelay $0x3  }
0x36: {  	p1 =	seq.s32 s10, $0x1;
	s10 =	sld [smem:$0x3FB9];
	_ =	sdelay $0x3  }
0x37: {  	[smem:$0x3FB9] =	sst s10  }
0x38: {  	s10 =	sld [smem:$0x3FBA]  }
0x39: {  	_ = 	snop;
	(pc) =	sbr.ind lr, $3  }
0x3a: {  	_ = 	snop  }
0x3b: {  	_ = 	snop  }
0x3c: {  	p2 =	seq.s32 s10, $0x1;
	s10 =	sld [smem:$0x3FB9]  }
0x3d: {  	_ =	shalt  }
0x3e: {  	_ =	shalt  }
0x3f: {  	_ =	shalt  }
0x40: {  	_ =	shalt  }
0x41: {  	_ =	shalt  }
0x42: {  	_ =	shalt  }
0x43: {  	_ =	shalt  }
0x44: {  	_ =	shalt  }
0x45: {  	_ =	shalt  }
0x46: {  	_ =	shalt  }
0x47: {  	_ =	shalt  }
0x48: {  	_ =	shalt  }
0x49: {  	_ =	shalt  }
0x4a: {  	_ =	shalt  }
0x4b: {  	_ =	shalt  }
0x4c: {  	_ =	shalt  }
0x4d: {  	_ =	shalt  }
0x4e: {  	_ =	shalt  }
0x4f: {  	_ =	shalt  }
0x50: {  	_ =	shalt  }
0x51: {  	_ =	shalt  }
0x52: {  	_ =	shalt  }
0x53: {  	_ =	shalt  }
0x54: {  	_ =	shalt  }
0x55: {  	_ =	shalt  }
0x56: {  	_ =	shalt  }
0x57: {  	_ =	shalt  }
0x58: {  	_ =	shalt  }
0x59: {  	_ =	shalt  }
0x5a: {  	_ =	shalt  }
0x5b: {  	_ =	shalt  }
0x5c: {  	_ =	shalt  }
0x5d: {  	_ =	shalt  }
0x5e: {  	_ =	shalt  }
0x5f: {  	_ =	shalt  }
0x60: {  	_ =	shalt  }
0x61: {  	_ =	shalt  }
0x62: {  	_ =	shalt  }
0x63: {  	_ =	shalt  }
0x64: {  	_ =	shalt  }
0x65: {  	_ =	shalt  }
0x66: {  	_ =	shalt  }
0x67: {  	_ =	shalt  }
0x68: {  	_ =	shalt  }
0x69: {  	_ =	shalt  }
0x6a: {  	_ =	shalt  }
0x6b: {  	_ =	shalt  }
0x6c: {  	_ =	shalt  }
0x6d: {  	_ =	shalt  }
0x6e: {  	_ =	shalt  }
0x6f: {  	_ =	shalt  }
0x70: {  	_ =	shalt  }
0x71: {  	_ =	shalt  }
0x72: {  	_ =	shalt  }
0x73: {  	_ =	shalt  }
0x74: {  	_ =	shalt  }
0x75: {  	_ =	shalt  }
0x76: {  	_ =	shalt  }
0x77: {  	_ =	shalt  }
0x78: {  	_ =	shalt  }
0x79: {  	_ =	shalt  }
0x7a: {  	_ =	shalt  }
0x7b: {  	_ =	shalt  }
0x7c: {  	_ =	shalt  }
0x7d: {  	_ =	shalt  }
0x7e: {  	_ =	shalt  }
0x7f: {  	_ =	shalt  }
0x80: {  	_ =	shalt  }
0x81: {  	_ =	shalt  }
0x82: {  	_ =	shalt  }
0x83: {  	_ =	shalt  }
0x84: {  	_ =	shalt  }
0x85: {  	_ =	shalt  }
0x86: {  	_ =	shalt  }
0x87: {  	_ =	shalt  }
.Lfunc_end0:
.L_simem_size_0:
called_computation_lowered:
.L_overlay_start_0:
0x88: {  	s2 =	sld [smem:$0x3FD9]  }
0x89: {  	s3 =	sld [smem:$0x3FFE];
	_ =	sdelay $0x1  }
0x8a: {  	s1 =	srdreg.scid  }
0x8b: {  	s0 =	sand.u32 $0x1, s1  }
0x8c: {  	s17 =	sshll.u32 s0, $0xA;
	s2 =	sadd.s32 s3, s2  }
0x8d: {  	s2 =	sadd.s32 s2, s17  }
0x8e: {  	[smem:$0x3FC5] =	sst s2  }
0x8f: {  	_ = 	snop  }
0x90: {  	s2 =	sld [smem:$0x3FC7]  }
0x91: {  	s18 =	sld [smem:$0x3FD0];
	(tm) =	ssettm $0x1  }
0x92: {  	s4 =	sld [smem:$0x3FFB];
	_ =	sdelay $0x3  }
0x93: {  	_ =	strace s4  }
0x94: {  	s4 =	sld [smem:$0x3FFC];
	_ =	sdelay $0x3  }
0x95: {  	_ =	strace s4  }
0x96: {  	s4 =	sld [smem:$0x3FFD];
	_ =	sdelay $0x3  }
0x97: {  	_ =	strace s4  }
0x98: {  	_ =	strace $0x8FFFFFFF  }
0x99: {  	s19 =	sld [smem:$0x3FDB];
	_ =	sdelay $0x1  }
0x9a: {  	s5 =	simm.s32 $_scs_section_size  }
0x9b: {  	s6 =	simm.s32 $_size__tile_overlayer_lowered;
	s7 =	simm.s32 $_tile_overlayer_lowered  }
0x9c: {  	s22 =	simm.s32 $0x1BFF;
	s21 =	sshll.u32 s7, $0x1;
	s4 =	sadd.s32 s5, s19  }
0x9d: {  	s8 =	simm.s32 $0x0;
	s20 =	sshll.u32 s6, $0x1;
	s6 =	sadd.s32 s21, s4  }
0x9e: {  	[timem:s8], [sflag:s22] =	dma.local [hbm:s6], s20  }
0x9f: {  	_ =	swait.ge [sflag:s22], s20  }
0xa0: {  	s5 =	ssub.s32 $0x0, s20;
	[sflag:s22] =	ssyncset.done $0x0  }
0xa1: {  	[sflag:s22] =	ssyncadd.s32 s5;
	_ =	sdelay $0x1  }
0xa2: {  	s23 =	simm.s32 $0x1B8B  }
0xa3: {  	_ =	swait.ge [sflag:s23], $0x1  }
0xa4: {  	[sflag:s23] =	ssyncset.done $0x0  }
0xa5: {  	s25 =	simm.s32 $0x1B8E;
	s24 =	sld [smem:$0x3FFE];
	[sflag:s23] =	ssyncadd.s32 $0xFFFFFFFF  }
0xa6: {  	s26 =	simm.s32 $execute0_lowered;
	[smem:$0x3FD2] =	sst s25  }
0xa7: {  	s6 =	sshll.u32 s26, $0x1;
	_ =	strace $0x80000046;
	[dreg:$0x1] =	wrdreg $0xFFFFFFFF  }
0xa8: {  	s28 =	simm.s32 $_size_execute0_lowered;
	s4 =	sadd.s32 s4, s6;
	[dreg:$0x0] =	wrdreg $0x0  }
0xa9: {  	s6 =	sshll.u32 s28, $0x1;
	[dreg:$0x2] =	wrdreg s4  }
0xaa: {  	[dreg:$0x3] =	wrdreg s6  }
0xab: {  	[dreg:$0x4] =	wrdreg $0xC0  }
0xac: {  	_ =	task [dreg:s8], $0x5FFFF  }
0xad: {  	[dreg:$0x1] =	wrdreg $0xFFFFFFFF  }
0xae: {  	[dreg:$0x0] =	wrdreg $0x60  }
0xaf: {  	[dreg:$0x2] =	wrdreg s24  }
0xb0: {  	[dreg:$0x3] =	wrdreg s2  }
0xb1: {  	[dreg:$0x4] =	wrdreg s18  }
0xb2: {  	[dreg:$0x5] =	wrdreg $0x9  }
0xb3: {  	_ =	task.clear_ibuf [dreg:s8], $0x6FFFF;
	_ =	strace $0x90000046  }
0xb4: {  	s29 =	simm.s32 $0x9;
	_ =	strace $0x80000048  }
0xb5: {  	_ =	swait.ge [sflag:s29], $0x1  }
0xb6: {  	[sflag:s29] =	ssyncadd.s32 $0xFFFFFFFF  }
0xb7: {  	_ =	strace $0x90000048  }
0xb8: {  	_ =	sfence  }
0xb9: {  	s30 =	sld [smem:$0x0];
	_ =	sdelay $0x2  }
0xba: {  	s31 =	sshll.u32 s1, $0xD;
	s1 =	sshrl.u32 s1, $0x2  }
0xbb: {  	s3 =	sand.u32 $0x4000, s31;
	s1 =	sadd.s32 s1, s30  }
0xbc: {  	s0 =	sor.u32 s3, s0;
	s1 =	sshll.u32 s1, $0x11  }
0xbd: {  	s0 =	sor.u32 s1, s0  }
0xbe: {  	s0 =	sadd.s32 $0x8F2B, s0  }
0xbf: {  	[sflag:s0] =	ssyncadd.remote.s32 $0x1  }
0xc0: {  	_ =	sfence.sel $0xFFFF  }
0xc1: {  	[dreg:$0x0] =	wrdreg $0xFFFFFFFF;
	(pc) =	sbr.abs _section_cstart, $3  }
0xc2: {  	[dreg:$0x1] =	wrdreg $0xFFFFFFFF  }
0xc3: {  	_ =	task.clear_ibuf [dreg:s8], $0x2FFFF;
	_ =	strace $0x9FFFFFFF  }
0xc4: {  	(tm) =	ssettm $0x7FFFFFFF  }
0xc5: {  	_ =	shalt  }
tec
execute0_lowered:
.L_overlay_start_1:
0x0: {  	(tag) =	ssettag $0x1  }
0x1: {  	s0 =	srdreg.scid;
	s3 =	rddreg [dreg:$0x0]  }
0x2: {  	s6 =	stileid.u32;
	s2 =	rddreg [dreg:$0x1];
	s4 =	simm.s32 $0x0  }
0x3: {  	s10 =	simm.s32 $0x40;
	s12 =	simm.s32 $0x1980;
	s11 =	simm.s32 $0x5980  }
0x4: {  	s14 =	simm.s32 $0x7980;
	s28 =	simm.s32 $0x13980;
	s29 =	simm.s32 $0x6  }
0x5: {  	s30 =	simm.s32 $0xB;
	s31 =	simm.s32 $0x7;
	s9 =	simm.s32 $0x9  }
0x6: {  	s13 =	simm.s32 $0xE;
	s15 =	simm.s32 $0xA;
	s5 =	smul.u32 $0x32000, s6  }
0x7: {  	s0 =	sand.u32 $0x1, s0;
	s1 =	sshll.u32 s6, $0x1;
	s6 =	smul.u32 $0x190000, s6  }
0x8: {  	[smem:$0x7FF] =	sst s4;
	s1 =	sor.u32 s0, s1;
	s7 =	smul.u32 $0xC8000, s0  }
0x9: {  	_ =	strace $0x80000047;
	s8 =	smul.u32 $0x19000, s0;
	s0 =	ssub.s32 $0x2, s0  }
0xa: {  	s1 =	smul.u32 $0x1900, s1;
	s17 =	sshrl.u32 s0, $0x1;
	s16 =	sadd.s32 s7, s6  }
0xb: {  	s5 =	sadd.s32 s8, s5;
	s0 =	ssub.s32 s0, s17;
	s8 =	simm.s32 $0x3980  }
0xc: {  	s17 =	simm.s32 $0x9980;
	s1 =	sshrl.u32 s1, $0x3;
	s7 =	sadd.s32 $0x8000, s16  }
0xd: {  	[dreg:$0x4] =	wrdreg s5;
	s19 =	sadd.s32 $0x12000, s16;
	s21 =	sadd.s32 $0x10000, s16  }
0xe: {  	s23 =	sadd.s32 $0xA000, s16;
	s25 =	sadd.s32 $0xE000, s16;
	s0 =	smax.u32 s0, $0x1  }
0xf: {  	s1 =	sadd.s32 s1, s3;
	s3 =	sadd.s32 $0x6800, s3;
	[dreg:$0xd] =	wrdreg s0  }
0x10: {  	s18 =	sshrl.u32 s7, $0x3;
	s20 =	sshrl.u32 s19, $0x3;
	[dreg:$0xb] =	wrdreg s3  }
0x11: {  	s22 =	sshrl.u32 s21, $0x3;
	s24 =	sshrl.u32 s23, $0x3;
	[dreg:$0x5] =	wrdreg s18  }
0x12: {  	s26 =	sshrl.u32 s25, $0x3;
	s19 =	simm.s32 $0xB980;
	[dreg:$0x6] =	wrdreg s20  }
0x13: {  	s21 =	simm.s32 $0xD980;
	s23 =	simm.s32 $0xF980;
	[dreg:$0x7] =	wrdreg s22  }
0x14: {  	s25 =	simm.s32 $0x11980;
	s0 =	simm.s32 $0x8;
	[dreg:$0x8] =	wrdreg s24  }
0x15: {  	s7 =	simm.s32 $0x0;
	s3 =	sadd.s32 $0xC000, s16;
	[dreg:$0x9] =	wrdreg s26  }
0x16: {  	s1 =	sadd.s32 $0x400, s1;
	s18 =	simm.s32 $0x1;
	s20 =	simm.s32 $0x2  }
0x17: {  	s22 =	simm.s32 $0x3;
	s24 =	simm.s32 $0x4;
	s26 =	simm.s32 $0x5  }
0x18: {  	s16 =	simm.s32 $0x7980;
	s3 =	sshrl.u32 s3, $0x3;
	[dreg:$0xc] =	wrdreg s1  }
0x19: {  	v0 =	vlaneseq.u32;
	s1 =	simm.s32 $0xC;
	[dreg:$0xa] =	wrdreg s3;
	s3 =	simm.s32 $0xD  }
.LBB2_1:
0x1a: {  	[dreg:$0xe] =	wrdreg s7  }
0x1b: {  	s5 =	rddreg [dreg:$0xc];
	s6 =	simm.s32 $0x15  }
0x1c: {  	[tilespmem:s4], [sflag:$0x15] =	stream.linear.gather [hbm4b:s5+s4], $0x1900, $0x38;
	[tilespmem:$0x15980] =	vst v63  }
0x1d: {  	_ =	swait.ge [sflag:s6], $0x1900  }
0x1e: {  	[sflag:s6] =	ssyncset.done $0x0  }
0x1f: {  	s7 =	simm.s32 $0x1900;
	s5 =	rddreg [dreg:$0xb];
	[sflag:s6] =	ssyncadd.s32 $0xFFFFE700  }
0x20: {  	[tilespmem:s7], [sflag:$0x15] =	stream.linear.gather [hbm4b:s5+s4], $0x80, $0x38;
	[tilespmem:$0x15980] =	vst v63  }
0x21: {  	s7 =	simm.s32 $0x10  }
0x22: {  	_ =	swait.ge [sflag:s6], $0x80;
	v2 =	vor.u32 s7, v0  }
0x23: {  	v4 =	vor.u32 s4, v0;
	s7 =	simm.s32 $0x20;
	[sflag:s6] =	ssyncset.done $0x0;
	v5 =	vmulhi.u32 $0x51EB851F, v2  }
0x24: {  	v7 =	vmulhi.u32 $0x51EB851F, v4;
	v3 =	vor.u32 s7, v0;
	s7 =	simm.s32 $0x30;
	[sflag:s6] =	ssyncadd.s32 $0xFFFFFF80  }
0x25: {  	s5 =	simm.s32 $0x20;
	v6 =	vmulhi.u32 $0x51EB851F, v3;
	s6 =	simm.s32 $0x40;
	v1 =	vld [tilespmem:$0x1900];
	v8 =	vshrl.u32 v5, $0x6;
	v5 =	vor.u32 s7, v0  }
.LBB2_2:
0x26: {  	s7 =	sadd.s32 $0x10, s6;
	p0 =	sne.s32 s6, $0xC0;
	v9 =	vld [tilespmem:s5+$0xFFFFFFE0];
	v7 =	vshrl.u32 v7, $0x6;
	v8 =	vmul.u32 $0xC8, v8;
	v10 =	vmulhi.u32 $0x51EB851F, v5  }
0x27: {  	v11 =	vor.u32 s7, v0;
	v7 =	vmul.u32 $0xC8, v7;
	v12 =	vld [tilespmem:s5+$0x0]  }
0x28: {  	v6 =	vshrl.u32 v6, $0x6;
	v8 =	vsub.s32 v2, v8;
	v13 =	vld [tilespmem:s5+$0x10];
	v10 =	vshrl.u32 v10, $0x6;
	v2 =	vmovc v11  }
0x29: {  	v6 =	vmul.u32 $0xC8, v6;
	v4 =	vsub.s32 v4, v7;
	v7 =	vld [tilespmem:s5+$0xFFFFFFF0];
	v10 =	vmul.u32 $0xC8, v10  }
0x2a: {  	v11 =	vmulhi.u32 $0x51EB851F, v2;
	vm1 =	vlt.s32 v8, v1;
	vm0 =	vlt.s32 v4, v1  }
0x2b: {  	v3 =	vsub.s32 v3, v6;
	v4 =	vadd.s32 $0x1, v9;
	v5 =	vsub.s32 v5, v10  }
.Ltmp0:
0x2c: {  	v4 =	vnsel vm0, $0x0, v4;
	vm0 =	vlt.s32 v3, v1;
	v3 =	vadd.s32 $0x1, v12;
	(pc) =	sbr.rel @p0 .LBB2_2-.Ltmp0, $4  }
0x2d: {  	[tilespmem:s5+$0xFFFFFFE0] =	vst v4;
	v3 =	vnsel vm0, $0x0, v3;
	vm0 =	vlt.s32 v5, v1;
	v5 =	vadd.s32 $0x1, v13  }
0x2e: {  	s7 =	sadd.s32 $0x20, s6;
	v4 =	vor.u32 s6, v0;
	v6 =	vadd.s32 $0x1, v7;
	[tilespmem:s5+$0x0] =	vst v3;
	v5 =	vnsel vm0, $0x0, v5  }
0x2f: {  	v7 =	vmulhi.u32 $0x51EB851F, v4;
	v3 =	vor.u32 s7, v0;
	s7 =	sadd.s32 $0x30, s6;
	v9 =	vnsel vm1, $0x0, v6;
	[tilespmem:s5+$0x10] =	vst v5  }
0x30: {  	v8 =	vshrl.u32 v11, $0x6;
	s6 =	sadd.s32 $0x40, s6;
	v6 =	vmulhi.u32 $0x51EB851F, v3;
	v5 =	vor.u32 s7, v0;
	[tilespmem:s5+$0xFFFFFFF0] =	vst v9;
	s5 =	sadd.s32 $0x40, s5  }
0x31: {  	v9 =	vld [tilespmem:s5+$0xFFFFFFE0]  }
0x32: {  	v7 =	vshrl.u32 v7, $0x6;
	v10 =	vmulhi.u32 $0x51EB851F, v5;
	v11 =	vld [tilespmem:s5+$0x0];
	v8 =	vmul.u32 $0xC8, v8  }
0x33: {  	v60 =	vld [tilespmem:s5+$0xFFFFFFF0];
	v7 =	vmul.u32 $0xC8, v7;
	v6 =	vshrl.u32 v6, $0x6  }
0x34: {  	v12 =	vld [tilespmem:s5+$0x10];
	v10 =	vshrl.u32 v10, $0x6;
	v6 =	vmul.u32 $0xC8, v6;
	v2 =	vsub.s32 v2, v8  }
0x35: {  	v4 =	vsub.s32 v4, v7;
	v10 =	vmul.u32 $0xC8, v10;
	vm1 =	vlt.s32 v2, v1  }
0x36: {  	vm0 =	vlt.s32 v4, v1;
	v3 =	vsub.s32 v3, v6;
	v61 =	vadd.s32 $0x1, v9  }
0x37: {  	vm14 =	vlt.s32 v3, v1;
	v3 =	vadd.s32 $0x1, v11;
	v4 =	vnsel vm0, $0x0, v61  }
0x38: {  	v62 =	vsub.s32 v5, v10;
	v2 =	vadd.s32 $0x1, v60;
	v3 =	vnsel vm14, $0x0, v3;
	[tilespmem:s5+$0xFFFFFFE0] =	vst v4  }
0x39: {  	v63 =	vadd.s32 $0x1, v12;
	vm15 =	vlt.s32 v62, v1;
	v2 =	vnsel vm1, $0x0, v2;
	[tilespmem:s5+$0x0] =	vst v3  }
0x3a: {  	v3 =	vnsel vm15, $0x0, v63;
	[tilespmem:s5+$0xFFFFFFF0] =	vst v2  }
0x3b: {  	[tilespmem:s5+$0x10] =	vst v3  }
0x3c: {  	[tilespmem:s12], [sflag:$0x1] =	stream.indirect.gather [hbm4b:s2+s10], $0x80, s4, s10, $0xb8;
	[tilespmem:$0x15980] =	vst v63  }
0x3d: {  	_ = 	snop  }
0x3e: {  	[tilespmem:s8], [sflag:$0x2] =	stream.indirect.gather [hbm4b:s2+s10], $0x80, s10, s10, $0xb8;
	[tilespmem:$0x15980] =	vst v63  }
0x3f: {  	s6 =	simm.s32 $0x370;
	s8 =	simm.s32 $0x80  }
0x40: {  	[tilespmem:s11], [sflag:$0x3] =	stream.indirect.gather [hbm4b:s2+s10], $0x80, s8, s10, $0xb8;
	[tilespmem:$0x15980] =	vst v63  }
0x41: {  	s7 =	simm.s32 $0x340;
	s11 =	simm.s32 $0xC0;
	s8 =	rddreg [dreg:$0x2]  }
0x42: {  	[tilespmem:s14], [sflag:$0x4] =	stream.indirect.gather [hbm4b:s2+s10], $0x80, s11, s10, $0xb8;
	[tilespmem:$0x15980] =	vst v63  }
.LBB2_4:
0x43: {  	p0 =	seq.s32 s6, $0x370  }
0x44: {  	s5 =	simm.s32 @!p0 $0xF  }
0x45: {  	s11 =	sadd.s32 $0xFFFFFD90, s6;
	_ =	swait.ge @!p0 [sflag:s5], $0x2000  }
0x46: {  	v2 =	vor.u32 s11, v0;
	[sflag:s5] =	ssyncset.done @!p0 $0x0  }
0x47: {  	v3 =	vmulhi.u32 $0x51EB851F, v2;
	[sflag:s5] =	ssyncadd.s32 @!p0 $0xFFFFE000  }
0x48: {  	v4 =	vld [tilespmem:s7+$0xFFFFFDC0]  }
0x49: {  	v3 =	vshrl.u32 v3, $0x6  }
0x4a: {  	v3 =	vmul.u32 $0xC8, v3;
	_ =	sdelay $0x1  }
0x4b: {  	v2 =	vsub.s32 v2, v3  }
0x4c: {  	s11 =	sadd.s32 $0xFFFFFDA0, s6;
	vm0 =	vlt.s32 v2, v1;
	v2 =	vadd.s32 $0x1, v4  }
0x4d: {  	v3 =	vor.u32 s11, v0;
	v2 =	vnsel vm0, $0x0, v2  }
0x4e: {  	[tilespmem:s7+$0xFFFFFDC0] =	vst v2;
	v2 =	vmulhi.u32 $0x51EB851F, v3  }
0x4f: {  	v41 =	vld [tilespmem:s7+$0xFFFFFDD0]  }
0x50: {  	v2 =	vshrl.u32 v2, $0x6  }
0x51: {  	v2 =	vmul.u32 $0xC8, v2;
	_ =	sdelay $0x1  }
0x52: {  	v2 =	vsub.s32 v3, v2  }
0x53: {  	s14 =	sadd.s32 $0xFFFFFDB0, s6;
	vm5 =	vlt.s32 v2, v1;
	v2 =	vadd.s32 $0x1, v41  }
0x54: {  	v3 =	vor.u32 s14, v0;
	v2 =	vnsel vm5, $0x0, v2  }
0x55: {  	[tilespmem:s7+$0xFFFFFDD0] =	vst v2;
	v2 =	vmulhi.u32 $0x51EB851F, v3  }
0x56: {  	v42 =	vld [tilespmem:s7+$0xFFFFFDE0]  }
0x57: {  	v2 =	vshrl.u32 v2, $0x6  }
0x58: {  	v2 =	vmul.u32 $0xC8, v2;
	_ =	sdelay $0x1  }
0x59: {  	v2 =	vsub.s32 v3, v2  }
0x5a: {  	s11 =	sadd.s32 $0xFFFFFDC0, s6;
	vm6 =	vlt.s32 v2, v1;
	v2 =	vadd.s32 $0x1, v42  }
0x5b: {  	v3 =	vor.u32 s11, v0;
	v2 =	vnsel vm6, $0x0, v2  }
0x5c: {  	[tilespmem:s7+$0xFFFFFDE0] =	vst v2;
	v2 =	vmulhi.u32 $0x51EB851F, v3  }
0x5d: {  	v43 =	vld [tilespmem:s7+$0xFFFFFDF0]  }
0x5e: {  	v2 =	vshrl.u32 v2, $0x6  }
0x5f: {  	v2 =	vmul.u32 $0xC8, v2;
	_ =	sdelay $0x1  }
0x60: {  	v2 =	vsub.s32 v3, v2  }
0x61: {  	vm7 =	vlt.s32 v2, v1;
	v2 =	vadd.s32 $0x1, v43  }
0x62: {  	v2 =	vnsel vm7, $0x0, v2  }
0x63: {  	s14 =	sadd.s32 $0xFFFFFDC0, s7;
	[tilespmem:s7+$0xFFFFFDF0] =	vst v2  }
0x64: {  	[tilespmem:s17], [sflag:$0x5] =	stream.indirect.gather [hbm4b:s2+s10], $0x80, s14, s10, $0xb8;
	[tilespmem:$0x15980] =	vst v63  }
0x65: {  	_ =	swait.ge [sflag:s18], $0x2000  }
0x66: {  	s11 =	rddreg [dreg:$0x4];
	[sflag:s18] =	ssyncset.done $0x0  }
0x67: {  	[sflag:s18] =	ssyncadd.s32 $0xFFFFE000;
	s5 =	sadd.s32 s8, s11;
	s11 =	simm.s32 @!p0 $0x10  }
0x68: {  	[hbm4b:s5+s4] =	stream.linear.scatter [tilespmem:s12], [sflag:$0xB], $0x2000, $0x38;
	[tilespmem:$0x15980] =	vst v63  }
0x69: {  	s12 =	sadd.s32 $0xFFFFFDD0, s6;
	_ =	swait.ge @!p0 [sflag:s11], $0x2000  }
0x6a: {  	v2 =	vor.u32 s12, v0;
	[sflag:s11] =	ssyncset.done @!p0 $0x0  }
0x6b: {  	v3 =	vmulhi.u32 $0x51EB851F, v2;
	[sflag:s11] =	ssyncadd.s32 @!p0 $0xFFFFE000  }
0x6c: {  	v44 =	vld [tilespmem:s7+$0xFFFFFE00]  }
0x6d: {  	v3 =	vshrl.u32 v3, $0x6  }
0x6e: {  	v3 =	vmul.u32 $0xC8, v3;
	_ =	sdelay $0x1  }
0x6f: {  	v2 =	vsub.s32 v2, v3  }
0x70: {  	s14 =	sadd.s32 $0xFFFFFDE0, s6;
	vm8 =	vlt.s32 v2, v1;
	v2 =	vadd.s32 $0x1, v44  }
0x71: {  	v3 =	vor.u32 s14, v0;
	v2 =	vnsel vm8, $0x0, v2  }
0x72: {  	s11 =	sor.u32 $0x50, s12;
	[tilespmem:s7+$0xFFFFFE00] =	vst v2;
	v2 =	vmulhi.u32 $0x51EB851F, v3  }
0x73: {  	v45 =	vld [tilespmem:s11+$0x0]  }
0x74: {  	v2 =	vshrl.u32 v2, $0x6  }
0x75: {  	v2 =	vmul.u32 $0xC8, v2;
	_ =	sdelay $0x1  }
0x76: {  	v2 =	vsub.s32 v3, v2  }
0x77: {  	s14 =	sadd.s32 $0xFFFFFDF0, s6;
	vm9 =	vlt.s32 v2, v1;
	v2 =	vadd.s32 $0x1, v45  }
0x78: {  	v3 =	vor.u32 s14, v0;
	v2 =	vnsel vm9, $0x0, v2  }
0x79: {  	[tilespmem:s11+$0x0] =	vst v2;
	s11 =	sor.u32 $0x60, s12;
	v2 =	vmulhi.u32 $0x51EB851F, v3  }
0x7a: {  	v46 =	vld [tilespmem:s11+$0x0]  }
0x7b: {  	v2 =	vshrl.u32 v2, $0x6  }
0x7c: {  	v2 =	vmul.u32 $0xC8, v2;
	_ =	sdelay $0x1  }
0x7d: {  	v2 =	vsub.s32 v3, v2  }
0x7e: {  	s14 =	sadd.s32 $0xFFFFFE00, s6;
	vm10 =	vlt.s32 v2, v1;
	v2 =	vadd.s32 $0x1, v46  }
0x7f: {  	v3 =	vor.u32 s14, v0;
	v2 =	vnsel vm10, $0x0, v2  }
0x80: {  	s12 =	sor.u32 $0x70, s12;
	[tilespmem:s11+$0x0] =	vst v2;
	v2 =	vmulhi.u32 $0x51EB851F, v3  }
0x81: {  	v47 =	vld [tilespmem:s12+$0x0]  }
0x82: {  	v2 =	vshrl.u32 v2, $0x6  }
0x83: {  	v2 =	vmul.u32 $0xC8, v2;
	_ =	sdelay $0x1  }
0x84: {  	v2 =	vsub.s32 v3, v2  }
0x85: {  	vm11 =	vlt.s32 v2, v1;
	v2 =	vadd.s32 $0x1, v47  }
0x86: {  	v2 =	vnsel vm11, $0x0, v2  }
0x87: {  	s14 =	sadd.s32 $0xFFFFFE00, s7;
	[tilespmem:s12+$0x0] =	vst v2  }
0x88: {  	[tilespmem:s19], [sflag:$0x6] =	stream.indirect.gather [hbm4b:s2+s10], $0x80, s14, s10, $0xb8;
	[tilespmem:$0x15980] =	vst v63  }
0x89: {  	_ =	swait.ge [sflag:s20], $0x2000  }
0x8a: {  	s11 =	simm.s32 @!p0 $0x11;
	[sflag:s20] =	ssyncset.done $0x0  }
0x8b: {  	s12 =	sadd.s32 $0x400, s5;
	s14 =	simm.s32 $0x3980;
	[sflag:s20] =	ssyncadd.s32 $0xFFFFE000  }
0x8c: {  	[hbm4b:s12+s4] =	stream.linear.scatter [tilespmem:s14], [sflag:$0xC], $0x2000, $0x38;
	[tilespmem:$0x15980] =	vst v63  }
0x8d: {  	s14 =	sadd.s32 $0xFFFFFE10, s6;
	_ =	swait.ge @!p0 [sflag:s11], $0x2000  }
0x8e: {  	v2 =	vor.u32 s14, v0;
	[sflag:s11] =	ssyncset.done @!p0 $0x0  }
0x8f: {  	v3 =	vmulhi.u32 $0x51EB851F, v2;
	[sflag:s11] =	ssyncadd.s32 @!p0 $0xFFFFE000  }
0x90: {  	v48 =	vld [tilespmem:s7+$0xFFFFFE40]  }
0x91: {  	v3 =	vshrl.u32 v3, $0x6  }
0x92: {  	v3 =	vmul.u32 $0xC8, v3;
	_ =	sdelay $0x1  }
0x93: {  	v2 =	vsub.s32 v2, v3  }
0x94: {  	s12 =	sadd.s32 $0xFFFFFE20, s6;
	vm12 =	vlt.s32 v2, v1;
	v2 =	vadd.s32 $0x1, v48  }
0x95: {  	v3 =	vor.u32 s12, v0;
	v2 =	vnsel vm12, $0x0, v2  }
0x96: {  	[tilespmem:s7+$0xFFFFFE40] =	vst v2;
	v2 =	vmulhi.u32 $0x51EB851F, v3  }
0x97: {  	v49 =	vld [tilespmem:s7+$0xFFFFFE50]  }
0x98: {  	v2 =	vshrl.u32 v2, $0x6  }
0x99: {  	v2 =	vmul.u32 $0xC8, v2;
	_ =	sdelay $0x1  }
0x9a: {  	v2 =	vsub.s32 v3, v2  }
0x9b: {  	s14 =	sadd.s32 $0xFFFFFE30, s6;
	vm13 =	vlt.s32 v2, v1;
	v2 =	vadd.s32 $0x1, v49  }
0x9c: {  	v3 =	vor.u32 s14, v0;
	v2 =	vnsel vm13, $0x0, v2  }
0x9d: {  	[tilespmem:s7+$0xFFFFFE50] =	vst v2;
	v2 =	vmulhi.u32 $0x51EB851F, v3  }
0x9e: {  	v50 =	vld [tilespmem:s7+$0xFFFFFE60]  }
0x9f: {  	v2 =	vshrl.u32 v2, $0x6  }
0xa0: {  	v2 =	vmul.u32 $0xC8, v2;
	_ =	sdelay $0x1  }
0xa1: {  	v2 =	vsub.s32 v3, v2  }
0xa2: {  	s12 =	sadd.s32 $0xFFFFFE40, s6;
	vm14 =	vlt.s32 v2, v1;
	v2 =	vadd.s32 $0x1, v50  }
0xa3: {  	v3 =	vor.u32 s12, v0;
	v2 =	vnsel vm14, $0x0, v2  }
0xa4: {  	[tilespmem:s7+$0xFFFFFE60] =	vst v2;
	v2 =	vmulhi.u32 $0x51EB851F, v3  }
0xa5: {  	v51 =	vld [tilespmem:s7+$0xFFFFFE70]  }
0xa6: {  	v2 =	vshrl.u32 v2, $0x6  }
0xa7: {  	v2 =	vmul.u32 $0xC8, v2;
	_ =	sdelay $0x1  }
0xa8: {  	v2 =	vsub.s32 v3, v2  }
0xa9: {  	vm15 =	vlt.s32 v2, v1;
	v2 =	vadd.s32 $0x1, v51  }
0xaa: {  	v2 =	vnsel vm15, $0x0, v2  }
0xab: {  	s14 =	sadd.s32 $0xFFFFFE40, s7;
	[tilespmem:s7+$0xFFFFFE70] =	vst v2  }
0xac: {  	[tilespmem:s21], [sflag:$0x7] =	stream.indirect.gather [hbm4b:s2+s10], $0x80, s14, s10, $0xb8;
	[tilespmem:$0x15980] =	vst v63  }
0xad: {  	_ =	swait.ge [sflag:s22], $0x2000  }
0xae: {  	s11 =	simm.s32 @!p0 $0x12;
	[sflag:s22] =	ssyncset.done $0x0  }
0xaf: {  	s12 =	sadd.s32 $0x800, s5;
	s14 =	simm.s32 $0x5980;
	[sflag:s22] =	ssyncadd.s32 $0xFFFFE000  }
0xb0: {  	[hbm4b:s12+s4] =	stream.linear.scatter [tilespmem:s14], [sflag:$0xD], $0x2000, $0x38;
	[tilespmem:$0x15980] =	vst v63  }
0xb1: {  	s12 =	sadd.s32 $0xFFFFFE50, s6;
	_ =	swait.ge @!p0 [sflag:s11], $0x2000  }
0xb2: {  	v2 =	vor.u32 s12, v0;
	[sflag:s11] =	ssyncset.done @!p0 $0x0  }
0xb3: {  	v3 =	vmulhi.u32 $0x51EB851F, v2;
	[sflag:s11] =	ssyncadd.s32 @!p0 $0xFFFFE000  }
0xb4: {  	v52 =	vld [tilespmem:s7+$0xFFFFFE80]  }
0xb5: {  	v3 =	vshrl.u32 v3, $0x6  }
0xb6: {  	v3 =	vmul.u32 $0xC8, v3;
	_ =	sdelay $0x1  }
0xb7: {  	v2 =	vsub.s32 v2, v3  }
0xb8: {  	s14 =	sadd.s32 $0xFFFFFE60, s6;
	vm4 =	vlt.s32 v2, v1;
	v2 =	vadd.s32 $0x1, v52  }
0xb9: {  	v3 =	vor.u32 s14, v0;
	v2 =	vnsel vm4, $0x0, v2  }
0xba: {  	s11 =	sor.u32 $0x50, s12;
	[tilespmem:s7+$0xFFFFFE80] =	vst v2;
	v2 =	vmulhi.u32 $0x51EB851F, v3  }
0xbb: {  	v53 =	vld [tilespmem:s11+$0x0]  }
0xbc: {  	v2 =	vshrl.u32 v2, $0x6  }
0xbd: {  	v2 =	vmul.u32 $0xC8, v2;
	_ =	sdelay $0x1  }
0xbe: {  	v2 =	vsub.s32 v3, v2  }
0xbf: {  	s14 =	sadd.s32 $0xFFFFFE70, s6;
	vm5 =	vlt.s32 v2, v1;
	v2 =	vadd.s32 $0x1, v53  }
0xc0: {  	v3 =	vor.u32 s14, v0;
	v2 =	vnsel vm5, $0x0, v2  }
0xc1: {  	[tilespmem:s11+$0x0] =	vst v2;
	s11 =	sor.u32 $0x60, s12;
	v2 =	vmulhi.u32 $0x51EB851F, v3  }
0xc2: {  	v54 =	vld [tilespmem:s11+$0x0]  }
0xc3: {  	v2 =	vshrl.u32 v2, $0x6  }
0xc4: {  	v2 =	vmul.u32 $0xC8, v2;
	_ =	sdelay $0x1  }
0xc5: {  	v2 =	vsub.s32 v3, v2  }
0xc6: {  	s14 =	sadd.s32 $0xFFFFFE80, s6;
	vm6 =	vlt.s32 v2, v1;
	v2 =	vadd.s32 $0x1, v54  }
0xc7: {  	v3 =	vor.u32 s14, v0;
	v2 =	vnsel vm6, $0x0, v2  }
0xc8: {  	s12 =	sor.u32 $0x70, s12;
	[tilespmem:s11+$0x0] =	vst v2;
	v2 =	vmulhi.u32 $0x51EB851F, v3  }
0xc9: {  	v55 =	vld [tilespmem:s12+$0x0]  }
0xca: {  	v2 =	vshrl.u32 v2, $0x6  }
0xcb: {  	v2 =	vmul.u32 $0xC8, v2;
	_ =	sdelay $0x1  }
0xcc: {  	v2 =	vsub.s32 v3, v2  }
0xcd: {  	vm7 =	vlt.s32 v2, v1;
	v2 =	vadd.s32 $0x1, v55  }
0xce: {  	v2 =	vnsel vm7, $0x0, v2  }
0xcf: {  	s14 =	sadd.s32 $0xFFFFFE80, s7;
	[tilespmem:s12+$0x0] =	vst v2  }
0xd0: {  	[tilespmem:s23], [sflag:$0x8] =	stream.indirect.gather [hbm4b:s2+s10], $0x80, s14, s10, $0xb8;
	[tilespmem:$0x15980] =	vst v63  }
0xd1: {  	_ =	swait.ge [sflag:s24], $0x2000  }
0xd2: {  	[sflag:s24] =	ssyncset.done $0x0  }
0xd3: {  	s5 =	sadd.s32 $0xC00, s5;
	[sflag:s24] =	ssyncadd.s32 $0xFFFFE000  }
0xd4: {  	[hbm4b:s5+s4] =	stream.linear.scatter [tilespmem:s16], [sflag:$0xE], $0x2000, $0x38;
	[tilespmem:$0x15980] =	vst v63  }
0xd5: {  	s5 =	simm.s32 @!p0 $0x13  }
0xd6: {  	s12 =	sadd.s32 $0xFFFFFE90, s6;
	_ =	swait.ge @!p0 [sflag:s5], $0x2000  }
0xd7: {  	v2 =	vor.u32 s12, v0;
	[sflag:s5] =	ssyncset.done @!p0 $0x0  }
0xd8: {  	v3 =	vmulhi.u32 $0x51EB851F, v2;
	[sflag:s5] =	ssyncadd.s32 @!p0 $0xFFFFE000  }
0xd9: {  	v56 =	vld [tilespmem:s7+$0xFFFFFEC0]  }
0xda: {  	v3 =	vshrl.u32 v3, $0x6  }
0xdb: {  	v3 =	vmul.u32 $0xC8, v3;
	_ =	sdelay $0x1  }
0xdc: {  	v2 =	vsub.s32 v2, v3  }
0xdd: {  	s14 =	sadd.s32 $0xFFFFFEA0, s6;
	vm8 =	vlt.s32 v2, v1;
	v2 =	vadd.s32 $0x1, v56  }
0xde: {  	v3 =	vor.u32 s14, v0;
	v2 =	vnsel vm8, $0x0, v2  }
0xdf: {  	[tilespmem:s7+$0xFFFFFEC0] =	vst v2;
	v2 =	vmulhi.u32 $0x51EB851F, v3  }
0xe0: {  	v57 =	vld [tilespmem:s7+$0xFFFFFED0]  }
0xe1: {  	v2 =	vshrl.u32 v2, $0x6  }
0xe2: {  	v2 =	vmul.u32 $0xC8, v2;
	_ =	sdelay $0x1  }
0xe3: {  	v2 =	vsub.s32 v3, v2  }
0xe4: {  	s11 =	sadd.s32 $0xFFFFFEB0, s6;
	vm9 =	vlt.s32 v2, v1;
	v2 =	vadd.s32 $0x1, v57  }
0xe5: {  	v3 =	vor.u32 s11, v0;
	v2 =	vnsel vm9, $0x0, v2  }
0xe6: {  	[tilespmem:s7+$0xFFFFFED0] =	vst v2;
	v2 =	vmulhi.u32 $0x51EB851F, v3  }
0xe7: {  	v58 =	vld [tilespmem:s7+$0xFFFFFEE0]  }
0xe8: {  	v2 =	vshrl.u32 v2, $0x6  }
0xe9: {  	v2 =	vmul.u32 $0xC8, v2;
	_ =	sdelay $0x1  }
0xea: {  	v2 =	vsub.s32 v3, v2  }
0xeb: {  	s12 =	sadd.s32 $0xFFFFFEC0, s6;
	vm10 =	vlt.s32 v2, v1;
	v2 =	vadd.s32 $0x1, v58  }
0xec: {  	v3 =	vor.u32 s12, v0;
	v2 =	vnsel vm10, $0x0, v2  }
0xed: {  	[tilespmem:s7+$0xFFFFFEE0] =	vst v2;
	v2 =	vmulhi.u32 $0x51EB851F, v3  }
0xee: {  	v59 =	vld [tilespmem:s7+$0xFFFFFEF0]  }
0xef: {  	v2 =	vshrl.u32 v2, $0x6  }
0xf0: {  	v2 =	vmul.u32 $0xC8, v2;
	_ =	sdelay $0x1  }
0xf1: {  	v2 =	vsub.s32 v3, v2  }
0xf2: {  	vm11 =	vlt.s32 v2, v1;
	v2 =	vadd.s32 $0x1, v59  }
0xf3: {  	v2 =	vnsel vm11, $0x0, v2  }
0xf4: {  	s14 =	sadd.s32 $0xFFFFFEC0, s7;
	[tilespmem:s7+$0xFFFFFEF0] =	vst v2  }
0xf5: {  	[tilespmem:s25], [sflag:$0x9] =	stream.indirect.gather [hbm4b:s2+s10], $0x80, s14, s10, $0xb8;
	[tilespmem:$0x15980] =	vst v63  }
0xf6: {  	_ =	swait.ge [sflag:s26], $0x2000  }
0xf7: {  	s11 =	rddreg [dreg:$0x5];
	[sflag:s26] =	ssyncset.done $0x0  }
0xf8: {  	[sflag:s26] =	ssyncadd.s32 $0xFFFFE000;
	s5 =	sadd.s32 s8, s11  }
0xf9: {  	[hbm4b:s5+s4] =	stream.linear.scatter [tilespmem:s17], [sflag:$0xF], $0x2000, $0x38;
	[tilespmem:$0x15980] =	vst v63  }
0xfa: {  	s5 =	simm.s32 @!p0 $0x14  }
0xfb: {  	s11 =	sadd.s32 $0xFFFFFED0, s6;
	_ =	swait.ge @!p0 [sflag:s5], $0x2000  }
0xfc: {  	v2 =	vor.u32 s11, v0;
	[sflag:s5] =	ssyncset.done @!p0 $0x0  }
0xfd: {  	v3 =	vmulhi.u32 $0x51EB851F, v2;
	[sflag:s5] =	ssyncadd.s32 @!p0 $0xFFFFE000  }
0xfe: {  	v60 =	vld [tilespmem:s7+$0xFFFFFF00]  }
0xff: {  	v3 =	vshrl.u32 v3, $0x6  }
0x100: {  	v3 =	vmul.u32 $0xC8, v3;
	_ =	sdelay $0x1  }
0x101: {  	v2 =	vsub.s32 v2, v3  }
0x102: {  	s12 =	sadd.s32 $0xFFFFFEE0, s6;
	vm12 =	vlt.s32 v2, v1;
	v2 =	vadd.s32 $0x1, v60  }
0x103: {  	v3 =	vor.u32 s12, v0;
	v2 =	vnsel vm12, $0x0, v2  }
0x104: {  	s5 =	sor.u32 $0x50, s11;
	[tilespmem:s7+$0xFFFFFF00] =	vst v2;
	v2 =	vmulhi.u32 $0x51EB851F, v3  }
0x105: {  	v61 =	vld [tilespmem:s5+$0x0]  }
0x106: {  	v2 =	vshrl.u32 v2, $0x6  }
0x107: {  	v2 =	vmul.u32 $0xC8, v2;
	_ =	sdelay $0x1  }
0x108: {  	v2 =	vsub.s32 v3, v2  }
0x109: {  	s14 =	sadd.s32 $0xFFFFFEF0, s6;
	vm13 =	vlt.s32 v2, v1;
	v2 =	vadd.s32 $0x1, v61  }
0x10a: {  	v3 =	vor.u32 s14, v0;
	v2 =	vnsel vm13, $0x0, v2  }
0x10b: {  	[tilespmem:s5+$0x0] =	vst v2;
	s5 =	sor.u32 $0x60, s11;
	v2 =	vmulhi.u32 $0x51EB851F, v3  }
0x10c: {  	v62 =	vld [tilespmem:s5+$0x0]  }
0x10d: {  	v2 =	vshrl.u32 v2, $0x6  }
0x10e: {  	v2 =	vmul.u32 $0xC8, v2;
	_ =	sdelay $0x1  }
0x10f: {  	v2 =	vsub.s32 v3, v2  }
0x110: {  	s14 =	sadd.s32 $0xFFFFFF00, s6;
	vm14 =	vlt.s32 v2, v1;
	v2 =	vadd.s32 $0x1, v62  }
0x111: {  	v3 =	vor.u32 s14, v0;
	v2 =	vnsel vm14, $0x0, v2  }
0x112: {  	s12 =	sor.u32 $0x70, s11;
	[tilespmem:s5+$0x0] =	vst v2;
	v2 =	vmulhi.u32 $0x51EB851F, v3  }
0x113: {  	v63 =	vld [tilespmem:s12+$0x0]  }
0x114: {  	v2 =	vshrl.u32 v2, $0x6  }
0x115: {  	v2 =	vmul.u32 $0xC8, v2;
	_ =	sdelay $0x1  }
0x116: {  	v2 =	vsub.s32 v3, v2  }
0x117: {  	vm15 =	vlt.s32 v2, v1;
	v2 =	vadd.s32 $0x1, v63  }
0x118: {  	v2 =	vnsel vm15, $0x0, v2  }
0x119: {  	s14 =	sadd.s32 $0xFFFFFF00, s7;
	[tilespmem:s12+$0x0] =	vst v2  }
0x11a: {  	[tilespmem:s28], [sflag:$0xA] =	stream.indirect.gather [hbm4b:s2+s10], $0x80, s14, s10, $0xb8;
	[tilespmem:$0x15980] =	vst v63  }
0x11b: {  	_ =	swait.ge [sflag:s29], $0x2000  }
0x11c: {  	s11 =	rddreg [dreg:$0x8];
	[sflag:s29] =	ssyncset.done $0x0  }
0x11d: {  	p0 =	seq.s32 s6, $0x19F0;
	[sflag:s29] =	ssyncadd.s32 $0xFFFFE000;
	s5 =	sadd.s32 s8, s11  }
0x11e: {  	[hbm4b:s5+s4] =	stream.linear.scatter [tilespmem:s19], [sflag:$0x10], $0x2000, $0x38;
	[tilespmem:$0x15980] =	vst v63  }
0x11f: {  	v2 =	vlaneseq.u32 @!p0;
	s5 =	sadd.s32 @!p0 $0xFFFFFF10, s6;
	_ =	swait.ge [sflag:s30], $0x2000  }
0x120: {  	v3 =	vor.u32 @!p0 s5, v2;
	[sflag:s30] =	ssyncset.done $0x0  }
0x121: {  	v4 =	vmulhi.u32 @!p0 $0x51EB851F, v3;
	[sflag:s30] =	ssyncadd.s32 $0xFFFFE000  }
0x122: {  	v5 =	vld @!p0 [tilespmem:s7+$0xFFFFFF40]  }
0x123: {  	v4 =	vshrl.u32 @!p0 v4, $0x6  }
0x124: {  	v4 =	vmul.u32 @!p0 $0xC8, v4;
	_ =	sdelay $0x1  }
0x125: {  	v3 =	vsub.s32 @!p0 v3, v4  }
0x126: {  	s5 =	sadd.s32 @!p0 $0xFFFFFF20, s6;
	vm0 =	vlt.s32 @!p0 v3, v1;
	v3 =	vadd.s32 @!p0 $0x1, v5  }
0x127: {  	v4 =	vor.u32 @!p0 s5, v2;
	v3 =	vnsel @!p0 vm0, $0x0, v3  }
0x128: {  	[tilespmem:s7+$0xFFFFFF40] =	vst @!p0 v3;
	v3 =	vmulhi.u32 @!p0 $0x51EB851F, v4  }
0x129: {  	v5 =	vld @!p0 [tilespmem:s7+$0xFFFFFF50]  }
0x12a: {  	v3 =	vshrl.u32 @!p0 v3, $0x6  }
0x12b: {  	v3 =	vmul.u32 @!p0 $0xC8, v3;
	_ =	sdelay $0x1  }
0x12c: {  	v3 =	vsub.s32 @!p0 v4, v3  }
0x12d: {  	s5 =	sadd.s32 @!p0 $0xFFFFFF30, s6;
	vm0 =	vlt.s32 @!p0 v3, v1;
	v3 =	vadd.s32 @!p0 $0x1, v5  }
0x12e: {  	v4 =	vor.u32 @!p0 s5, v2;
	v3 =	vnsel @!p0 vm0, $0x0, v3  }
0x12f: {  	[tilespmem:s7+$0xFFFFFF50] =	vst @!p0 v3;
	v3 =	vmulhi.u32 @!p0 $0x51EB851F, v4  }
0x130: {  	v5 =	vld @!p0 [tilespmem:s7+$0xFFFFFF60]  }
0x131: {  	v3 =	vshrl.u32 @!p0 v3, $0x6  }
0x132: {  	v3 =	vmul.u32 @!p0 $0xC8, v3;
	_ =	sdelay $0x1  }
0x133: {  	v3 =	vsub.s32 @!p0 v4, v3  }
0x134: {  	s5 =	sadd.s32 @!p0 $0xFFFFFF40, s6;
	vm0 =	vlt.s32 @!p0 v3, v1;
	v3 =	vadd.s32 @!p0 $0x1, v5  }
0x135: {  	v4 =	vor.u32 @!p0 s5, v2;
	v3 =	vnsel @!p0 vm0, $0x0, v3  }
0x136: {  	[tilespmem:s7+$0xFFFFFF60] =	vst @!p0 v3;
	v3 =	vmulhi.u32 @!p0 $0x51EB851F, v4  }
0x137: {  	v5 =	vld @!p0 [tilespmem:s7+$0xFFFFFF70]  }
0x138: {  	v3 =	vshrl.u32 @!p0 v3, $0x6  }
0x139: {  	v3 =	vmul.u32 @!p0 $0xC8, v3;
	_ =	sdelay $0x1  }
0x13a: {  	v3 =	vsub.s32 @!p0 v4, v3  }
0x13b: {  	vm0 =	vlt.s32 @!p0 v3, v1;
	v3 =	vadd.s32 @!p0 $0x1, v5  }
0x13c: {  	v3 =	vnsel @!p0 vm0, $0x0, v3  }
0x13d: {  	s12 =	simm.s32 @!p0 $0x1980;
	s11 =	sadd.s32 @!p0 $0xFFFFFF40, s7;
	s5 =	simm.s32 @!p0 $0x40;
	[tilespmem:s7+$0xFFFFFF70] =	vst @!p0 v3  }
0x13e: {  	[tilespmem:s12], [sflag:$0x1] =	stream.indirect.gather @!p0 [hbm4b:s2+s5], $0x80, s11, s5, $0xb8;
	[tilespmem:$0x15980] =	vst v63  }
0x13f: {  	_ =	swait.ge [sflag:s31], $0x2000  }
0x140: {  	s12 =	rddreg [dreg:$0xa];
	[sflag:s31] =	ssyncset.done $0x0  }
0x141: {  	[sflag:s31] =	ssyncadd.s32 $0xFFFFE000;
	s11 =	sadd.s32 s8, s12  }
0x142: {  	[hbm4b:s11+s4] =	stream.linear.scatter [tilespmem:s21], [sflag:$0x11], $0x2000, $0x38;
	[tilespmem:$0x15980] =	vst v63  }
0x143: {  	s11 =	sadd.s32 @!p0 $0xFFFFFF50, s6;
	_ =	swait.ge [sflag:s1], $0x2000  }
0x144: {  	v3 =	vor.u32 @!p0 s11, v2;
	[sflag:s1] =	ssyncset.done $0x0  }
0x145: {  	v4 =	vmulhi.u32 @!p0 $0x51EB851F, v3;
	[sflag:s1] =	ssyncadd.s32 $0xFFFFE000  }
0x146: {  	v5 =	vld @!p0 [tilespmem:s7+$0xFFFFFF80]  }
0x147: {  	v4 =	vshrl.u32 @!p0 v4, $0x6  }
0x148: {  	v4 =	vmul.u32 @!p0 $0xC8, v4;
	_ =	sdelay $0x1  }
0x149: {  	v3 =	vsub.s32 @!p0 v3, v4  }
0x14a: {  	s12 =	sadd.s32 @!p0 $0xFFFFFF60, s6;
	vm0 =	vlt.s32 @!p0 v3, v1;
	v3 =	vadd.s32 @!p0 $0x1, v5  }
0x14b: {  	v4 =	vor.u32 @!p0 s12, v2;
	v3 =	vnsel @!p0 vm0, $0x0, v3  }
0x14c: {  	s12 =	sor.u32 @!p0 $0x50, s11;
	[tilespmem:s7+$0xFFFFFF80] =	vst @!p0 v3;
	v3 =	vmulhi.u32 @!p0 $0x51EB851F, v4  }
0x14d: {  	v5 =	vld @!p0 [tilespmem:s12+$0x0]  }
0x14e: {  	v3 =	vshrl.u32 @!p0 v3, $0x6  }
0x14f: {  	v3 =	vmul.u32 @!p0 $0xC8, v3;
	_ =	sdelay $0x1  }
0x150: {  	v3 =	vsub.s32 @!p0 v4, v3  }
0x151: {  	s14 =	sadd.s32 @!p0 $0xFFFFFF70, s6;
	vm0 =	vlt.s32 @!p0 v3, v1;
	v3 =	vadd.s32 @!p0 $0x1, v5  }
0x152: {  	v4 =	vor.u32 @!p0 s14, v2;
	v3 =	vnsel @!p0 vm0, $0x0, v3  }
0x153: {  	[tilespmem:s12+$0x0] =	vst @!p0 v3;
	s12 =	sor.u32 @!p0 $0x60, s11;
	v3 =	vmulhi.u32 @!p0 $0x51EB851F, v4  }
0x154: {  	v5 =	vld @!p0 [tilespmem:s12+$0x0]  }
0x155: {  	v3 =	vshrl.u32 @!p0 v3, $0x6  }
0x156: {  	v3 =	vmul.u32 @!p0 $0xC8, v3;
	_ =	sdelay $0x1  }
0x157: {  	v3 =	vsub.s32 @!p0 v4, v3  }
0x158: {  	s14 =	sadd.s32 @!p0 $0xFFFFFF80, s6;
	vm0 =	vlt.s32 @!p0 v3, v1;
	v3 =	vadd.s32 @!p0 $0x1, v5  }
0x159: {  	v4 =	vor.u32 @!p0 s14, v2;
	v3 =	vnsel @!p0 vm0, $0x0, v3  }
0x15a: {  	s11 =	sor.u32 @!p0 $0x70, s11;
	[tilespmem:s12+$0x0] =	vst @!p0 v3;
	v3 =	vmulhi.u32 @!p0 $0x51EB851F, v4  }
0x15b: {  	v5 =	vld @!p0 [tilespmem:s11+$0x0]  }
0x15c: {  	v3 =	vshrl.u32 @!p0 v3, $0x6  }
0x15d: {  	v3 =	vmul.u32 @!p0 $0xC8, v3;
	_ =	sdelay $0x1  }
0x15e: {  	v3 =	vsub.s32 @!p0 v4, v3  }
0x15f: {  	vm0 =	vlt.s32 @!p0 v3, v1;
	v3 =	vadd.s32 @!p0 $0x1, v5  }
0x160: {  	v3 =	vnsel @!p0 vm0, $0x0, v3  }
0x161: {  	s12 =	sadd.s32 @!p0 $0xFFFFFF80, s7;
	[tilespmem:s11+$0x0] =	vst @!p0 v3;
	s11 =	simm.s32 @!p0 $0x3980  }
0x162: {  	[tilespmem:s11], [sflag:$0x2] =	stream.indirect.gather @!p0 [hbm4b:s2+s5], $0x80, s12, s5, $0xb8;
	[tilespmem:$0x15980] =	vst v63  }
0x163: {  	_ =	swait.ge [sflag:s0], $0x2000  }
0x164: {  	s14 =	rddreg [dreg:$0x9];
	[sflag:s0] =	ssyncset.done $0x0  }
0x165: {  	[sflag:s0] =	ssyncadd.s32 $0xFFFFE000;
	s11 =	sadd.s32 s8, s14  }
0x166: {  	[hbm4b:s11+s4] =	stream.linear.scatter [tilespmem:s23], [sflag:$0x12], $0x2000, $0x38;
	[tilespmem:$0x15980] =	vst v63  }
0x167: {  	s11 =	sadd.s32 @!p0 $0xFFFFFF90, s6;
	_ =	swait.ge [sflag:s3], $0x2000  }
0x168: {  	v3 =	vor.u32 @!p0 s11, v2;
	[sflag:s3] =	ssyncset.done $0x0  }
0x169: {  	v4 =	vmulhi.u32 @!p0 $0x51EB851F, v3;
	[sflag:s3] =	ssyncadd.s32 $0xFFFFE000  }
0x16a: {  	v5 =	vld @!p0 [tilespmem:s7+$0xFFFFFFC0]  }
0x16b: {  	v4 =	vshrl.u32 @!p0 v4, $0x6  }
0x16c: {  	v4 =	vmul.u32 @!p0 $0xC8, v4;
	_ =	sdelay $0x1  }
0x16d: {  	v3 =	vsub.s32 @!p0 v3, v4  }
0x16e: {  	s11 =	sadd.s32 @!p0 $0xFFFFFFA0, s6;
	vm0 =	vlt.s32 @!p0 v3, v1;
	v3 =	vadd.s32 @!p0 $0x1, v5  }
0x16f: {  	v4 =	vor.u32 @!p0 s11, v2;
	v3 =	vnsel @!p0 vm0, $0x0, v3  }
0x170: {  	[tilespmem:s7+$0xFFFFFFC0] =	vst @!p0 v3;
	v3 =	vmulhi.u32 @!p0 $0x51EB851F, v4  }
0x171: {  	v5 =	vld @!p0 [tilespmem:s7+$0xFFFFFFD0]  }
0x172: {  	v3 =	vshrl.u32 @!p0 v3, $0x6  }
0x173: {  	v3 =	vmul.u32 @!p0 $0xC8, v3;
	_ =	sdelay $0x1  }
0x174: {  	v3 =	vsub.s32 @!p0 v4, v3  }
0x175: {  	s11 =	sadd.s32 @!p0 $0xFFFFFFB0, s6;
	vm0 =	vlt.s32 @!p0 v3, v1;
	v3 =	vadd.s32 @!p0 $0x1, v5  }
0x176: {  	v4 =	vor.u32 @!p0 s11, v2;
	v3 =	vnsel @!p0 vm0, $0x0, v3  }
0x177: {  	[tilespmem:s7+$0xFFFFFFD0] =	vst @!p0 v3;
	v3 =	vmulhi.u32 @!p0 $0x51EB851F, v4  }
0x178: {  	v5 =	vld @!p0 [tilespmem:s7+$0xFFFFFFE0]  }
0x179: {  	v3 =	vshrl.u32 @!p0 v3, $0x6  }
0x17a: {  	v3 =	vmul.u32 @!p0 $0xC8, v3;
	_ =	sdelay $0x1  }
0x17b: {  	v3 =	vsub.s32 @!p0 v4, v3  }
0x17c: {  	s11 =	sadd.s32 @!p0 $0xFFFFFFC0, s6;
	vm0 =	vlt.s32 @!p0 v3, v1;
	v3 =	vadd.s32 @!p0 $0x1, v5  }
0x17d: {  	v4 =	vor.u32 @!p0 s11, v2;
	v3 =	vnsel @!p0 vm0, $0x0, v3  }
0x17e: {  	[tilespmem:s7+$0xFFFFFFE0] =	vst @!p0 v3;
	v3 =	vmulhi.u32 @!p0 $0x51EB851F, v4  }
0x17f: {  	v5 =	vld @!p0 [tilespmem:s7+$0xFFFFFFF0]  }
0x180: {  	v3 =	vshrl.u32 @!p0 v3, $0x6  }
0x181: {  	v3 =	vmul.u32 @!p0 $0xC8, v3;
	_ =	sdelay $0x1  }
0x182: {  	v3 =	vsub.s32 @!p0 v4, v3  }
0x183: {  	vm0 =	vlt.s32 @!p0 v3, v1;
	v3 =	vadd.s32 @!p0 $0x1, v5  }
0x184: {  	v3 =	vnsel @!p0 vm0, $0x0, v3  }
0x185: {  	s12 =	simm.s32 @!p0 $0x5980;
	s11 =	sadd.s32 @!p0 $0xFFFFFFC0, s7;
	[tilespmem:s7+$0xFFFFFFF0] =	vst @!p0 v3  }
0x186: {  	[tilespmem:s12], [sflag:$0x3] =	stream.indirect.gather @!p0 [hbm4b:s2+s5], $0x80, s11, s5, $0xb8;
	[tilespmem:$0x15980] =	vst v63  }
0x187: {  	_ =	swait.ge [sflag:s9], $0x2000  }
0x188: {  	s12 =	rddreg [dreg:$0x7];
	[sflag:s9] =	ssyncset.done $0x0  }
0x189: {  	[sflag:s9] =	ssyncadd.s32 $0xFFFFE000;
	s11 =	sadd.s32 s8, s12  }
0x18a: {  	[hbm4b:s11+s4] =	stream.linear.scatter [tilespmem:s25], [sflag:$0x13], $0x2000, $0x38;
	[tilespmem:$0x15980] =	vst v63  }
0x18b: {  	s11 =	sadd.s32 @!p0 $0xFFFFFFD0, s6;
	_ =	swait.ge [sflag:s13], $0x2000  }
0x18c: {  	v3 =	vor.u32 @!p0 s11, v2;
	[sflag:s13] =	ssyncset.done $0x0  }
0x18d: {  	v4 =	vmulhi.u32 @!p0 $0x51EB851F, v3;
	[sflag:s13] =	ssyncadd.s32 $0xFFFFE000  }
0x18e: {  	v5 =	vld @!p0 [tilespmem:s7+$0x0]  }
0x18f: {  	v4 =	vshrl.u32 @!p0 v4, $0x6  }
0x190: {  	v4 =	vmul.u32 @!p0 $0xC8, v4;
	_ =	sdelay $0x1  }
0x191: {  	v3 =	vsub.s32 @!p0 v3, v4  }
0x192: {  	s12 =	sadd.s32 @!p0 $0xFFFFFFE0, s6;
	vm0 =	vlt.s32 @!p0 v3, v1;
	v3 =	vadd.s32 @!p0 $0x1, v5  }
0x193: {  	v4 =	vor.u32 @!p0 s12, v2;
	v3 =	vnsel @!p0 vm0, $0x0, v3  }
0x194: {  	s12 =	sor.u32 @!p0 $0x50, s11;
	[tilespmem:s7+$0x0] =	vst @!p0 v3;
	v3 =	vmulhi.u32 @!p0 $0x51EB851F, v4  }
0x195: {  	v5 =	vld @!p0 [tilespmem:s12+$0x0]  }
0x196: {  	v3 =	vshrl.u32 @!p0 v3, $0x6  }
0x197: {  	v3 =	vmul.u32 @!p0 $0xC8, v3;
	_ =	sdelay $0x1  }
0x198: {  	v3 =	vsub.s32 @!p0 v4, v3  }
0x199: {  	s14 =	sadd.s32 @!p0 $0xFFFFFFF0, s6;
	vm0 =	vlt.s32 @!p0 v3, v1;
	v3 =	vadd.s32 @!p0 $0x1, v5  }
0x19a: {  	v4 =	vor.u32 @!p0 s14, v2;
	v3 =	vnsel @!p0 vm0, $0x0, v3  }
0x19b: {  	[tilespmem:s12+$0x0] =	vst @!p0 v3;
	s12 =	sor.u32 @!p0 $0x60, s11;
	v3 =	vmulhi.u32 @!p0 $0x51EB851F, v4  }
0x19c: {  	v5 =	vld @!p0 [tilespmem:s12+$0x0]  }
0x19d: {  	v3 =	vshrl.u32 @!p0 v3, $0x6  }
0x19e: {  	v3 =	vmul.u32 @!p0 $0xC8, v3;
	_ =	sdelay $0x1  }
0x19f: {  	v3 =	vsub.s32 @!p0 v4, v3  }
0x1a0: {  	vm0 =	vlt.s32 @!p0 v3, v1;
	v3 =	vadd.s32 @!p0 $0x1, v5  }
0x1a1: {  	v2 =	vor.u32 @!p0 s6, v2;
	v3 =	vnsel @!p0 vm0, $0x0, v3  }
0x1a2: {  	s11 =	sor.u32 @!p0 $0x70, s11;
	[tilespmem:s12+$0x0] =	vst @!p0 v3;
	v3 =	vmulhi.u32 @!p0 $0x51EB851F, v2  }
0x1a3: {  	v4 =	vld @!p0 [tilespmem:s11+$0x0]  }
0x1a4: {  	v3 =	vshrl.u32 @!p0 v3, $0x6  }
0x1a5: {  	v3 =	vmul.u32 @!p0 $0xC8, v3;
	_ =	sdelay $0x1  }
0x1a6: {  	v2 =	vsub.s32 @!p0 v2, v3  }
0x1a7: {  	vm0 =	vlt.s32 @!p0 v2, v1;
	v2 =	vadd.s32 @!p0 $0x1, v4  }
0x1a8: {  	v2 =	vnsel @!p0 vm0, $0x0, v2  }
0x1a9: {  	s6 =	sadd.s32 $0x280, s6;
	[tilespmem:s11+$0x0] =	vst @!p0 v2;
	s11 =	simm.s32 @!p0 $0x7980  }
0x1aa: {  	[tilespmem:s11], [sflag:$0x4] =	stream.indirect.gather @!p0 [hbm4b:s2+s5], $0x80, s7, s5, $0xb8;
	[tilespmem:$0x15980] =	vst v63  }
0x1ab: {  	p0 =	sne.s32 s6, $0x1C70  }
.Ltmp1:
0x1ac: {  	_ = 	snop;
	(pc) =	sbr.rel @p0 .LBB2_4-.Ltmp1, $4  }
0x1ad: {  	s12 =	simm.s32 $0x1980;
	_ =	swait.ge [sflag:s15], $0x2000  }
0x1ae: {  	s7 =	sadd.s32 $0x280, s7;
	s14 =	rddreg [dreg:$0x6];
	[sflag:s15] =	ssyncset.done $0x0  }
0x1af: {  	[sflag:s15] =	ssyncadd.s32 $0xFFFFE000;
	s5 =	sadd.s32 s8, s14;
	s8 =	sadd.s32 $0x2800, s8  }
0x1b0: {  	[hbm4b:s5+s4] =	stream.linear.scatter [tilespmem:s28], [sflag:$0x14], $0x2000, $0x38;
	[tilespmem:$0x15980] =	vst v63  }
0x1b1: {  	s5 =	simm.s32 $0xF  }
0x1b2: {  	_ =	swait.ge [sflag:s5], $0x2000  }
0x1b3: {  	[sflag:s5] =	ssyncset.done $0x0  }
0x1b4: {  	s6 =	simm.s32 $0x10;
	[sflag:s5] =	ssyncadd.s32 $0xFFFFE000  }
0x1b5: {  	_ =	swait.ge [sflag:s6], $0x2000  }
0x1b6: {  	[sflag:s6] =	ssyncset.done $0x0  }
0x1b7: {  	s7 =	simm.s32 $0x11;
	[sflag:s6] =	ssyncadd.s32 $0xFFFFE000  }
0x1b8: {  	_ =	swait.ge [sflag:s7], $0x2000  }
0x1b9: {  	[sflag:s7] =	ssyncset.done $0x0  }
0x1ba: {  	s8 =	simm.s32 $0x12;
	[sflag:s7] =	ssyncadd.s32 $0xFFFFE000  }
0x1bb: {  	_ =	swait.ge [sflag:s8], $0x2000  }
0x1bc: {  	[sflag:s8] =	ssyncset.done $0x0  }
0x1bd: {  	s11 =	simm.s32 $0x13;
	[sflag:s8] =	ssyncadd.s32 $0xFFFFE000  }
0x1be: {  	_ =	swait.ge [sflag:s11], $0x2000  }
0x1bf: {  	[sflag:s11] =	ssyncset.done $0x0  }
0x1c0: {  	s6 =	simm.s32 $0x14;
	[sflag:s11] =	ssyncadd.s32 $0xFFFFE000  }
0x1c1: {  	_ =	swait.ge [sflag:s6], $0x2000  }
0x1c2: {  	s7 =	rddreg [dreg:$0xe]  }
0x1c3: {  	s14 =	rddreg [dreg:$0xd];
	s7 =	sadd.s32 $0x1, s7  }
0x1c4: {  	p0 =	sne.s32 s7, s14  }
.Ltmp2:
0x1c5: {  	_ = 	snop;
	(pc) =	sbr.rel @p0 .LBB2_1-.Ltmp2, $3  }
0x1c6: {  	_ =	sdelay $0x1  }
0x1c7: {  	s8 =	simm.s32 $0x3980;
	[sflag:s6] =	ssyncset.done $0x0  }
0x1c8: {  	s11 =	simm.s32 $0x5980;
	[sflag:s6] =	ssyncadd.s32 $0xFFFFE000;
	s14 =	simm.s32 $0x7980  }
0x1c9: {  	_ =	sfence.sel $0x180000  }
0x1ca: {  	[bflag:$0x0] =	sbarrier.arrive $0xFFFF  }
0x1cb: {  	_ =	strace $0x90000047  }
0x1cc: {  	s0 =	stileid.u32;
	[bflag:$0x2] =	sbarrier.arrive $0xFFFF  }
0x1cd: {  	p0 =	sne.s32 s0, $0x0;
	s0 =	rddreg [dreg:$0x3]  }
0x1ce: {  	s0 =	sadd.s32 @!p0 $0x100000, s0  }
0x1cf: {  	[sflag:s0] =	ssyncadd.tile.s32 @!p0 $0x1;
	_ =	shalt  }
.Lfunc_end2:
_tile_overlayer_lowered:
.L_overlay_start_2:
0x1d0: {  	(tag) =	ssettag $0x2  }
0x1d1: {  	s0 =	rddreg [dreg:$0x0];
	s2 =	stileid.u32  }
0x1d2: {  	s1 =	rddreg [dreg:$0x1];
	p0 =	sne.s32 s2, $0x0  }
0x1d3: {  	s3 =	rddreg [dreg:$0x2];
	[bflag:$0x3] =	sbarrier.arrive $0xFFFF;
	s2 =	simm.s32 @!p0 $0x1C15  }
0x1d4: {  	[timem:s3], [sflag:s2] =	dma.local @!p0 [hbm:s0], s1  }
0x1d5: {  	s0 =	simm.s32 @!p0 $0x15  }
0x1d6: {  	_ =	swait.ge @!p0 [sflag:s0], s1  }
0x1d7: {  	s1 =	ssub.s32 @!p0 $0x0, s1;
	[sflag:s0] =	ssyncset.done @!p0 $0x0  }
0x1d8: {  	[sflag:s0] =	ssyncadd.s32 @!p0 s1  }
0x1d9: {  	[bflag:$0x3] =	sbarrier.arrive $0xFFFF  }
0x1da: {  	_ =	shalt  }

</sc_bundles>
